<compile_context>
chip_gen: v7x
topology: tpu7x:2x2x1
jax: 0.10.2.dev20260603
libtpu: 0.0.44.dev20260713+nightly
codegen_flags: <defaults>
</compile_context>

<pallas_src>
import functools

import jax
import jax.numpy as jnp
from jax import lax
from jax.experimental import pallas as pl
from jax.experimental.pallas import tpu as pltpu
from jax.experimental.pallas import tpu_sc as plsc

_G = 64
_EPS = 1e-5
_NC = 2
_NS = 16
_CH = 128


def _round_up(a, b):
    return (a + b - 1) // b * b


@functools.cache
def _make_edge_agg(n_rows, n_chunks, hh):
    rpt = n_rows // _NS
    nz = rpt // _CH
    npairs = n_chunks // 2
    mesh = plsc.VectorSubcoreMesh(core_axis_name="c", subcore_axis_name="s")

    def body(x_hbm, src_hbm, dst_hbm, out_hbm,
             src_v, dst_v, rows_a, rows_b, zbuf, agg, sem_a, sem_b):
        c = lax.axis_index("c")
        s = lax.axis_index("s")

        def _zrow(r, carry):
            for cc in range(hh // 16):
                zbuf[r, pl.ds(cc * 16, 16)] = jnp.zeros((16,), jnp.float32)
            return carry
        lax.fori_loop(0, _CH, _zrow, 0)
        for k in range(nz):
            pltpu.sync_copy(zbuf, agg.at[pl.ds(s * rpt + k * _CH, _CH)])
        plsc.subcore_barrier()

        pltpu.sync_copy(src_hbm.at[c, s], src_v)
        pltpu.sync_copy(dst_hbm.at[s], dst_v)

        pltpu.async_copy(x_hbm.at[src_v.at[0]], rows_a, sem_a)

        def pair(p, carry):
            j = 2 * p
            pltpu.async_copy(x_hbm.at[src_v.at[j + 1]], rows_b, sem_b)
            pltpu.make_async_copy(x_hbm.at[src_v.at[j]], rows_a, sem_a).wait()
            pltpu.sync_copy(rows_a, agg.at[dst_v.at[j]], add=True)

            @pl.when(p < npairs - 1)
            def _():
                pltpu.async_copy(x_hbm.at[src_v.at[j + 2]], rows_a, sem_a)

            pltpu.make_async_copy(x_hbm.at[src_v.at[j + 1]], rows_b, sem_b).wait()
            pltpu.sync_copy(rows_b, agg.at[dst_v.at[j + 1]], add=True)
            return carry
        lax.fori_loop(0, npairs, pair, 0)

        plsc.subcore_barrier()
        pltpu.sync_copy(agg.at[pl.ds(s * rpt, rpt)],
                        out_hbm.at[c, pl.ds(s * rpt, rpt)])

    return pl.kernel(
        body,
        out_type=jax.ShapeDtypeStruct((_NC, n_rows, hh), jnp.float32),
        mesh=mesh,
        compiler_params=pltpu.CompilerParams(use_tc_tiling_on_sc=False),
        scratch_types=[
            pltpu.VMEM((n_chunks, _CH), jnp.int32),
            pltpu.VMEM((n_chunks, _CH), jnp.int32),
            pltpu.VMEM((_CH, hh), jnp.float32),
            pltpu.VMEM((_CH, hh), jnp.float32),
            pltpu.VMEM((_CH, hh), jnp.float32),
            pltpu.VMEM_SHARED((n_rows, hh), jnp.float32),
            pltpu.SemaphoreType.DMA,
            pltpu.SemaphoreType.DMA,
        ],
    )


def _stats_call(agg2, x2, w1r, b1r, w1t, b1t, nb, br, n_valid, hh):
    h = 2 * hh

    def tree_sum(t):
        r = t.shape[0]
        while r > 8:
            r //= 2
            t = t[:r] + t[r:2 * r]
        return jnp.sum(t, axis=0, keepdims=True)

    def body(a0_ref, a1_ref, x0_ref, x1_ref, w1r_, b1r_, w1t_, b1t_,
             sr, qr, st, qt):
        i = pl.program_id(0)
        a = jnp.concatenate([a0_ref[0], a1_ref[0]], axis=1)
        xv = jnp.concatenate([x0_ref[0], x1_ref[0]], axis=1)
        hr = jnp.dot(a, w1r_[...], precision=lax.Precision.HIGHEST, preferred_element_type=jnp.float32) + b1r_[...]
        ht = jnp.dot(xv, w1t_[...], precision=lax.Precision.HIGHEST, preferred_element_type=jnp.float32) + b1t_[...]
        row = lax.broadcasted_iota(jnp.int32, (br, 1), 0) + i * br
        m = (row < n_valid).astype(jnp.float32)
        hr = hr * m
        ht = ht * m

        @pl.when(i == 0)
        def _():
            sr[...] = jnp.zeros_like(sr)
            qr[...] = jnp.zeros_like(qr)
            st[...] = jnp.zeros_like(st)
            qt[...] = jnp.zeros_like(qt)

        sr[...] += tree_sum(hr)
        qr[...] += tree_sum(hr * hr)
        st[...] += tree_sum(ht)
        qt[...] += tree_sum(ht * ht)

    half = lambda which: pl.BlockSpec((1, br, hh), lambda i, w=which: (w, i, 0))
    full = lambda shape: pl.BlockSpec(shape, lambda i: tuple(0 for _ in shape))
    vec = pl.BlockSpec((1, h), lambda i: (0, 0))
    return pl.pallas_call(
        body,
        grid=(nb,),
        in_specs=[half(0), half(1), half(0), half(1),
                  full((h, h)), full((1, h)), full((h, h)), full((1, h))],
        out_specs=[vec, vec, vec, vec],
        out_shape=[jax.ShapeDtypeStruct((1, h), jnp.float32)] * 4,
    )(agg2, agg2, x2, x2, w1r, b1r, w1t, b1t)


def _transform_call(agg2, x2, stats, wts, nb, br, n_valid, hh):
    h = 2 * hh
    n_rows = x2.shape[1]
    inv_n = 1.0 / float(n_valid)

    def body(a0_ref, a1_ref, x0_ref, x1_ref, sr, qr, st, qt,
             w1r, b1r, g1r, be1r, w2r, b2r,
             w1t, b1t, g1t, be1t, w2t, b2t, out):
        def mean_den(s_ref, q_ref):
            mu = s_ref[...] * inv_n
            var = jnp.maximum(q_ref[...] * inv_n - mu * mu, 0.0)
            return mu, jnp.sqrt(var + _EPS)

        mu_r, den_r = mean_den(sr, qr)
        mu_t, den_t = mean_den(st, qt)

        a = jnp.concatenate([a0_ref[0], a1_ref[0]], axis=1)
        xv = jnp.concatenate([x0_ref[0], x1_ref[0]], axis=1)
        hr = jnp.dot(a, w1r[...], precision=lax.Precision.HIGHEST, preferred_element_type=jnp.float32) + b1r[...]
        hr = jnp.maximum(g1r[...] * (hr - mu_r) / den_r + be1r[...], 0.0)
        o = jnp.dot(hr, w2r[...], precision=lax.Precision.HIGHEST, preferred_element_type=jnp.float32) + b2r[...]
        ht = jnp.dot(xv, w1t[...], precision=lax.Precision.HIGHEST, preferred_element_type=jnp.float32) + b1t[...]
        ht = jnp.maximum(g1t[...] * (ht - mu_t) / den_t + be1t[...], 0.0)
        o = o + (jnp.dot(ht, w2t[...], precision=lax.Precision.HIGHEST, preferred_element_type=jnp.float32) + b2t[...])
        o = jnp.maximum(o, 0.0)
        out[0] = o[:, :hh]
        out[1] = o[:, hh:]

    half = lambda which: pl.BlockSpec((1, br, hh), lambda i, w=which: (w, i, 0))
    full = lambda shape: pl.BlockSpec(shape, lambda i: tuple(0 for _ in shape))
    return pl.pallas_call(
        body,
        grid=(nb,),
        in_specs=[half(0), half(1), half(0), half(1),
                  full((1, h)), full((1, h)), full((1, h)), full((1, h))]
                 + [full(w.shape) for w in wts],
        out_specs=pl.BlockSpec((2, br, hh), lambda i: (0, i, 0)),
        out_shape=jax.ShapeDtypeStruct((2, n_rows, hh), jnp.float32),
    )(agg2, agg2, x2, x2, *stats, *wts)


def _final_call(x2, batch_p, w1, b1, g, be, w2, b2):
    _, n_rows, hh = x2.shape
    c = w2.shape[1]

    def body(x_ref, b_ref, w1_, b1_, g_, be_, w2_, b2_, out):
        bv = b_ref[...]
        oh = (lax.broadcasted_iota(jnp.int32, (_G, n_rows), 0) == bv
              ).astype(jnp.float32)
        hp = lax.Precision.HIGHEST
        p0 = jnp.dot(oh, x_ref[0], precision=hp, preferred_element_type=jnp.float32)
        p1 = jnp.dot(oh, x_ref[1], precision=hp, preferred_element_type=jnp.float32)
        pooled = jnp.concatenate([p0, p1], axis=1)
        hv = jnp.dot(pooled, w1_[...], precision=lax.Precision.HIGHEST, preferred_element_type=jnp.float32) + b1_[...]
        mn = jnp.mean(hv, axis=0, keepdims=True)
        v = jnp.mean((hv - mn) ** 2, axis=0, keepdims=True)
        hn = jnp.maximum(g_[...] * (hv - mn) / jnp.sqrt(v + _EPS) + be_[...], 0.0)
        out[...] = jnp.dot(hn, w2_[...], precision=lax.Precision.HIGHEST, preferred_element_type=jnp.float32) + b2_[...]

    return pl.pallas_call(
        body,
        out_shape=jax.ShapeDtypeStruct((_G, c), jnp.float32),
    )(x2, batch_p, w1, b1, g, be, w2, b2)


def kernel(x, edge_index, batch, rel_W1, rel_b1, rel_g1, rel_be1, rel_W2,
           rel_b2, root_W1, root_b1, root_g1, root_be1, root_W2, root_b2,
           mlp_W1, mlp_b1, mlp_g, mlp_be, mlp_W2, mlp_b2):
    n, h = x.shape
    hh = h // 2
    num_layers = rel_W1.shape[0]
    e = edge_index.shape[1]

    n_rows = _round_up(n, _NS * _CH)
    e_pad = _round_up(e, 2 * _NS * _CH)
    n_chunks = e_pad // (_NS * _CH)
    pad_e = e_pad - e
    pad_rows = max(n_rows - n, 1)

    ar = jnp.arange(pad_e, dtype=jnp.int32)
    src = jnp.concatenate([edge_index[0], ar % n])
    src2 = jnp.stack([src, src + n_rows]).reshape(_NC, _NS, n_chunks, _CH)
    dst = jnp.concatenate([edge_index[1], n + ar % pad_rows]).reshape(
        _NS, n_chunks, _CH)

    xp = jnp.pad(x, ((0, n_rows - n), (0, 0)))
    x2 = jnp.stack([xp[:, :hh], xp[:, hh:]])
    batch_p = jnp.concatenate(
        [batch, jnp.full((n_rows - n,), _G, jnp.int32)]).reshape(1, n_rows)

    br = 1024
    nb = n_rows // br
    edge_agg = _make_edge_agg(n_rows, n_chunks, hh)
    row = lambda v: v.reshape(1, -1)

    for l in range(num_layers):
        agg2 = edge_agg(x2.reshape(_NC * n_rows, hh), src2, dst)
        stats = _stats_call(agg2, x2, rel_W1[l], row(rel_b1[l]),
                            root_W1[l], row(root_b1[l]), nb, br, n, hh)
        wts = (rel_W1[l], row(rel_b1[l]), row(rel_g1[l]), row(rel_be1[l]),
               rel_W2[l], row(rel_b2[l]),
               root_W1[l], row(root_b1[l]), row(root_g1[l]), row(root_be1[l]),
               root_W2[l], row(root_b2[l]))
        x2 = _transform_call(agg2, x2, stats, wts, nb, br, n, hh)

    return _final_call(x2, batch_p, mlp_W1, row(mlp_b1), row(mlp_g),
                       row(mlp_be), mlp_W2, row(mlp_b2))

# --- scband reference (transcript-rebuilt; emitter-appended) ---
"""Pipeline reference for scband-net-41918880809702 (READ-ONLY COPY).

The authoritative reference and input builder live on the scoring server;
editing this copy changes nothing except your own understanding.
"""

import jax, jax.numpy as jnp
import numpy as np

N = 10000
E = 320000
D = 128
H = 128
C = 40
L = 3
G = 64


def setup_inputs(seed: int = 0) -> dict:
    key = jax.random.key(seed)
    ks = jax.random.split(key, 24)
    inp = {}
    inp['x'] = jax.random.normal(ks[0], (N, D), dtype=jnp.float32)
    inp['edge_index'] = jax.random.randint(ks[1], (2, E), 0, N, dtype=jnp.int32)
    inp['batch'] = jnp.sort(jax.random.randint(ks[2], (N,), 0, G, dtype=jnp.int32))
    # stacked per-layer params for the 3 GraphConv layers (in=hidden=128)
    inp['rel_W1'] = 0.1 * jax.random.normal(ks[3], (L, D, H), dtype=jnp.float32)
    inp['rel_b1'] = jnp.zeros((L, H), dtype=jnp.float32)
    inp['rel_g1'] = jnp.ones((L, H), dtype=jnp.float32)
    inp['rel_be1'] = jnp.zeros((L, H), dtype=jnp.float32)
    inp['rel_W2'] = 0.1 * jax.random.normal(ks[4], (L, H, H), dtype=jnp.float32)
    inp['rel_b2'] = jnp.zeros((L, H), dtype=jnp.float32)
    inp['root_W1'] = 0.1 * jax.random.normal(ks[5], (L, D, H), dtype=jnp.float32)
    inp['root_b1'] = jnp.zeros((L, H), dtype=jnp.float32)
    inp['root_g1'] = jnp.ones((L, H), dtype=jnp.float32)
    inp['root_be1'] = jnp.zeros((L, H), dtype=jnp.float32)
    inp['root_W2'] = 0.1 * jax.random.normal(ks[6], (L, H, H), dtype=jnp.float32)
    inp['root_b2'] = jnp.zeros((L, H), dtype=jnp.float32)
    # final MLP after global pooling
    inp['mlp_W1'] = 0.1 * jax.random.normal(ks[7], (H, H), dtype=jnp.float32)
    inp['mlp_b1'] = jnp.zeros((H,), dtype=jnp.float32)
    inp['mlp_g'] = jnp.ones((H,), dtype=jnp.float32)
    inp['mlp_be'] = jnp.zeros((H,), dtype=jnp.float32)
    inp['mlp_W2'] = 0.1 * jax.random.normal(ks[8], (H, C), dtype=jnp.float32)
    inp['mlp_b2'] = jnp.zeros((C,), dtype=jnp.float32)
    return inp


def _mlp(h, W1, b1, g, be, W2, b2):
    # torch_geometric.nn.MLP([a, b, c]) with default batch_norm + relu, plain last layer
    h = h @ W1 + b1
    m = jnp.mean(h, axis=0, keepdims=True)
    v = jnp.var(h, axis=0, keepdims=True)
    h = g * (h - m) / jnp.sqrt(v + 1e-5) + be
    h = jax.nn.relu(h)
    return h @ W2 + b2


def reference(x, edge_index, batch, rel_W1, rel_b1, rel_g1, rel_be1, rel_W2, rel_b2,
              root_W1, root_b1, root_g1, root_be1, root_W2, root_b2,
              mlp_W1, mlp_b1, mlp_g, mlp_be, mlp_W2, mlp_b2):
    src = edge_index[0]
    dst = edge_index[1]
    for l in range(L):
        msg = jnp.take(x, src, axis=0)                      # gather x_j
        agg = jax.ops.segment_sum(msg, dst, num_segments=N)  # scatter-add aggregate
        out = _mlp(agg, rel_W1[l], rel_b1[l], rel_g1[l], rel_be1[l], rel_W2[l], rel_b2[l])
        out = out + _mlp(x, root_W1[l], root_b1[l], root_g1[l], root_be1[l], root_W2[l], root_b2[l])
        x = jax.nn.relu(out)
    pooled = jax.ops.segment_sum(x, batch, num_segments=G)   # global_add_pool
    return _mlp(pooled, mlp_W1, mlp_b1, mlp_g, mlp_be, mlp_W2, mlp_b2)

if __name__ == "__main__":
    import jax
    _d = setup_inputs()
    print(jax.jit(kernel)(*tuple(_d.values())))

</pallas_src>

<mosaic_0001>
#map = affine_map<(d0, d1) -> (0, 0)>
#map1 = affine_map<(d0, d1) -> (0, 0, 0, 0)>
#map2 = affine_map<(d0, d1) -> (0, 0, 0)>
module attributes {stable_mosaic.version = 14 : i64} {
  func.func @body(%arg0: i32, %arg1: i32, %arg2: memref<20480x64xf32, #tpu.memory_space<hbm>>, %arg3: memref<2x16x158x128xi32, #tpu.memory_space<hbm>>, %arg4: memref<16x158x128xi32, #tpu.memory_space<hbm>>, %arg5: memref<2x10240x64xf32, #tpu.memory_space<hbm>>, %arg6: memref<158x128xi32, #tpu.memory_space<vmem>>, %arg7: memref<158x128xi32, #tpu.memory_space<vmem>>, %arg8: memref<128x64xf32, #tpu.memory_space<vmem>>, %arg9: memref<128x64xf32, #tpu.memory_space<vmem>>, %arg10: memref<128x64xf32, #tpu.memory_space<vmem>>, %arg11: memref<10240x64xf32, #tpu.memory_space<vmem_shared>>, %arg12: memref<!tpu.dma_semaphore, #tpu.memory_space<semaphore_mem>>, %arg13: memref<!tpu.dma_semaphore, #tpu.memory_space<semaphore_mem>>) attributes {dimension_semantics = [#tpu.dimension_semantics<core_parallel>, #tpu.dimension_semantics<subcore_parallel>], iteration_bounds = array<i64: 2, 16>, scalar_prefetch = 0 : i64, scratch_operands = 8 : i64, tpu.core_type = #tpu.core_type<sc_vector_subcore>, window_params = [{transform_indices = #map}, {transform_indices = #map1}, {transform_indices = #map2}, {transform_indices = #map2}]} {
    %scan3A = arith.constant 0 : i32
    %scan3A_0 = arith.constant 0 : i32
    %scan3A_1 = arith.constant 128 : i32
    %scan3A_2 = arith.addi %scan3A_0, %scan3A_1 : i32
    %scan3A_3 = arith.constant 1 : i32
    scf.for %scan3A_40 = %scan3A_0 to %scan3A_2 step %scan3A_3  : i32 {
      %broadcast_in_dim3A = arith.constant 0.000000e+00 : f32
      %broadcast_in_dim3A_41 = vector.broadcast %broadcast_in_dim3A : f32 to vector<16xf32>
      %swap3A = arith.index_cast %scan3A_40 : i32 to index
      %swap3A_42 = arith.constant 0 : index
      %swap3A_43 = tpu.vector_load %arg10[%swap3A, %swap3A_42] {strides = array<i32>} : memref<128x64xf32, #tpu.memory_space<vmem>>, vector<1x16xf32>,
      %swap3A_44 = vector.shape_cast %swap3A_43 : vector<1x16xf32> to vector<16xf32>
      %swap3A_45 = vector.shape_cast %broadcast_in_dim3A_41 : vector<16xf32> to vector<1x16xf32>
      tpu.vector_store %arg10[%swap3A, %swap3A_42], %swap3A_45 {strides = array<i32>} : memref<128x64xf32, #tpu.memory_space<vmem>>, vector<1x16xf32>,
      %broadcast_in_dim3A_46 = arith.constant 0.000000e+00 : f32
      %broadcast_in_dim3A_47 = vector.broadcast %broadcast_in_dim3A_46 : f32 to vector<16xf32>
      %swap3A_48 = arith.index_cast %scan3A_40 : i32 to index
      %swap3A_49 = arith.constant 16 : index
      %swap3A_50 = tpu.vector_load %arg10[%swap3A_48, %swap3A_49] {strides = array<i32>} : memref<128x64xf32, #tpu.memory_space<vmem>>, vector<1x16xf32>,
      %swap3A_51 = vector.shape_cast %swap3A_50 : vector<1x16xf32> to vector<16xf32>
      %swap3A_52 = vector.shape_cast %broadcast_in_dim3A_47 : vector<16xf32> to vector<1x16xf32>
      tpu.vector_store %arg10[%swap3A_48, %swap3A_49], %swap3A_52 {strides = array<i32>} : memref<128x64xf32, #tpu.memory_space<vmem>>, vector<1x16xf32>,
      %broadcast_in_dim3A_53 = arith.constant 0.000000e+00 : f32
      %broadcast_in_dim3A_54 = vector.broadcast %broadcast_in_dim3A_53 : f32 to vector<16xf32>
      %swap3A_55 = arith.index_cast %scan3A_40 : i32 to index
      %swap3A_56 = arith.constant 32 : index
      %swap3A_57 = tpu.vector_load %arg10[%swap3A_55, %swap3A_56] {strides = array<i32>} : memref<128x64xf32, #tpu.memory_space<vmem>>, vector<1x16xf32>,
      %swap3A_58 = vector.shape_cast %swap3A_57 : vector<1x16xf32> to vector<16xf32>
      %swap3A_59 = vector.shape_cast %broadcast_in_dim3A_54 : vector<16xf32> to vector<1x16xf32>
      tpu.vector_store %arg10[%swap3A_55, %swap3A_56], %swap3A_59 {strides = array<i32>} : memref<128x64xf32, #tpu.memory_space<vmem>>, vector<1x16xf32>,
      %broadcast_in_dim3A_60 = arith.constant 0.000000e+00 : f32
      %broadcast_in_dim3A_61 = vector.broadcast %broadcast_in_dim3A_60 : f32 to vector<16xf32>
      %swap3A_62 = arith.index_cast %scan3A_40 : i32 to index
      %swap3A_63 = arith.constant 48 : index
      %swap3A_64 = tpu.vector_load %arg10[%swap3A_62, %swap3A_63] {strides = array<i32>} : memref<128x64xf32, #tpu.memory_space<vmem>>, vector<1x16xf32>,
      %swap3A_65 = vector.shape_cast %swap3A_64 : vector<1x16xf32> to vector<16xf32>
      %swap3A_66 = vector.shape_cast %broadcast_in_dim3A_61 : vector<16xf32> to vector<1x16xf32>
      tpu.vector_store %arg10[%swap3A_62, %swap3A_63], %swap3A_66 {strides = array<i32>} : memref<128x64xf32, #tpu.memory_space<vmem>>, vector<1x16xf32>,
    }
    %scan3A_4 = arith.constant 128 : i32
    %mul3A = arith.constant 640 : i32
    %mul3A_5 = arith.muli %arg1, %mul3A : i32
    %add3A = arith.constant 0 : i32
    %add3A_6 = arith.addi %mul3A_5, %add3A : i32
    "tpu.region"() ({
      %run_scoped3A = tpu.sem_alloc : memref<!tpu.dma_semaphore, #tpu.memory_space<semaphore_mem>>
      %dma_start3A_40 = arith.constant 0 : i32
      %dma_start3A_41 = tpu.memref_slice %arg11[%add3A_6, %dma_start3A_40] : memref<10240x64xf32, #tpu.memory_space<vmem_shared>> -> memref<128x64xf32, #tpu.memory_space<vmem_shared>>
      %dma_start3A_42 = arith.constant 0 : i32
      %dma_start3A_43 = tpu.memref_slice %arg11[%add3A_6, %dma_start3A_42] : memref<10240x64xf32, #tpu.memory_space<vmem_shared>> -> memref<128x64xf32, #tpu.memory_space<vmem_shared>>
      tpu.enqueue_dma source(%arg10 : memref<128x64xf32, #tpu.memory_space<vmem>>) target(%dma_start3A_43 : memref<128x64xf32, #tpu.memory_space<vmem_shared>>) target_semaphore(%run_scoped3A : memref<!tpu.dma_semaphore, #tpu.memory_space<semaphore_mem>>)
      %dma_wait3A = arith.constant 0 : i32
      %dma_wait3A_44 = tpu.memref_slice %arg11[%add3A_6, %dma_wait3A] : memref<10240x64xf32, #tpu.memory_space<vmem_shared>> -> memref<128x64xf32, #tpu.memory_space<vmem_shared>>
      %dma_wait3A_45 = arith.constant 0 : i32
      %dma_wait3A_46 = tpu.memref_slice %arg11[%add3A_6, %dma_wait3A_45] : memref<10240x64xf32, #tpu.memory_space<vmem_shared>> -> memref<128x64xf32, #tpu.memory_space<vmem_shared>>
      tpu.wait_dma2 semaphore(%run_scoped3A : memref<!tpu.dma_semaphore, #tpu.memory_space<semaphore_mem>>) src(%arg10 : memref<128x64xf32, #tpu.memory_space<vmem>>) dst(%dma_wait3A_46 : memref<128x64xf32, #tpu.memory_space<vmem_shared>>)
      tpu.yield
    }) : () -> ()
    %mul3A_7 = arith.constant 640 : i32
    %mul3A_8 = arith.muli %arg1, %mul3A_7 : i32
    %add3A_9 = arith.constant 128 : i32
    %add3A_10 = arith.addi %mul3A_8, %add3A_9 : i32
    "tpu.region"() ({
      %run_scoped3A = tpu.sem_alloc : memref<!tpu.dma_semaphore, #tpu.memory_space<semaphore_mem>>
      %dma_start3A_40 = arith.constant 0 : i32
      %dma_start3A_41 = tpu.memref_slice %arg11[%add3A_10, %dma_start3A_40] : memref<10240x64xf32, #tpu.memory_space<vmem_shared>> -> memref<128x64xf32, #tpu.memory_space<vmem_shared>>
      %dma_start3A_42 = arith.constant 0 : i32
      %dma_start3A_43 = tpu.memref_slice %arg11[%add3A_10, %dma_start3A_42] : memref<10240x64xf32, #tpu.memory_space<vmem_shared>> -> memref<128x64xf32, #tpu.memory_space<vmem_shared>>
      tpu.enqueue_dma source(%arg10 : memref<128x64xf32, #tpu.memory_space<vmem>>) target(%dma_start3A_43 : memref<128x64xf32, #tpu.memory_space<vmem_shared>>) target_semaphore(%run_scoped3A : memref<!tpu.dma_semaphore, #tpu.memory_space<semaphore_mem>>)
      %dma_wait3A = arith.constant 0 : i32
      %dma_wait3A_44 = tpu.memref_slice %arg11[%add3A_10, %dma_wait3A] : memref<10240x64xf32, #tpu.memory_space<vmem_shared>> -> memref<128x64xf32, #tpu.memory_space<vmem_shared>>
      %dma_wait3A_45 = arith.constant 0 : i32
      %dma_wait3A_46 = tpu.memref_slice %arg11[%add3A_10, %dma_wait3A_45] : memref<10240x64xf32, #tpu.memory_space<vmem_shared>> -> memref<128x64xf32, #tpu.memory_space<vmem_shared>>
      tpu.wait_dma2 semaphore(%run_scoped3A : memref<!tpu.dma_semaphore, #tpu.memory_space<semaphore_mem>>) src(%arg10 : memref<128x64xf32, #tpu.memory_space<vmem>>) dst(%dma_wait3A_46 : memref<128x64xf32, #tpu.memory_space<vmem_shared>>)
      tpu.yield
    }) : () -> ()
    %mul3A_11 = arith.constant 640 : i32
    %mul3A_12 = arith.muli %arg1, %mul3A_11 : i32
    %add3A_13 = arith.constant 256 : i32
    %add3A_14 = arith.addi %mul3A_12, %add3A_13 : i32
    "tpu.region"() ({
      %run_scoped3A = tpu.sem_alloc : memref<!tpu.dma_semaphore, #tpu.memory_space<semaphore_mem>>
      %dma_start3A_40 = arith.constant 0 : i32
      %dma_start3A_41 = tpu.memref_slice %arg11[%add3A_14, %dma_start3A_40] : memref<10240x64xf32, #tpu.memory_space<vmem_shared>> -> memref<128x64xf32, #tpu.memory_space<vmem_shared>>
      %dma_start3A_42 = arith.constant 0 : i32
      %dma_start3A_43 = tpu.memref_slice %arg11[%add3A_14, %dma_start3A_42] : memref<10240x64xf32, #tpu.memory_space<vmem_shared>> -> memref<128x64xf32, #tpu.memory_space<vmem_shared>>
      tpu.enqueue_dma source(%arg10 : memref<128x64xf32, #tpu.memory_space<vmem>>) target(%dma_start3A_43 : memref<128x64xf32, #tpu.memory_space<vmem_shared>>) target_semaphore(%run_scoped3A : memref<!tpu.dma_semaphore, #tpu.memory_space<semaphore_mem>>)
      %dma_wait3A = arith.constant 0 : i32
      %dma_wait3A_44 = tpu.memref_slice %arg11[%add3A_14, %dma_wait3A] : memref<10240x64xf32, #tpu.memory_space<vmem_shared>> -> memref<128x64xf32, #tpu.memory_space<vmem_shared>>
      %dma_wait3A_45 = arith.constant 0 : i32
      %dma_wait3A_46 = tpu.memref_slice %arg11[%add3A_14, %dma_wait3A_45] : memref<10240x64xf32, #tpu.memory_space<vmem_shared>> -> memref<128x64xf32, #tpu.memory_space<vmem_shared>>
      tpu.wait_dma2 semaphore(%run_scoped3A : memref<!tpu.dma_semaphore, #tpu.memory_space<semaphore_mem>>) src(%arg10 : memref<128x64xf32, #tpu.memory_space<vmem>>) dst(%dma_wait3A_46 : memref<128x64xf32, #tpu.memory_space<vmem_shared>>)
      tpu.yield
    }) : () -> ()
    %mul3A_15 = arith.constant 640 : i32
    %mul3A_16 = arith.muli %arg1, %mul3A_15 : i32
    %add3A_17 = arith.constant 384 : i32
    %add3A_18 = arith.addi %mul3A_16, %add3A_17 : i32
    "tpu.region"() ({
      %run_scoped3A = tpu.sem_alloc : memref<!tpu.dma_semaphore, #tpu.memory_space<semaphore_mem>>
      %dma_start3A_40 = arith.constant 0 : i32
      %dma_start3A_41 = tpu.memref_slice %arg11[%add3A_18, %dma_start3A_40] : memref<10240x64xf32, #tpu.memory_space<vmem_shared>> -> memref<128x64xf32, #tpu.memory_space<vmem_shared>>
      %dma_start3A_42 = arith.constant 0 : i32
      %dma_start3A_43 = tpu.memref_slice %arg11[%add3A_18, %dma_start3A_42] : memref<10240x64xf32, #tpu.memory_space<vmem_shared>> -> memref<128x64xf32, #tpu.memory_space<vmem_shared>>
      tpu.enqueue_dma source(%arg10 : memref<128x64xf32, #tpu.memory_space<vmem>>) target(%dma_start3A_43 : memref<128x64xf32, #tpu.memory_space<vmem_shared>>) target_semaphore(%run_scoped3A : memref<!tpu.dma_semaphore, #tpu.memory_space<semaphore_mem>>)
      %dma_wait3A = arith.constant 0 : i32
      %dma_wait3A_44 = tpu.memref_slice %arg11[%add3A_18, %dma_wait3A] : memref<10240x64xf32, #tpu.memory_space<vmem_shared>> -> memref<128x64xf32, #tpu.memory_space<vmem_shared>>
      %dma_wait3A_45 = arith.constant 0 : i32
      %dma_wait3A_46 = tpu.memref_slice %arg11[%add3A_18, %dma_wait3A_45] : memref<10240x64xf32, #tpu.memory_space<vmem_shared>> -> memref<128x64xf32, #tpu.memory_space<vmem_shared>>
      tpu.wait_dma2 semaphore(%run_scoped3A : memref<!tpu.dma_semaphore, #tpu.memory_space<semaphore_mem>>) src(%arg10 : memref<128x64xf32, #tpu.memory_space<vmem>>) dst(%dma_wait3A_46 : memref<128x64xf32, #tpu.memory_space<vmem_shared>>)
      tpu.yield
    }) : () -> ()
    %mul3A_19 = arith.constant 640 : i32
    %mul3A_20 = arith.muli %arg1, %mul3A_19 : i32
    %add3A_21 = arith.constant 512 : i32
    %add3A_22 = arith.addi %mul3A_20, %add3A_21 : i32
    "tpu.region"() ({
      %run_scoped3A = tpu.sem_alloc : memref<!tpu.dma_semaphore, #tpu.memory_space<semaphore_mem>>
      %dma_start3A_40 = arith.constant 0 : i32
      %dma_start3A_41 = tpu.memref_slice %arg11[%add3A_22, %dma_start3A_40] : memref<10240x64xf32, #tpu.memory_space<vmem_shared>> -> memref<128x64xf32, #tpu.memory_space<vmem_shared>>
      %dma_start3A_42 = arith.constant 0 : i32
      %dma_start3A_43 = tpu.memref_slice %arg11[%add3A_22, %dma_start3A_42] : memref<10240x64xf32, #tpu.memory_space<vmem_shared>> -> memref<128x64xf32, #tpu.memory_space<vmem_shared>>
      tpu.enqueue_dma source(%arg10 : memref<128x64xf32, #tpu.memory_space<vmem>>) target(%dma_start3A_43 : memref<128x64xf32, #tpu.memory_space<vmem_shared>>) target_semaphore(%run_scoped3A : memref<!tpu.dma_semaphore, #tpu.memory_space<semaphore_mem>>)
      %dma_wait3A = arith.constant 0 : i32
      %dma_wait3A_44 = tpu.memref_slice %arg11[%add3A_22, %dma_wait3A] : memref<10240x64xf32, #tpu.memory_space<vmem_shared>> -> memref<128x64xf32, #tpu.memory_space<vmem_shared>>
      %dma_wait3A_45 = arith.constant 0 : i32
      %dma_wait3A_46 = tpu.memref_slice %arg11[%add3A_22, %dma_wait3A_45] : memref<10240x64xf32, #tpu.memory_space<vmem_shared>> -> memref<128x64xf32, #tpu.memory_space<vmem_shared>>
      tpu.wait_dma2 semaphore(%run_scoped3A : memref<!tpu.dma_semaphore, #tpu.memory_space<semaphore_mem>>) src(%arg10 : memref<128x64xf32, #tpu.memory_space<vmem>>) dst(%dma_wait3A_46 : memref<128x64xf32, #tpu.memory_space<vmem_shared>>)
      tpu.yield
    }) : () -> ()
    %barrier3A = arith.constant 0 : index
    tpu.barrier barrier_id(%barrier3A)
    "tpu.region"() ({
      %run_scoped3A = tpu.sem_alloc : memref<!tpu.dma_semaphore, #tpu.memory_space<semaphore_mem>>
      %dma_start3A_40 = arith.constant 0 : i32
      %dma_start3A_41 = arith.constant 0 : i32
      %dma_start3A_42 = tpu.memref_slice %arg3[%arg0, %arg1, %dma_start3A_40, %dma_start3A_41] : memref<2x16x158x128xi32, #tpu.memory_space<hbm>> -> memref<1x1x158x128xi32, #tpu.memory_space<hbm>>
      %dma_start3A_43 = tpu.memref_squeeze %dma_start3A_42 : memref<1x1x158x128xi32, #tpu.memory_space<hbm>> -> memref<158x128xi32, #tpu.memory_space<hbm>>
      %dma_start3A_44 = arith.constant 0 : i32
      %dma_start3A_45 = arith.constant 0 : i32
      %dma_start3A_46 = tpu.memref_slice %arg3[%arg0, %arg1, %dma_start3A_44, %dma_start3A_45] : memref<2x16x158x128xi32, #tpu.memory_space<hbm>> -> memref<1x1x158x128xi32, #tpu.memory_space<hbm>>
      %dma_start3A_47 = tpu.memref_squeeze %dma_start3A_46 : memref<1x1x158x128xi32, #tpu.memory_space<hbm>> -> memref<158x128xi32, #tpu.memory_space<hbm>>
      tpu.enqueue_dma source(%dma_start3A_47 : memref<158x128xi32, #tpu.memory_space<hbm>>) target(%arg6 : memref<158x128xi32, #tpu.memory_space<vmem>>) target_semaphore(%run_scoped3A : memref<!tpu.dma_semaphore, #tpu.memory_space<semaphore_mem>>)
      %dma_wait3A = arith.constant 0 : i32
      %dma_wait3A_48 = arith.constant 0 : i32
      %dma_wait3A_49 = tpu.memref_slice %arg3[%arg0, %arg1, %dma_wait3A, %dma_wait3A_48] : memref<2x16x158x128xi32, #tpu.memory_space<hbm>> -> memref<1x1x158x128xi32, #tpu.memory_space<hbm>>
      %dma_wait3A_50 = tpu.memref_squeeze %dma_wait3A_49 : memref<1x1x158x128xi32, #tpu.memory_space<hbm>> -> memref<158x128xi32, #tpu.memory_space<hbm>>
      %dma_wait3A_51 = arith.constant 0 : i32
      %dma_wait3A_52 = arith.constant 0 : i32
      %dma_wait3A_53 = tpu.memref_slice %arg3[%arg0, %arg1, %dma_wait3A_51, %dma_wait3A_52] : memref<2x16x158x128xi32, #tpu.memory_space<hbm>> -> memref<1x1x158x128xi32, #tpu.memory_space<hbm>>
      %dma_wait3A_54 = tpu.memref_squeeze %dma_wait3A_53 : memref<1x1x158x128xi32, #tpu.memory_space<hbm>> -> memref<158x128xi32, #tpu.memory_space<hbm>>
      tpu.wait_dma2 semaphore(%run_scoped3A : memref<!tpu.dma_semaphore, #tpu.memory_space<semaphore_mem>>) src(%dma_wait3A_54 : memref<158x128xi32, #tpu.memory_space<hbm>>) dst(%arg6 : memref<158x128xi32, #tpu.memory_space<vmem>>)
      tpu.yield
    }) : () -> ()
    "tpu.region"() ({
      %run_scoped3A = tpu.sem_alloc : memref<!tpu.dma_semaphore, #tpu.memory_space<semaphore_mem>>
      %dma_start3A_40 = arith.constant 0 : i32
      %dma_start3A_41 = arith.constant 0 : i32
      %dma_start3A_42 = tpu.memref_slice %arg4[%arg1, %dma_start3A_40, %dma_start3A_41] : memref<16x158x128xi32, #tpu.memory_space<hbm>> -> memref<1x158x128xi32, #tpu.memory_space<hbm>>
      %dma_start3A_43 = tpu.memref_squeeze %dma_start3A_42 : memref<1x158x128xi32, #tpu.memory_space<hbm>> -> memref<158x128xi32, #tpu.memory_space<hbm>>
      %dma_start3A_44 = arith.constant 0 : i32
      %dma_start3A_45 = arith.constant 0 : i32
      %dma_start3A_46 = tpu.memref_slice %arg4[%arg1, %dma_start3A_44, %dma_start3A_45] : memref<16x158x128xi32, #tpu.memory_space<hbm>> -> memref<1x158x128xi32, #tpu.memory_space<hbm>>
      %dma_start3A_47 = tpu.memref_squeeze %dma_start3A_46 : memref<1x158x128xi32, #tpu.memory_space<hbm>> -> memref<158x128xi32, #tpu.memory_space<hbm>>
      tpu.enqueue_dma source(%dma_start3A_47 : memref<158x128xi32, #tpu.memory_space<hbm>>) target(%arg7 : memref<158x128xi32, #tpu.memory_space<vmem>>) target_semaphore(%run_scoped3A : memref<!tpu.dma_semaphore, #tpu.memory_space<semaphore_mem>>)
      %dma_wait3A = arith.constant 0 : i32
      %dma_wait3A_48 = arith.constant 0 : i32
      %dma_wait3A_49 = tpu.memref_slice %arg4[%arg1, %dma_wait3A, %dma_wait3A_48] : memref<16x158x128xi32, #tpu.memory_space<hbm>> -> memref<1x158x128xi32, #tpu.memory_space<hbm>>
      %dma_wait3A_50 = tpu.memref_squeeze %dma_wait3A_49 : memref<1x158x128xi32, #tpu.memory_space<hbm>> -> memref<158x128xi32, #tpu.memory_space<hbm>>
      %dma_wait3A_51 = arith.constant 0 : i32
      %dma_wait3A_52 = arith.constant 0 : i32
      %dma_wait3A_53 = tpu.memref_slice %arg4[%arg1, %dma_wait3A_51, %dma_wait3A_52] : memref<16x158x128xi32, #tpu.memory_space<hbm>> -> memref<1x158x128xi32, #tpu.memory_space<hbm>>
      %dma_wait3A_54 = tpu.memref_squeeze %dma_wait3A_53 : memref<1x158x128xi32, #tpu.memory_space<hbm>> -> memref<158x128xi32, #tpu.memory_space<hbm>>
      tpu.wait_dma2 semaphore(%run_scoped3A : memref<!tpu.dma_semaphore, #tpu.memory_space<semaphore_mem>>) src(%dma_wait3A_54 : memref<158x128xi32, #tpu.memory_space<hbm>>) dst(%arg7 : memref<158x128xi32, #tpu.memory_space<vmem>>)
      tpu.yield
    }) : () -> ()
    %dma_start3A = arith.constant 0 : i32
    %dma_start3A_23 = arith.constant 0 : i32
    %dma_start3A_24 = tpu.memref_slice %arg6[%dma_start3A, %dma_start3A_23] : memref<158x128xi32, #tpu.memory_space<vmem>> -> memref<1x128xi32, #tpu.memory_space<vmem>>
    %dma_start3A_25 = tpu.memref_squeeze %dma_start3A_24 : memref<1x128xi32, #tpu.memory_space<vmem>> -> memref<128xi32, #tpu.memory_space<vmem>>
    %dma_start3A_26 = arith.constant 0 : i32
    %dma_start3A_27 = arith.constant 0 : i32
    %dma_start3A_28 = tpu.memref_slice %arg2[%dma_start3A_26, %dma_start3A_27] : memref<20480x64xf32, #tpu.memory_space<hbm>> -> memref<20480x64xf32, #tpu.memory_space<hbm>>
    tpu.enqueue_indirect_dma source(%dma_start3A_28 : memref<20480x64xf32, #tpu.memory_space<hbm>>) target(%arg8 : memref<128x64xf32, #tpu.memory_space<vmem>>) offsets(%dma_start3A_25 : memref<128xi32, #tpu.memory_space<vmem>>) semaphore(%arg12 : memref<!tpu.dma_semaphore, #tpu.memory_space<semaphore_mem>>)
    %scan3A_29 = arith.constant 0 : i32
    %scan3A_30 = arith.constant 0 : i32
    %scan3A_31 = arith.constant 79 : i32
    %scan3A_32 = arith.addi %scan3A_30, %scan3A_31 : i32
    %scan3A_33 = arith.constant 1 : i32
    scf.for %scan3A_40 = %scan3A_30 to %scan3A_32 step %scan3A_33  : i32 {
      %mul3A_41 = arith.constant 2 : i32
      %mul3A_42 = arith.muli %mul3A_41, %scan3A_40 : i32
      %add3A_43 = arith.constant 1 : i32
      %add3A_44 = arith.addi %mul3A_42, %add3A_43 : i32
      %dma_start3A_45 = arith.constant 0 : i32
      %dma_start3A_46 = tpu.memref_slice %arg6[%add3A_44, %dma_start3A_45] : memref<158x128xi32, #tpu.memory_space<vmem>> -> memref<1x128xi32, #tpu.memory_space<vmem>>
      %dma_start3A_47 = tpu.memref_squeeze %dma_start3A_46 : memref<1x128xi32, #tpu.memory_space<vmem>> -> memref<128xi32, #tpu.memory_space<vmem>>
      %dma_start3A_48 = arith.constant 0 : i32
      %dma_start3A_49 = arith.constant 0 : i32
      %dma_start3A_50 = tpu.memref_slice %arg2[%dma_start3A_48, %dma_start3A_49] : memref<20480x64xf32, #tpu.memory_space<hbm>> -> memref<20480x64xf32, #tpu.memory_space<hbm>>
      tpu.enqueue_indirect_dma source(%dma_start3A_50 : memref<20480x64xf32, #tpu.memory_space<hbm>>) target(%arg9 : memref<128x64xf32, #tpu.memory_space<vmem>>) offsets(%dma_start3A_47 : memref<128xi32, #tpu.memory_space<vmem>>) semaphore(%arg13 : memref<!tpu.dma_semaphore, #tpu.memory_space<semaphore_mem>>)
      %dma_wait3A = arith.constant 0 : i32
      %dma_wait3A_51 = tpu.memref_slice %arg6[%mul3A_42, %dma_wait3A] : memref<158x128xi32, #tpu.memory_space<vmem>> -> memref<1x128xi32, #tpu.memory_space<vmem>>
      %dma_wait3A_52 = tpu.memref_squeeze %dma_wait3A_51 : memref<1x128xi32, #tpu.memory_space<vmem>> -> memref<128xi32, #tpu.memory_space<vmem>>
      %dma_wait3A_53 = arith.constant 0 : i32
      %dma_wait3A_54 = arith.constant 0 : i32
      %dma_wait3A_55 = tpu.memref_slice %arg2[%dma_wait3A_53, %dma_wait3A_54] : memref<20480x64xf32, #tpu.memory_space<hbm>> -> memref<20480x64xf32, #tpu.memory_space<hbm>>
      tpu.wait_indirect_dma semaphore(%arg12 : memref<!tpu.dma_semaphore, #tpu.memory_space<semaphore_mem>>) src(%dma_wait3A_55 : memref<20480x64xf32, #tpu.memory_space<hbm>>) dst(%arg8 : memref<128x64xf32, #tpu.memory_space<vmem>>)
      "tpu.region"() ({
        %run_scoped3A = tpu.sem_alloc : memref<!tpu.dma_semaphore, #tpu.memory_space<semaphore_mem>>
        %dma_start3A_68 = arith.constant 0 : i32
        %dma_start3A_69 = tpu.memref_slice %arg7[%mul3A_42, %dma_start3A_68] : memref<158x128xi32, #tpu.memory_space<vmem>> -> memref<1x128xi32, #tpu.memory_space<vmem>>
        %dma_start3A_70 = tpu.memref_squeeze %dma_start3A_69 : memref<1x128xi32, #tpu.memory_space<vmem>> -> memref<128xi32, #tpu.memory_space<vmem>>
        %dma_start3A_71 = arith.constant 0 : i32
        %dma_start3A_72 = arith.constant 0 : i32
        %dma_start3A_73 = tpu.memref_slice %arg11[%dma_start3A_71, %dma_start3A_72] : memref<10240x64xf32, #tpu.memory_space<vmem_shared>> -> memref<10240x64xf32, #tpu.memory_space<vmem_shared>>
        tpu.enqueue_indirect_dma source(%arg8 : memref<128x64xf32, #tpu.memory_space<vmem>>) target(%dma_start3A_73 : memref<10240x64xf32, #tpu.memory_space<vmem_shared>>) offsets(%dma_start3A_70 : memref<128xi32, #tpu.memory_space<vmem>>) semaphore(%run_scoped3A : memref<!tpu.dma_semaphore, #tpu.memory_space<semaphore_mem>>) {add = true}
        %dma_wait3A_74 = arith.constant 0 : i32
        %dma_wait3A_75 = tpu.memref_slice %arg7[%mul3A_42, %dma_wait3A_74] : memref<158x128xi32, #tpu.memory_space<vmem>> -> memref<1x128xi32, #tpu.memory_space<vmem>>
        %dma_wait3A_76 = tpu.memref_squeeze %dma_wait3A_75 : memref<1x128xi32, #tpu.memory_space<vmem>> -> memref<128xi32, #tpu.memory_space<vmem>>
        %dma_wait3A_77 = arith.constant 0 : i32
        %dma_wait3A_78 = arith.constant 0 : i32
        %dma_wait3A_79 = tpu.memref_slice %arg11[%dma_wait3A_77, %dma_wait3A_78] : memref<10240x64xf32, #tpu.memory_space<vmem_shared>> -> memref<10240x64xf32, #tpu.memory_space<vmem_shared>>
        tpu.wait_indirect_dma semaphore(%run_scoped3A : memref<!tpu.dma_semaphore, #tpu.memory_space<semaphore_mem>>) src(%arg8 : memref<128x64xf32, #tpu.memory_space<vmem>>) dst(%dma_wait3A_79 : memref<10240x64xf32, #tpu.memory_space<vmem_shared>>)
        tpu.yield
      }) : () -> ()
      %lt3A = arith.constant 78 : i32
      %lt3A_56 = arith.cmpi slt, %scan3A_40, %lt3A : i32
      %convert_element_type3A = arith.extui %lt3A_56 : i1 to i32
      %cond3A = arith.constant 0 : i32
      %cond3A_57 = arith.cmpi ne, %convert_element_type3A, %cond3A : i32
      scf.if %cond3A_57 {
        %add3A_68 = arith.constant 2 : i32
        %add3A_69 = arith.addi %mul3A_42, %add3A_68 : i32
        %dma_start3A_70 = arith.constant 0 : i32
        %dma_start3A_71 = tpu.memref_slice %arg6[%add3A_69, %dma_start3A_70] : memref<158x128xi32, #tpu.memory_space<vmem>> -> memref<1x128xi32, #tpu.memory_space<vmem>>
        %dma_start3A_72 = tpu.memref_squeeze %dma_start3A_71 : memref<1x128xi32, #tpu.memory_space<vmem>> -> memref<128xi32, #tpu.memory_space<vmem>>
        %dma_start3A_73 = arith.constant 0 : i32
        %dma_start3A_74 = arith.constant 0 : i32
        %dma_start3A_75 = tpu.memref_slice %arg2[%dma_start3A_73, %dma_start3A_74] : memref<20480x64xf32, #tpu.memory_space<hbm>> -> memref<20480x64xf32, #tpu.memory_space<hbm>>
        tpu.enqueue_indirect_dma source(%dma_start3A_75 : memref<20480x64xf32, #tpu.memory_space<hbm>>) target(%arg8 : memref<128x64xf32, #tpu.memory_space<vmem>>) offsets(%dma_start3A_72 : memref<128xi32, #tpu.memory_space<vmem>>) semaphore(%arg12 : memref<!tpu.dma_semaphore, #tpu.memory_space<semaphore_mem>>)
      } else {
      }
      %add3A_58 = arith.constant 1 : i32
      %add3A_59 = arith.addi %mul3A_42, %add3A_58 : i32
      %dma_wait3A_60 = arith.constant 0 : i32
      %dma_wait3A_61 = tpu.memref_slice %arg6[%add3A_59, %dma_wait3A_60] : memref<158x128xi32, #tpu.memory_space<vmem>> -> memref<1x128xi32, #tpu.memory_space<vmem>>
      %dma_wait3A_62 = tpu.memref_squeeze %dma_wait3A_61 : memref<1x128xi32, #tpu.memory_space<vmem>> -> memref<128xi32, #tpu.memory_space<vmem>>
      %dma_wait3A_63 = arith.constant 0 : i32
      %dma_wait3A_64 = arith.constant 0 : i32
      %dma_wait3A_65 = tpu.memref_slice %arg2[%dma_wait3A_63, %dma_wait3A_64] : memref<20480x64xf32, #tpu.memory_space<hbm>> -> memref<20480x64xf32, #tpu.memory_space<hbm>>
      tpu.wait_indirect_dma semaphore(%arg13 : memref<!tpu.dma_semaphore, #tpu.memory_space<semaphore_mem>>) src(%dma_wait3A_65 : memref<20480x64xf32, #tpu.memory_space<hbm>>) dst(%arg9 : memref<128x64xf32, #tpu.memory_space<vmem>>)
      %add3A_66 = arith.constant 1 : i32
      %add3A_67 = arith.addi %mul3A_42, %add3A_66 : i32
      "tpu.region"() ({
        %run_scoped3A = tpu.sem_alloc : memref<!tpu.dma_semaphore, #tpu.memory_space<semaphore_mem>>
        %dma_start3A_68 = arith.constant 0 : i32
        %dma_start3A_69 = tpu.memref_slice %arg7[%add3A_67, %dma_start3A_68] : memref<158x128xi32, #tpu.memory_space<vmem>> -> memref<1x128xi32, #tpu.memory_space<vmem>>
        %dma_start3A_70 = tpu.memref_squeeze %dma_start3A_69 : memref<1x128xi32, #tpu.memory_space<vmem>> -> memref<128xi32, #tpu.memory_space<vmem>>
        %dma_start3A_71 = arith.constant 0 : i32
        %dma_start3A_72 = arith.constant 0 : i32
        %dma_start3A_73 = tpu.memref_slice %arg11[%dma_start3A_71, %dma_start3A_72] : memref<10240x64xf32, #tpu.memory_space<vmem_shared>> -> memref<10240x64xf32, #tpu.memory_space<vmem_shared>>
        tpu.enqueue_indirect_dma source(%arg9 : memref<128x64xf32, #tpu.memory_space<vmem>>) target(%dma_start3A_73 : memref<10240x64xf32, #tpu.memory_space<vmem_shared>>) offsets(%dma_start3A_70 : memref<128xi32, #tpu.memory_space<vmem>>) semaphore(%run_scoped3A : memref<!tpu.dma_semaphore, #tpu.memory_space<semaphore_mem>>) {add = true}
        %dma_wait3A_74 = arith.constant 0 : i32
        %dma_wait3A_75 = tpu.memref_slice %arg7[%add3A_67, %dma_wait3A_74] : memref<158x128xi32, #tpu.memory_space<vmem>> -> memref<1x128xi32, #tpu.memory_space<vmem>>
        %dma_wait3A_76 = tpu.memref_squeeze %dma_wait3A_75 : memref<1x128xi32, #tpu.memory_space<vmem>> -> memref<128xi32, #tpu.memory_space<vmem>>
        %dma_wait3A_77 = arith.constant 0 : i32
        %dma_wait3A_78 = arith.constant 0 : i32
        %dma_wait3A_79 = tpu.memref_slice %arg11[%dma_wait3A_77, %dma_wait3A_78] : memref<10240x64xf32, #tpu.memory_space<vmem_shared>> -> memref<10240x64xf32, #tpu.memory_space<vmem_shared>>
        tpu.wait_indirect_dma semaphore(%run_scoped3A : memref<!tpu.dma_semaphore, #tpu.memory_space<semaphore_mem>>) src(%arg9 : memref<128x64xf32, #tpu.memory_space<vmem>>) dst(%dma_wait3A_79 : memref<10240x64xf32, #tpu.memory_space<vmem_shared>>)
        tpu.yield
      }) : () -> ()
    }
    %scan3A_34 = arith.constant 79 : i32
    %barrier3A_35 = arith.constant 0 : index
    tpu.barrier barrier_id(%barrier3A_35)
    %mul3A_36 = arith.constant 640 : i32
    %mul3A_37 = arith.muli %arg1, %mul3A_36 : i32
    %mul3A_38 = arith.constant 640 : i32
    %mul3A_39 = arith.muli %arg1, %mul3A_38 : i32
    "tpu.region"() ({
      %run_scoped3A = tpu.sem_alloc : memref<!tpu.dma_semaphore, #tpu.memory_space<semaphore_mem>>
      %dma_start3A_40 = arith.constant 0 : i32
      %dma_start3A_41 = tpu.memref_slice %arg5[%arg0, %mul3A_39, %dma_start3A_40] : memref<2x10240x64xf32, #tpu.memory_space<hbm>> -> memref<1x640x64xf32, #tpu.memory_space<hbm>>
      %dma_start3A_42 = tpu.memref_squeeze %dma_start3A_41 : memref<1x640x64xf32, #tpu.memory_space<hbm>> -> memref<640x64xf32, #tpu.memory_space<hbm>>
      %dma_start3A_43 = arith.constant 0 : i32
      %dma_start3A_44 = tpu.memref_slice %arg11[%mul3A_37, %dma_start3A_43] : memref<10240x64xf32, #tpu.memory_space<vmem_shared>> -> memref<640x64xf32, #tpu.memory_space<vmem_shared>>
      tpu.enqueue_dma source(%dma_start3A_44 : memref<640x64xf32, #tpu.memory_space<vmem_shared>>) target(%dma_start3A_42 : memref<640x64xf32, #tpu.memory_space<hbm>>) target_semaphore(%run_scoped3A : memref<!tpu.dma_semaphore, #tpu.memory_space<semaphore_mem>>)
      %dma_wait3A = arith.constant 0 : i32
      %dma_wait3A_45 = tpu.memref_slice %arg5[%arg0, %mul3A_39, %dma_wait3A] : memref<2x10240x64xf32, #tpu.memory_space<hbm>> -> memref<1x640x64xf32, #tpu.memory_space<hbm>>
      %dma_wait3A_46 = tpu.memref_squeeze %dma_wait3A_45 : memref<1x640x64xf32, #tpu.memory_space<hbm>> -> memref<640x64xf32, #tpu.memory_space<hbm>>
      %dma_wait3A_47 = arith.constant 0 : i32
      %dma_wait3A_48 = tpu.memref_slice %arg11[%mul3A_37, %dma_wait3A_47] : memref<10240x64xf32, #tpu.memory_space<vmem_shared>> -> memref<640x64xf32, #tpu.memory_space<vmem_shared>>
      tpu.wait_dma2 semaphore(%run_scoped3A : memref<!tpu.dma_semaphore, #tpu.memory_space<semaphore_mem>>) src(%dma_wait3A_48 : memref<640x64xf32, #tpu.memory_space<vmem_shared>>) dst(%dma_wait3A_46 : memref<640x64xf32, #tpu.memory_space<hbm>>)
      tpu.yield
    }) : () -> ()
    return
  }
}

#map = affine_map<(d0, d1) -> (0, 0)>
#map1 = affine_map<(d0, d1) -> (0, 0, 0, 0)>
#map2 = affine_map<(d0, d1) -> (0, 0, 0)>
module attributes {stable_mosaic.version = 14 : i64} {
  func.func @body(%arg0: i32, %arg1: i32, %arg2: memref<20480x64xf32, #tpu.memory_space<hbm>>, %arg3: memref<2x16x158x128xi32, #tpu.memory_space<hbm>>, %arg4: memref<16x158x128xi32, #tpu.memory_space<hbm>>, %arg5: memref<2x10240x64xf32, #tpu.memory_space<hbm>>, %arg6: memref<158x128xi32, #tpu.memory_space<vmem>>, %arg7: memref<158x128xi32, #tpu.memory_space<vmem>>, %arg8: memref<128x64xf32, #tpu.memory_space<vmem>>, %arg9: memref<128x64xf32, #tpu.memory_space<vmem>>, %arg10: memref<128x64xf32, #tpu.memory_space<vmem>>, %arg11: memref<10240x64xf32, #tpu.memory_space<vmem_shared>>, %arg12: memref<!tpu.dma_semaphore, #tpu.memory_space<semaphore_mem>>, %arg13: memref<!tpu.dma_semaphore, #tpu.memory_space<semaphore_mem>>) attributes {dimension_semantics = [#tpu.dimension_semantics<core_parallel>, #tpu.dimension_semantics<subcore_parallel>], iteration_bounds = array<i64: 2, 16>, scalar_prefetch = 0 : i64, scratch_operands = 8 : i64, tpu.core_type = #tpu.core_type<sc_vector_subcore>, window_params = [{transform_indices = #map}, {transform_indices = #map1}, {transform_indices = #map2}, {transform_indices = #map2}]} {
    %scan3A = arith.constant 0 : i32
    %scan3A_0 = arith.constant 0 : i32
    %scan3A_1 = arith.constant 128 : i32
    %scan3A_2 = arith.addi %scan3A_0, %scan3A_1 : i32
    %scan3A_3 = arith.constant 1 : i32
    scf.for %scan3A_40 = %scan3A_0 to %scan3A_2 step %scan3A_3  : i32 {
      %broadcast_in_dim3A = arith.constant 0.000000e+00 : f32
      %broadcast_in_dim3A_41 = vector.broadcast %broadcast_in_dim3A : f32 to vector<16xf32>
      %swap3A = arith.index_cast %scan3A_40 : i32 to index
      %swap3A_42 = arith.constant 0 : index
      %swap3A_43 = tpu.vector_load %arg10[%swap3A, %swap3A_42] {strides = array<i32>} : memref<128x64xf32, #tpu.memory_space<vmem>>, vector<1x16xf32>,
      %swap3A_44 = vector.shape_cast %swap3A_43 : vector<1x16xf32> to vector<16xf32>
      %swap3A_45 = vector.shape_cast %broadcast_in_dim3A_41 : vector<16xf32> to vector<1x16xf32>
      tpu.vector_store %arg10[%swap3A, %swap3A_42], %swap3A_45 {strides = array<i32>} : memref<128x64xf32, #tpu.memory_space<vmem>>, vector<1x16xf32>,
      %broadcast_in_dim3A_46 = arith.constant 0.000000e+00 : f32
      %broadcast_in_dim3A_47 = vector.broadcast %broadcast_in_dim3A_46 : f32 to vector<16xf32>
      %swap3A_48 = arith.index_cast %scan3A_40 : i32 to index
      %swap3A_49 = arith.constant 16 : index
      %swap3A_50 = tpu.vector_load %arg10[%swap3A_48, %swap3A_49] {strides = array<i32>} : memref<128x64xf32, #tpu.memory_space<vmem>>, vector<1x16xf32>,
      %swap3A_51 = vector.shape_cast %swap3A_50 : vector<1x16xf32> to vector<16xf32>
      %swap3A_52 = vector.shape_cast %broadcast_in_dim3A_47 : vector<16xf32> to vector<1x16xf32>
      tpu.vector_store %arg10[%swap3A_48, %swap3A_49], %swap3A_52 {strides = array<i32>} : memref<128x64xf32, #tpu.memory_space<vmem>>, vector<1x16xf32>,
      %broadcast_in_dim3A_53 = arith.constant 0.000000e+00 : f32
      %broadcast_in_dim3A_54 = vector.broadcast %broadcast_in_dim3A_53 : f32 to vector<16xf32>
      %swap3A_55 = arith.index_cast %scan3A_40 : i32 to index
      %swap3A_56 = arith.constant 32 : index
      %swap3A_57 = tpu.vector_load %arg10[%swap3A_55, %swap3A_56] {strides = array<i32>} : memref<128x64xf32, #tpu.memory_space<vmem>>, vector<1x16xf32>,
      %swap3A_58 = vector.shape_cast %swap3A_57 : vector<1x16xf32> to vector<16xf32>
      %swap3A_59 = vector.shape_cast %broadcast_in_dim3A_54 : vector<16xf32> to vector<1x16xf32>
      tpu.vector_store %arg10[%swap3A_55, %swap3A_56], %swap3A_59 {strides = array<i32>} : memref<128x64xf32, #tpu.memory_space<vmem>>, vector<1x16xf32>,
      %broadcast_in_dim3A_60 = arith.constant 0.000000e+00 : f32
      %broadcast_in_dim3A_61 = vector.broadcast %broadcast_in_dim3A_60 : f32 to vector<16xf32>
      %swap3A_62 = arith.index_cast %scan3A_40 : i32 to index
      %swap3A_63 = arith.constant 48 : index
      %swap3A_64 = tpu.vector_load %arg10[%swap3A_62, %swap3A_63] {strides = array<i32>} : memref<128x64xf32, #tpu.memory_space<vmem>>, vector<1x16xf32>,
      %swap3A_65 = vector.shape_cast %swap3A_64 : vector<1x16xf32> to vector<16xf32>
      %swap3A_66 = vector.shape_cast %broadcast_in_dim3A_61 : vector<16xf32> to vector<1x16xf32>
      tpu.vector_store %arg10[%swap3A_62, %swap3A_63], %swap3A_66 {strides = array<i32>} : memref<128x64xf32, #tpu.memory_space<vmem>>, vector<1x16xf32>,
    }
    %scan3A_4 = arith.constant 128 : i32
    %mul3A = arith.constant 640 : i32
    %mul3A_5 = arith.muli %arg1, %mul3A : i32
    %add3A = arith.constant 0 : i32
    %add3A_6 = arith.addi %mul3A_5, %add3A : i32
    "tpu.region"() ({
      %run_scoped3A = tpu.sem_alloc : memref<!tpu.dma_semaphore, #tpu.memory_space<semaphore_mem>>
      %dma_start3A_40 = arith.constant 0 : i32
      %dma_start3A_41 = tpu.memref_slice %arg11[%add3A_6, %dma_start3A_40] : memref<10240x64xf32, #tpu.memory_space<vmem_shared>> -> memref<128x64xf32, #tpu.memory_space<vmem_shared>>
      %dma_start3A_42 = arith.constant 0 : i32
      %dma_start3A_43 = tpu.memref_slice %arg11[%add3A_6, %dma_start3A_42] : memref<10240x64xf32, #tpu.memory_space<vmem_shared>> -> memref<128x64xf32, #tpu.memory_space<vmem_shared>>
      tpu.enqueue_dma source(%arg10 : memref<128x64xf32, #tpu.memory_space<vmem>>) target(%dma_start3A_43 : memref<128x64xf32, #tpu.memory_space<vmem_shared>>) target_semaphore(%run_scoped3A : memref<!tpu.dma_semaphore, #tpu.memory_space<semaphore_mem>>)
      %dma_wait3A = arith.constant 0 : i32
      %dma_wait3A_44 = tpu.memref_slice %arg11[%add3A_6, %dma_wait3A] : memref<10240x64xf32, #tpu.memory_space<vmem_shared>> -> memref<128x64xf32, #tpu.memory_space<vmem_shared>>
      %dma_wait3A_45 = arith.constant 0 : i32
      %dma_wait3A_46 = tpu.memref_slice %arg11[%add3A_6, %dma_wait3A_45] : memref<10240x64xf32, #tpu.memory_space<vmem_shared>> -> memref<128x64xf32, #tpu.memory_space<vmem_shared>>
      tpu.wait_dma2 semaphore(%run_scoped3A : memref<!tpu.dma_semaphore, #tpu.memory_space<semaphore_mem>>) src(%arg10 : memref<128x64xf32, #tpu.memory_space<vmem>>) dst(%dma_wait3A_46 : memref<128x64xf32, #tpu.memory_space<vmem_shared>>)
      tpu.yield
    }) : () -> ()
    %mul3A_7 = arith.constant 640 : i32
    %mul3A_8 = arith.muli %arg1, %mul3A_7 : i32
    %add3A_9 = arith.constant 128 : i32
    %add3A_10 = arith.addi %mul3A_8, %add3A_9 : i32
    "tpu.region"() ({
      %run_scoped3A = tpu.sem_alloc : memref<!tpu.dma_semaphore, #tpu.memory_space<semaphore_mem>>
      %dma_start3A_40 = arith.constant 0 : i32
      %dma_start3A_41 = tpu.memref_slice %arg11[%add3A_10, %dma_start3A_40] : memref<10240x64xf32, #tpu.memory_space<vmem_shared>> -> memref<128x64xf32, #tpu.memory_space<vmem_shared>>
      %dma_start3A_42 = arith.constant 0 : i32
      %dma_start3A_43 = tpu.memref_slice %arg11[%add3A_10, %dma_start3A_42] : memref<10240x64xf32, #tpu.memory_space<vmem_shared>> -> memref<128x64xf32, #tpu.memory_space<vmem_shared>>
      tpu.enqueue_dma source(%arg10 : memref<128x64xf32, #tpu.memory_space<vmem>>) target(%dma_start3A_43 : memref<128x64xf32, #tpu.memory_space<vmem_shared>>) target_semaphore(%run_scoped3A : memref<!tpu.dma_semaphore, #tpu.memory_space<semaphore_mem>>)
      %dma_wait3A = arith.constant 0 : i32
      %dma_wait3A_44 = tpu.memref_slice %arg11[%add3A_10, %dma_wait3A] : memref<10240x64xf32, #tpu.memory_space<vmem_shared>> -> memref<128x64xf32, #tpu.memory_space<vmem_shared>>
      %dma_wait3A_45 = arith.constant 0 : i32
      %dma_wait3A_46 = tpu.memref_slice %arg11[%add3A_10, %dma_wait3A_45] : memref<10240x64xf32, #tpu.memory_space<vmem_shared>> -> memref<128x64xf32, #tpu.memory_space<vmem_shared>>
      tpu.wait_dma2 semaphore(%run_scoped3A : memref<!tpu.dma_semaphore, #tpu.memory_space<semaphore_mem>>) src(%arg10 : memref<128x64xf32, #tpu.memory_space<vmem>>) dst(%dma_wait3A_46 : memref<128x64xf32, #tpu.memory_space<vmem_shared>>)
      tpu.yield
    }) : () -> ()
    %mul3A_11 = arith.constant 640 : i32
    %mul3A_12 = arith.muli %arg1, %mul3A_11 : i32
    %add3A_13 = arith.constant 256 : i32
    %add3A_14 = arith.addi %mul3A_12, %add3A_13 : i32
    "tpu.region"() ({
      %run_scoped3A = tpu.sem_alloc : memref<!tpu.dma_semaphore, #tpu.memory_space<semaphore_mem>>
      %dma_start3A_40 = arith.constant 0 : i32
      %dma_start3A_41 = tpu.memref_slice %arg11[%add3A_14, %dma_start3A_40] : memref<10240x64xf32, #tpu.memory_space<vmem_shared>> -> memref<128x64xf32, #tpu.memory_space<vmem_shared>>
      %dma_start3A_42 = arith.constant 0 : i32
      %dma_start3A_43 = tpu.memref_slice %arg11[%add3A_14, %dma_start3A_42] : memref<10240x64xf32, #tpu.memory_space<vmem_shared>> -> memref<128x64xf32, #tpu.memory_space<vmem_shared>>
      tpu.enqueue_dma source(%arg10 : memref<128x64xf32, #tpu.memory_space<vmem>>) target(%dma_start3A_43 : memref<128x64xf32, #tpu.memory_space<vmem_shared>>) target_semaphore(%run_scoped3A : memref<!tpu.dma_semaphore, #tpu.memory_space<semaphore_mem>>)
      %dma_wait3A = arith.constant 0 : i32
      %dma_wait3A_44 = tpu.memref_slice %arg11[%add3A_14, %dma_wait3A] : memref<10240x64xf32, #tpu.memory_space<vmem_shared>> -> memref<128x64xf32, #tpu.memory_space<vmem_shared>>
      %dma_wait3A_45 = arith.constant 0 : i32
      %dma_wait3A_46 = tpu.memref_slice %arg11[%add3A_14, %dma_wait3A_45] : memref<10240x64xf32, #tpu.memory_space<vmem_shared>> -> memref<128x64xf32, #tpu.memory_space<vmem_shared>>
      tpu.wait_dma2 semaphore(%run_scoped3A : memref<!tpu.dma_semaphore, #tpu.memory_space<semaphore_mem>>) src(%arg10 : memref<128x64xf32, #tpu.memory_space<vmem>>) dst(%dma_wait3A_46 : memref<128x64xf32, #tpu.memory_space<vmem_shared>>)
      tpu.yield
    }) : () -> ()
    %mul3A_15 = arith.constant 640 : i32
    %mul3A_16 = arith.muli %arg1, %mul3A_15 : i32
    %add3A_17 = arith.constant 384 : i32
    %add3A_18 = arith.addi %mul3A_16, %add3A_17 : i32
    "tpu.region"() ({
      %run_scoped3A = tpu.sem_alloc : memref<!tpu.dma_semaphore, #tpu.memory_space<semaphore_mem>>
      %dma_start3A_40 = arith.constant 0 : i32
      %dma_start3A_41 = tpu.memref_slice %arg11[%add3A_18, %dma_start3A_40] : memref<10240x64xf32, #tpu.memory_space<vmem_shared>> -> memref<128x64xf32, #tpu.memory_space<vmem_shared>>
      %dma_start3A_42 = arith.constant 0 : i32
      %dma_start3A_43 = tpu.memref_slice %arg11[%add3A_18, %dma_start3A_42] : memref<10240x64xf32, #tpu.memory_space<vmem_shared>> -> memref<128x64xf32, #tpu.memory_space<vmem_shared>>
      tpu.enqueue_dma source(%arg10 : memref<128x64xf32, #tpu.memory_space<vmem>>) target(%dma_start3A_43 : memref<128x64xf32, #tpu.memory_space<vmem_shared>>) target_semaphore(%run_scoped3A : memref<!tpu.dma_semaphore, #tpu.memory_space<semaphore_mem>>)
      %dma_wait3A = arith.constant 0 : i32
      %dma_wait3A_44 = tpu.memref_slice %arg11[%add3A_18, %dma_wait3A] : memref<10240x64xf32, #tpu.memory_space<vmem_shared>> -> memref<128x64xf32, #tpu.memory_space<vmem_shared>>
      %dma_wait3A_45 = arith.constant 0 : i32
      %dma_wait3A_46 = tpu.memref_slice %arg11[%add3A_18, %dma_wait3A_45] : memref<10240x64xf32, #tpu.memory_space<vmem_shared>> -> memref<128x64xf32, #tpu.memory_space<vmem_shared>>
      tpu.wait_dma2 semaphore(%run_scoped3A : memref<!tpu.dma_semaphore, #tpu.memory_space<semaphore_mem>>) src(%arg10 : memref<128x64xf32, #tpu.memory_space<vmem>>) dst(%dma_wait3A_46 : memref<128x64xf32, #tpu.memory_space<vmem_shared>>)
      tpu.yield
    }) : () -> ()
    %mul3A_19 = arith.constant 640 : i32
    %mul3A_20 = arith.muli %arg1, %mul3A_19 : i32
    %add3A_21 = arith.constant 512 : i32
    %add3A_22 = arith.addi %mul3A_20, %add3A_21 : i32
    "tpu.region"() ({
      %run_scoped3A = tpu.sem_alloc : memref<!tpu.dma_semaphore, #tpu.memory_space<semaphore_mem>>
      %dma_start3A_40 = arith.constant 0 : i32
      %dma_start3A_41 = tpu.memref_slice %arg11[%add3A_22, %dma_start3A_40] : memref<10240x64xf32, #tpu.memory_space<vmem_shared>> -> memref<128x64xf32, #tpu.memory_space<vmem_shared>>
      %dma_start3A_42 = arith.constant 0 : i32
      %dma_start3A_43 = tpu.memref_slice %arg11[%add3A_22, %dma_start3A_42] : memref<10240x64xf32, #tpu.memory_space<vmem_shared>> -> memref<128x64xf32, #tpu.memory_space<vmem_shared>>
      tpu.enqueue_dma source(%arg10 : memref<128x64xf32, #tpu.memory_space<vmem>>) target(%dma_start3A_43 : memref<128x64xf32, #tpu.memory_space<vmem_shared>>) target_semaphore(%run_scoped3A : memref<!tpu.dma_semaphore, #tpu.memory_space<semaphore_mem>>)
      %dma_wait3A = arith.constant 0 : i32
      %dma_wait3A_44 = tpu.memref_slice %arg11[%add3A_22, %dma_wait3A] : memref<10240x64xf32, #tpu.memory_space<vmem_shared>> -> memref<128x64xf32, #tpu.memory_space<vmem_shared>>
      %dma_wait3A_45 = arith.constant 0 : i32
      %dma_wait3A_46 = tpu.memref_slice %arg11[%add3A_22, %dma_wait3A_45] : memref<10240x64xf32, #tpu.memory_space<vmem_shared>> -> memref<128x64xf32, #tpu.memory_space<vmem_shared>>
      tpu.wait_dma2 semaphore(%run_scoped3A : memref<!tpu.dma_semaphore, #tpu.memory_space<semaphore_mem>>) src(%arg10 : memref<128x64xf32, #tpu.memory_space<vmem>>) dst(%dma_wait3A_46 : memref<128x64xf32, #tpu.memory_space<vmem_shared>>)
      tpu.yield
    }) : () -> ()
    %barrier3A = arith.constant 0 : index
    tpu.barrier barrier_id(%barrier3A)
    "tpu.region"() ({
      %run_scoped3A = tpu.sem_alloc : memref<!tpu.dma_semaphore, #tpu.memory_space<semaphore_mem>>
      %dma_start3A_40 = arith.constant 0 : i32
      %dma_start3A_41 = arith.constant 0 : i32
      %dma_start3A_42 = tpu.memref_slice %arg3[%arg0, %arg1, %dma_start3A_40, %dma_start3A_41] : memref<2x16x158x128xi32, #tpu.memory_space<hbm>> -> memref<1x1x158x128xi32, #tpu.memory_space<hbm>>
      %dma_start3A_43 = tpu.memref_squeeze %dma_start3A_42 : memref<1x1x158x128xi32, #tpu.memory_space<hbm>> -> memref<158x128xi32, #tpu.memory_space<hbm>>
      %dma_start3A_44 = arith.constant 0 : i32
      %dma_start3A_45 = arith.constant 0 : i32
      %dma_start3A_46 = tpu.memref_slice %arg3[%arg0, %arg1, %dma_start3A_44, %dma_start3A_45] : memref<2x16x158x128xi32, #tpu.memory_space<hbm>> -> memref<1x1x158x128xi32, #tpu.memory_space<hbm>>
      %dma_start3A_47 = tpu.memref_squeeze %dma_start3A_46 : memref<1x1x158x128xi32, #tpu.memory_space<hbm>> -> memref<158x128xi32, #tpu.memory_space<hbm>>
      tpu.enqueue_dma source(%dma_start3A_47 : memref<158x128xi32, #tpu.memory_space<hbm>>) target(%arg6 : memref<158x128xi32, #tpu.memory_space<vmem>>) target_semaphore(%run_scoped3A : memref<!tpu.dma_semaphore, #tpu.memory_space<semaphore_mem>>)
      %dma_wait3A = arith.constant 0 : i32
      %dma_wait3A_48 = arith.constant 0 : i32
      %dma_wait3A_49 = tpu.memref_slice %arg3[%arg0, %arg1, %dma_wait3A, %dma_wait3A_48] : memref<2x16x158x128xi32, #tpu.memory_space<hbm>> -> memref<1x1x158x128xi32, #tpu.memory_space<hbm>>
      %dma_wait3A_50 = tpu.memref_squeeze %dma_wait3A_49 : memref<1x1x158x128xi32, #tpu.memory_space<hbm>> -> memref<158x128xi32, #tpu.memory_space<hbm>>
      %dma_wait3A_51 = arith.constant 0 : i32
      %dma_wait3A_52 = arith.constant 0 : i32
      %dma_wait3A_53 = tpu.memref_slice %arg3[%arg0, %arg1, %dma_wait3A_51, %dma_wait3A_52] : memref<2x16x158x128xi32, #tpu.memory_space<hbm>> -> memref<1x1x158x128xi32, #tpu.memory_space<hbm>>
      %dma_wait3A_54 = tpu.memref_squeeze %dma_wait3A_53 : memref<1x1x158x128xi32, #tpu.memory_space<hbm>> -> memref<158x128xi32, #tpu.memory_space<hbm>>
      tpu.wait_dma2 semaphore(%run_scoped3A : memref<!tpu.dma_semaphore, #tpu.memory_space<semaphore_mem>>) src(%dma_wait3A_54 : memref<158x128xi32, #tpu.memory_space<hbm>>) dst(%arg6 : memref<158x128xi32, #tpu.memory_space<vmem>>)
      tpu.yield
    }) : () -> ()
    "tpu.region"() ({
      %run_scoped3A = tpu.sem_alloc : memref<!tpu.dma_semaphore, #tpu.memory_space<semaphore_mem>>
      %dma_start3A_40 = arith.constant 0 : i32
      %dma_start3A_41 = arith.constant 0 : i32
      %dma_start3A_42 = tpu.memref_slice %arg4[%arg1, %dma_start3A_40, %dma_start3A_41] : memref<16x158x128xi32, #tpu.memory_space<hbm>> -> memref<1x158x128xi32, #tpu.memory_space<hbm>>
      %dma_start3A_43 = tpu.memref_squeeze %dma_start3A_42 : memref<1x158x128xi32, #tpu.memory_space<hbm>> -> memref<158x128xi32, #tpu.memory_space<hbm>>
      %dma_start3A_44 = arith.constant 0 : i32
      %dma_start3A_45 = arith.constant 0 : i32
      %dma_start3A_46 = tpu.memref_slice %arg4[%arg1, %dma_start3A_44, %dma_start3A_45] : memref<16x158x128xi32, #tpu.memory_space<hbm>> -> memref<1x158x128xi32, #tpu.memory_space<hbm>>
      %dma_start3A_47 = tpu.memref_squeeze %dma_start3A_46 : memref<1x158x128xi32, #tpu.memory_space<hbm>> -> memref<158x128xi32, #tpu.memory_space<hbm>>
      tpu.enqueue_dma source(%dma_start3A_47 : memref<158x128xi32, #tpu.memory_space<hbm>>) target(%arg7 : memref<158x128xi32, #tpu.memory_space<vmem>>) target_semaphore(%run_scoped3A : memref<!tpu.dma_semaphore, #tpu.memory_space<semaphore_mem>>)
      %dma_wait3A = arith.constant 0 : i32
      %dma_wait3A_48 = arith.constant 0 : i32
      %dma_wait3A_49 = tpu.memref_slice %arg4[%arg1, %dma_wait3A, %dma_wait3A_48] : memref<16x158x128xi32, #tpu.memory_space<hbm>> -> memref<1x158x128xi32, #tpu.memory_space<hbm>>
      %dma_wait3A_50 = tpu.memref_squeeze %dma_wait3A_49 : memref<1x158x128xi32, #tpu.memory_space<hbm>> -> memref<158x128xi32, #tpu.memory_space<hbm>>
      %dma_wait3A_51 = arith.constant 0 : i32
      %dma_wait3A_52 = arith.constant 0 : i32
      %dma_wait3A_53 = tpu.memref_slice %arg4[%arg1, %dma_wait3A_51, %dma_wait3A_52] : memref<16x158x128xi32, #tpu.memory_space<hbm>> -> memref<1x158x128xi32, #tpu.memory_space<hbm>>
      %dma_wait3A_54 = tpu.memref_squeeze %dma_wait3A_53 : memref<1x158x128xi32, #tpu.memory_space<hbm>> -> memref<158x128xi32, #tpu.memory_space<hbm>>
      tpu.wait_dma2 semaphore(%run_scoped3A : memref<!tpu.dma_semaphore, #tpu.memory_space<semaphore_mem>>) src(%dma_wait3A_54 : memref<158x128xi32, #tpu.memory_space<hbm>>) dst(%arg7 : memref<158x128xi32, #tpu.memory_space<vmem>>)
      tpu.yield
    }) : () -> ()
    %dma_start3A = arith.constant 0 : i32
    %dma_start3A_23 = arith.constant 0 : i32
    %dma_start3A_24 = tpu.memref_slice %arg6[%dma_start3A, %dma_start3A_23] : memref<158x128xi32, #tpu.memory_space<vmem>> -> memref<1x128xi32, #tpu.memory_space<vmem>>
    %dma_start3A_25 = tpu.memref_squeeze %dma_start3A_24 : memref<1x128xi32, #tpu.memory_space<vmem>> -> memref<128xi32, #tpu.memory_space<vmem>>
    %dma_start3A_26 = arith.constant 0 : i32
    %dma_start3A_27 = arith.constant 0 : i32
    %dma_start3A_28 = tpu.memref_slice %arg2[%dma_start3A_26, %dma_start3A_27] : memref<20480x64xf32, #tpu.memory_space<hbm>> -> memref<20480x64xf32, #tpu.memory_space<hbm>>
    tpu.enqueue_indirect_dma source(%dma_start3A_28 : memref<20480x64xf32, #tpu.memory_space<hbm>>) target(%arg8 : memref<128x64xf32, #tpu.memory_space<vmem>>) offsets(%dma_start3A_25 : memref<128xi32, #tpu.memory_space<vmem>>) semaphore(%arg12 : memref<!tpu.dma_semaphore, #tpu.memory_space<semaphore_mem>>)
    %scan3A_29 = arith.constant 0 : i32
    %scan3A_30 = arith.constant 0 : i32
    %scan3A_31 = arith.constant 79 : i32
    %scan3A_32 = arith.addi %scan3A_30, %scan3A_31 : i32
    %scan3A_33 = arith.constant 1 : i32
    scf.for %scan3A_40 = %scan3A_30 to %scan3A_32 step %scan3A_33  : i32 {
      %mul3A_41 = arith.constant 2 : i32
      %mul3A_42 = arith.muli %mul3A_41, %scan3A_40 : i32
      %add3A_43 = arith.constant 1 : i32
      %add3A_44 = arith.addi %mul3A_42, %add3A_43 : i32
      %dma_start3A_45 = arith.constant 0 : i32
      %dma_start3A_46 = tpu.memref_slice %arg6[%add3A_44, %dma_start3A_45] : memref<158x128xi32, #tpu.memory_space<vmem>> -> memref<1x128xi32, #tpu.memory_space<vmem>>
      %dma_start3A_47 = tpu.memref_squeeze %dma_start3A_46 : memref<1x128xi32, #tpu.memory_space<vmem>> -> memref<128xi32, #tpu.memory_space<vmem>>
      %dma_start3A_48 = arith.constant 0 : i32
      %dma_start3A_49 = arith.constant 0 : i32
      %dma_start3A_50 = tpu.memref_slice %arg2[%dma_start3A_48, %dma_start3A_49] : memref<20480x64xf32, #tpu.memory_space<hbm>> -> memref<20480x64xf32, #tpu.memory_space<hbm>>
      tpu.enqueue_indirect_dma source(%dma_start3A_50 : memref<20480x64xf32, #tpu.memory_space<hbm>>) target(%arg9 : memref<128x64xf32, #tpu.memory_space<vmem>>) offsets(%dma_start3A_47 : memref<128xi32, #tpu.memory_space<vmem>>) semaphore(%arg13 : memref<!tpu.dma_semaphore, #tpu.memory_space<semaphore_mem>>)
      %dma_wait3A = arith.constant 0 : i32
      %dma_wait3A_51 = tpu.memref_slice %arg6[%mul3A_42, %dma_wait3A] : memref<158x128xi32, #tpu.memory_space<vmem>> -> memref<1x128xi32, #tpu.memory_space<vmem>>
      %dma_wait3A_52 = tpu.memref_squeeze %dma_wait3A_51 : memref<1x128xi32, #tpu.memory_space<vmem>> -> memref<128xi32, #tpu.memory_space<vmem>>
      %dma_wait3A_53 = arith.constant 0 : i32
      %dma_wait3A_54 = arith.constant 0 : i32
      %dma_wait3A_55 = tpu.memref_slice %arg2[%dma_wait3A_53, %dma_wait3A_54] : memref<20480x64xf32, #tpu.memory_space<hbm>> -> memref<20480x64xf32, #tpu.memory_space<hbm>>
      tpu.wait_indirect_dma semaphore(%arg12 : memref<!tpu.dma_semaphore, #tpu.memory_space<semaphore_mem>>) src(%dma_wait3A_55 : memref<20480x64xf32, #tpu.memory_space<hbm>>) dst(%arg8 : memref<128x64xf32, #tpu.memory_space<vmem>>)
      "tpu.region"() ({
        %run_scoped3A = tpu.sem_alloc : memref<!tpu.dma_semaphore, #tpu.memory_space<semaphore_mem>>
        %dma_start3A_68 = arith.constant 0 : i32
        %dma_start3A_69 = tpu.memref_slice %arg7[%mul3A_42, %dma_start3A_68] : memref<158x128xi32, #tpu.memory_space<vmem>> -> memref<1x128xi32, #tpu.memory_space<vmem>>
        %dma_start3A_70 = tpu.memref_squeeze %dma_start3A_69 : memref<1x128xi32, #tpu.memory_space<vmem>> -> memref<128xi32, #tpu.memory_space<vmem>>
        %dma_start3A_71 = arith.constant 0 : i32
        %dma_start3A_72 = arith.constant 0 : i32
        %dma_start3A_73 = tpu.memref_slice %arg11[%dma_start3A_71, %dma_start3A_72] : memref<10240x64xf32, #tpu.memory_space<vmem_shared>> -> memref<10240x64xf32, #tpu.memory_space<vmem_shared>>
        tpu.enqueue_indirect_dma source(%arg8 : memref<128x64xf32, #tpu.memory_space<vmem>>) target(%dma_start3A_73 : memref<10240x64xf32, #tpu.memory_space<vmem_shared>>) offsets(%dma_start3A_70 : memref<128xi32, #tpu.memory_space<vmem>>) semaphore(%run_scoped3A : memref<!tpu.dma_semaphore, #tpu.memory_space<semaphore_mem>>) {add = true}
        %dma_wait3A_74 = arith.constant 0 : i32
        %dma_wait3A_75 = tpu.memref_slice %arg7[%mul3A_42, %dma_wait3A_74] : memref<158x128xi32, #tpu.memory_space<vmem>> -> memref<1x128xi32, #tpu.memory_space<vmem>>
        %dma_wait3A_76 = tpu.memref_squeeze %dma_wait3A_75 : memref<1x128xi32, #tpu.memory_space<vmem>> -> memref<128xi32, #tpu.memory_space<vmem>>
        %dma_wait3A_77 = arith.constant 0 : i32
        %dma_wait3A_78 = arith.constant 0 : i32
        %dma_wait3A_79 = tpu.memref_slice %arg11[%dma_wait3A_77, %dma_wait3A_78] : memref<10240x64xf32, #tpu.memory_space<vmem_shared>> -> memref<10240x64xf32, #tpu.memory_space<vmem_shared>>
        tpu.wait_indirect_dma semaphore(%run_scoped3A : memref<!tpu.dma_semaphore, #tpu.memory_space<semaphore_mem>>) src(%arg8 : memref<128x64xf32, #tpu.memory_space<vmem>>) dst(%dma_wait3A_79 : memref<10240x64xf32, #tpu.memory_space<vmem_shared>>)
        tpu.yield
      }) : () -> ()
      %lt3A = arith.constant 78 : i32
      %lt3A_56 = arith.cmpi slt, %scan3A_40, %lt3A : i32
      %convert_element_type3A = arith.extui %lt3A_56 : i1 to i32
      %cond3A = arith.constant 0 : i32
      %cond3A_57 = arith.cmpi ne, %convert_element_type3A, %cond3A : i32
      scf.if %cond3A_57 {
        %add3A_68 = arith.constant 2 : i32
        %add3A_69 = arith.addi %mul3A_42, %add3A_68 : i32
        %dma_start3A_70 = arith.constant 0 : i32
        %dma_start3A_71 = tpu.memref_slice %arg6[%add3A_69, %dma_start3A_70] : memref<158x128xi32, #tpu.memory_space<vmem>> -> memref<1x128xi32, #tpu.memory_space<vmem>>
        %dma_start3A_72 = tpu.memref_squeeze %dma_start3A_71 : memref<1x128xi32, #tpu.memory_space<vmem>> -> memref<128xi32, #tpu.memory_space<vmem>>
        %dma_start3A_73 = arith.constant 0 : i32
        %dma_start3A_74 = arith.constant 0 : i32
        %dma_start3A_75 = tpu.memref_slice %arg2[%dma_start3A_73, %dma_start3A_74] : memref<20480x64xf32, #tpu.memory_space<hbm>> -> memref<20480x64xf32, #tpu.memory_space<hbm>>
        tpu.enqueue_indirect_dma source(%dma_start3A_75 : memref<20480x64xf32, #tpu.memory_space<hbm>>) target(%arg8 : memref<128x64xf32, #tpu.memory_space<vmem>>) offsets(%dma_start3A_72 : memref<128xi32, #tpu.memory_space<vmem>>) semaphore(%arg12 : memref<!tpu.dma_semaphore, #tpu.memory_space<semaphore_mem>>)
      } else {
      }
      %add3A_58 = arith.constant 1 : i32
      %add3A_59 = arith.addi %mul3A_42, %add3A_58 : i32
      %dma_wait3A_60 = arith.constant 0 : i32
      %dma_wait3A_61 = tpu.memref_slice %arg6[%add3A_59, %dma_wait3A_60] : memref<158x128xi32, #tpu.memory_space<vmem>> -> memref<1x128xi32, #tpu.memory_space<vmem>>
      %dma_wait3A_62 = tpu.memref_squeeze %dma_wait3A_61 : memref<1x128xi32, #tpu.memory_space<vmem>> -> memref<128xi32, #tpu.memory_space<vmem>>
      %dma_wait3A_63 = arith.constant 0 : i32
      %dma_wait3A_64 = arith.constant 0 : i32
      %dma_wait3A_65 = tpu.memref_slice %arg2[%dma_wait3A_63, %dma_wait3A_64] : memref<20480x64xf32, #tpu.memory_space<hbm>> -> memref<20480x64xf32, #tpu.memory_space<hbm>>
      tpu.wait_indirect_dma semaphore(%arg13 : memref<!tpu.dma_semaphore, #tpu.memory_space<semaphore_mem>>) src(%dma_wait3A_65 : memref<20480x64xf32, #tpu.memory_space<hbm>>) dst(%arg9 : memref<128x64xf32, #tpu.memory_space<vmem>>)
      %add3A_66 = arith.constant 1 : i32
      %add3A_67 = arith.addi %mul3A_42, %add3A_66 : i32
      "tpu.region"() ({
        %run_scoped3A = tpu.sem_alloc : memref<!tpu.dma_semaphore, #tpu.memory_space<semaphore_mem>>
        %dma_start3A_68 = arith.constant 0 : i32
        %dma_start3A_69 = tpu.memref_slice %arg7[%add3A_67, %dma_start3A_68] : memref<158x128xi32, #tpu.memory_space<vmem>> -> memref<1x128xi32, #tpu.memory_space<vmem>>
        %dma_start3A_70 = tpu.memref_squeeze %dma_start3A_69 : memref<1x128xi32, #tpu.memory_space<vmem>> -> memref<128xi32, #tpu.memory_space<vmem>>
        %dma_start3A_71 = arith.constant 0 : i32
        %dma_start3A_72 = arith.constant 0 : i32
        %dma_start3A_73 = tpu.memref_slice %arg11[%dma_start3A_71, %dma_start3A_72] : memref<10240x64xf32, #tpu.memory_space<vmem_shared>> -> memref<10240x64xf32, #tpu.memory_space<vmem_shared>>
        tpu.enqueue_indirect_dma source(%arg9 : memref<128x64xf32, #tpu.memory_space<vmem>>) target(%dma_start3A_73 : memref<10240x64xf32, #tpu.memory_space<vmem_shared>>) offsets(%dma_start3A_70 : memref<128xi32, #tpu.memory_space<vmem>>) semaphore(%run_scoped3A : memref<!tpu.dma_semaphore, #tpu.memory_space<semaphore_mem>>) {add = true}
        %dma_wait3A_74 = arith.constant 0 : i32
        %dma_wait3A_75 = tpu.memref_slice %arg7[%add3A_67, %dma_wait3A_74] : memref<158x128xi32, #tpu.memory_space<vmem>> -> memref<1x128xi32, #tpu.memory_space<vmem>>
        %dma_wait3A_76 = tpu.memref_squeeze %dma_wait3A_75 : memref<1x128xi32, #tpu.memory_space<vmem>> -> memref<128xi32, #tpu.memory_space<vmem>>
        %dma_wait3A_77 = arith.constant 0 : i32
        %dma_wait3A_78 = arith.constant 0 : i32
        %dma_wait3A_79 = tpu.memref_slice %arg11[%dma_wait3A_77, %dma_wait3A_78] : memref<10240x64xf32, #tpu.memory_space<vmem_shared>> -> memref<10240x64xf32, #tpu.memory_space<vmem_shared>>
        tpu.wait_indirect_dma semaphore(%run_scoped3A : memref<!tpu.dma_semaphore, #tpu.memory_space<semaphore_mem>>) src(%arg9 : memref<128x64xf32, #tpu.memory_space<vmem>>) dst(%dma_wait3A_79 : memref<10240x64xf32, #tpu.memory_space<vmem_shared>>)
        tpu.yield
      }) : () -> ()
    }
    %scan3A_34 = arith.constant 79 : i32
    %barrier3A_35 = arith.constant 0 : index
    tpu.barrier barrier_id(%barrier3A_35)
    %mul3A_36 = arith.constant 640 : i32
    %mul3A_37 = arith.muli %arg1, %mul3A_36 : i32
    %mul3A_38 = arith.constant 640 : i32
    %mul3A_39 = arith.muli %arg1, %mul3A_38 : i32
    "tpu.region"() ({
      %run_scoped3A = tpu.sem_alloc : memref<!tpu.dma_semaphore, #tpu.memory_space<semaphore_mem>>
      %dma_start3A_40 = arith.constant 0 : i32
      %dma_start3A_41 = tpu.memref_slice %arg5[%arg0, %mul3A_39, %dma_start3A_40] : memref<2x10240x64xf32, #tpu.memory_space<hbm>> -> memref<1x640x64xf32, #tpu.memory_space<hbm>>
      %dma_start3A_42 = tpu.memref_squeeze %dma_start3A_41 : memref<1x640x64xf32, #tpu.memory_space<hbm>> -> memref<640x64xf32, #tpu.memory_space<hbm>>
      %dma_start3A_43 = arith.constant 0 : i32
      %dma_start3A_44 = tpu.memref_slice %arg11[%mul3A_37, %dma_start3A_43] : memref<10240x64xf32, #tpu.memory_space<vmem_shared>> -> memref<640x64xf32, #tpu.memory_space<vmem_shared>>
      tpu.enqueue_dma source(%dma_start3A_44 : memref<640x64xf32, #tpu.memory_space<vmem_shared>>) target(%dma_start3A_42 : memref<640x64xf32, #tpu.memory_space<hbm>>) target_semaphore(%run_scoped3A : memref<!tpu.dma_semaphore, #tpu.memory_space<semaphore_mem>>)
      %dma_wait3A = arith.constant 0 : i32
      %dma_wait3A_45 = tpu.memref_slice %arg5[%arg0, %mul3A_39, %dma_wait3A] : memref<2x10240x64xf32, #tpu.memory_space<hbm>> -> memref<1x640x64xf32, #tpu.memory_space<hbm>>
      %dma_wait3A_46 = tpu.memref_squeeze %dma_wait3A_45 : memref<1x640x64xf32, #tpu.memory_space<hbm>> -> memref<640x64xf32, #tpu.memory_space<hbm>>
      %dma_wait3A_47 = arith.constant 0 : i32
      %dma_wait3A_48 = tpu.memref_slice %arg11[%mul3A_37, %dma_wait3A_47] : memref<10240x64xf32, #tpu.memory_space<vmem_shared>> -> memref<640x64xf32, #tpu.memory_space<vmem_shared>>
      tpu.wait_dma2 semaphore(%run_scoped3A : memref<!tpu.dma_semaphore, #tpu.memory_space<semaphore_mem>>) src(%dma_wait3A_48 : memref<640x64xf32, #tpu.memory_space<vmem_shared>>) dst(%dma_wait3A_46 : memref<640x64xf32, #tpu.memory_space<hbm>>)
      tpu.yield
    }) : () -> ()
    return
  }
}

#map = affine_map<(d0, d1) -> (0, 0)>
#map1 = affine_map<(d0, d1) -> (0, 0, 0, 0)>
#map2 = affine_map<(d0, d1) -> (0, 0, 0)>
module attributes {stable_mosaic.version = 14 : i64} {
  func.func @body(%arg0: i32, %arg1: i32, %arg2: memref<20480x64xf32, #tpu.memory_space<hbm>>, %arg3: memref<2x16x158x128xi32, #tpu.memory_space<hbm>>, %arg4: memref<16x158x128xi32, #tpu.memory_space<hbm>>, %arg5: memref<2x10240x64xf32, #tpu.memory_space<hbm>>, %arg6: memref<158x128xi32, #tpu.memory_space<vmem>>, %arg7: memref<158x128xi32, #tpu.memory_space<vmem>>, %arg8: memref<128x64xf32, #tpu.memory_space<vmem>>, %arg9: memref<128x64xf32, #tpu.memory_space<vmem>>, %arg10: memref<128x64xf32, #tpu.memory_space<vmem>>, %arg11: memref<10240x64xf32, #tpu.memory_space<vmem_shared>>, %arg12: memref<!tpu.dma_semaphore, #tpu.memory_space<semaphore_mem>>, %arg13: memref<!tpu.dma_semaphore, #tpu.memory_space<semaphore_mem>>) attributes {dimension_semantics = [#tpu.dimension_semantics<core_parallel>, #tpu.dimension_semantics<subcore_parallel>], iteration_bounds = array<i64: 2, 16>, scalar_prefetch = 0 : i64, scratch_operands = 8 : i64, tpu.core_type = #tpu.core_type<sc_vector_subcore>, window_params = [{transform_indices = #map}, {transform_indices = #map1}, {transform_indices = #map2}, {transform_indices = #map2}]} {
    %scan3A = arith.constant 0 : i32
    %scan3A_0 = arith.constant 0 : i32
    %scan3A_1 = arith.constant 128 : i32
    %scan3A_2 = arith.addi %scan3A_0, %scan3A_1 : i32
    %scan3A_3 = arith.constant 1 : i32
    scf.for %scan3A_40 = %scan3A_0 to %scan3A_2 step %scan3A_3  : i32 {
      %broadcast_in_dim3A = arith.constant 0.000000e+00 : f32
      %broadcast_in_dim3A_41 = vector.broadcast %broadcast_in_dim3A : f32 to vector<16xf32>
      %swap3A = arith.index_cast %scan3A_40 : i32 to index
      %swap3A_42 = arith.constant 0 : index
      %swap3A_43 = tpu.vector_load %arg10[%swap3A, %swap3A_42] {strides = array<i32>} : memref<128x64xf32, #tpu.memory_space<vmem>>, vector<1x16xf32>,
      %swap3A_44 = vector.shape_cast %swap3A_43 : vector<1x16xf32> to vector<16xf32>
      %swap3A_45 = vector.shape_cast %broadcast_in_dim3A_41 : vector<16xf32> to vector<1x16xf32>
      tpu.vector_store %arg10[%swap3A, %swap3A_42], %swap3A_45 {strides = array<i32>} : memref<128x64xf32, #tpu.memory_space<vmem>>, vector<1x16xf32>,
      %broadcast_in_dim3A_46 = arith.constant 0.000000e+00 : f32
      %broadcast_in_dim3A_47 = vector.broadcast %broadcast_in_dim3A_46 : f32 to vector<16xf32>
      %swap3A_48 = arith.index_cast %scan3A_40 : i32 to index
      %swap3A_49 = arith.constant 16 : index
      %swap3A_50 = tpu.vector_load %arg10[%swap3A_48, %swap3A_49] {strides = array<i32>} : memref<128x64xf32, #tpu.memory_space<vmem>>, vector<1x16xf32>,
      %swap3A_51 = vector.shape_cast %swap3A_50 : vector<1x16xf32> to vector<16xf32>
      %swap3A_52 = vector.shape_cast %broadcast_in_dim3A_47 : vector<16xf32> to vector<1x16xf32>
      tpu.vector_store %arg10[%swap3A_48, %swap3A_49], %swap3A_52 {strides = array<i32>} : memref<128x64xf32, #tpu.memory_space<vmem>>, vector<1x16xf32>,
      %broadcast_in_dim3A_53 = arith.constant 0.000000e+00 : f32
      %broadcast_in_dim3A_54 = vector.broadcast %broadcast_in_dim3A_53 : f32 to vector<16xf32>
      %swap3A_55 = arith.index_cast %scan3A_40 : i32 to index
      %swap3A_56 = arith.constant 32 : index
      %swap3A_57 = tpu.vector_load %arg10[%swap3A_55, %swap3A_56] {strides = array<i32>} : memref<128x64xf32, #tpu.memory_space<vmem>>, vector<1x16xf32>,
      %swap3A_58 = vector.shape_cast %swap3A_57 : vector<1x16xf32> to vector<16xf32>
      %swap3A_59 = vector.shape_cast %broadcast_in_dim3A_54 : vector<16xf32> to vector<1x16xf32>
      tpu.vector_store %arg10[%swap3A_55, %swap3A_56], %swap3A_59 {strides = array<i32>} : memref<128x64xf32, #tpu.memory_space<vmem>>, vector<1x16xf32>,
      %broadcast_in_dim3A_60 = arith.constant 0.000000e+00 : f32
      %broadcast_in_dim3A_61 = vector.broadcast %broadcast_in_dim3A_60 : f32 to vector<16xf32>
      %swap3A_62 = arith.index_cast %scan3A_40 : i32 to index
      %swap3A_63 = arith.constant 48 : index
      %swap3A_64 = tpu.vector_load %arg10[%swap3A_62, %swap3A_63] {strides = array<i32>} : memref<128x64xf32, #tpu.memory_space<vmem>>, vector<1x16xf32>,
      %swap3A_65 = vector.shape_cast %swap3A_64 : vector<1x16xf32> to vector<16xf32>
      %swap3A_66 = vector.shape_cast %broadcast_in_dim3A_61 : vector<16xf32> to vector<1x16xf32>
      tpu.vector_store %arg10[%swap3A_62, %swap3A_63], %swap3A_66 {strides = array<i32>} : memref<128x64xf32, #tpu.memory_space<vmem>>, vector<1x16xf32>,
    }
    %scan3A_4 = arith.constant 128 : i32
    %mul3A = arith.constant 640 : i32
    %mul3A_5 = arith.muli %arg1, %mul3A : i32
    %add3A = arith.constant 0 : i32
    %add3A_6 = arith.addi %mul3A_5, %add3A : i32
    "tpu.region"() ({
      %run_scoped3A = tpu.sem_alloc : memref<!tpu.dma_semaphore, #tpu.memory_space<semaphore_mem>>
      %dma_start3A_40 = arith.constant 0 : i32
      %dma_start3A_41 = tpu.memref_slice %arg11[%add3A_6, %dma_start3A_40] : memref<10240x64xf32, #tpu.memory_space<vmem_shared>> -> memref<128x64xf32, #tpu.memory_space<vmem_shared>>
      %dma_start3A_42 = arith.constant 0 : i32
      %dma_start3A_43 = tpu.memref_slice %arg11[%add3A_6, %dma_start3A_42] : memref<10240x64xf32, #tpu.memory_space<vmem_shared>> -> memref<128x64xf32, #tpu.memory_space<vmem_shared>>
      tpu.enqueue_dma source(%arg10 : memref<128x64xf32, #tpu.memory_space<vmem>>) target(%dma_start3A_43 : memref<128x64xf32, #tpu.memory_space<vmem_shared>>) target_semaphore(%run_scoped3A : memref<!tpu.dma_semaphore, #tpu.memory_space<semaphore_mem>>)
      %dma_wait3A = arith.constant 0 : i32
      %dma_wait3A_44 = tpu.memref_slice %arg11[%add3A_6, %dma_wait3A] : memref<10240x64xf32, #tpu.memory_space<vmem_shared>> -> memref<128x64xf32, #tpu.memory_space<vmem_shared>>
      %dma_wait3A_45 = arith.constant 0 : i32
      %dma_wait3A_46 = tpu.memref_slice %arg11[%add3A_6, %dma_wait3A_45] : memref<10240x64xf32, #tpu.memory_space<vmem_shared>> -> memref<128x64xf32, #tpu.memory_space<vmem_shared>>
      tpu.wait_dma2 semaphore(%run_scoped3A : memref<!tpu.dma_semaphore, #tpu.memory_space<semaphore_mem>>) src(%arg10 : memref<128x64xf32, #tpu.memory_space<vmem>>) dst(%dma_wait3A_46 : memref<128x64xf32, #tpu.memory_space<vmem_shared>>)
      tpu.yield
    }) : () -> ()
    %mul3A_7 = arith.constant 640 : i32
    %mul3A_8 = arith.muli %arg1, %mul3A_7 : i32
    %add3A_9 = arith.constant 128 : i32
    %add3A_10 = arith.addi %mul3A_8, %add3A_9 : i32
    "tpu.region"() ({
      %run_scoped3A = tpu.sem_alloc : memref<!tpu.dma_semaphore, #tpu.memory_space<semaphore_mem>>
      %dma_start3A_40 = arith.constant 0 : i32
      %dma_start3A_41 = tpu.memref_slice %arg11[%add3A_10, %dma_start3A_40] : memref<10240x64xf32, #tpu.memory_space<vmem_shared>> -> memref<128x64xf32, #tpu.memory_space<vmem_shared>>
      %dma_start3A_42 = arith.constant 0 : i32
      %dma_start3A_43 = tpu.memref_slice %arg11[%add3A_10, %dma_start3A_42] : memref<10240x64xf32, #tpu.memory_space<vmem_shared>> -> memref<128x64xf32, #tpu.memory_space<vmem_shared>>
      tpu.enqueue_dma source(%arg10 : memref<128x64xf32, #tpu.memory_space<vmem>>) target(%dma_start3A_43 : memref<128x64xf32, #tpu.memory_space<vmem_shared>>) target_semaphore(%run_scoped3A : memref<!tpu.dma_semaphore, #tpu.memory_space<semaphore_mem>>)
      %dma_wait3A = arith.constant 0 : i32
      %dma_wait3A_44 = tpu.memref_slice %arg11[%add3A_10, %dma_wait3A] : memref<10240x64xf32, #tpu.memory_space<vmem_shared>> -> memref<128x64xf32, #tpu.memory_space<vmem_shared>>
      %dma_wait3A_45 = arith.constant 0 : i32
      %dma_wait3A_46 = tpu.memref_slice %arg11[%add3A_10, %dma_wait3A_45] : memref<10240x64xf32, #tpu.memory_space<vmem_shared>> -> memref<128x64xf32, #tpu.memory_space<vmem_shared>>
      tpu.wait_dma2 semaphore(%run_scoped3A : memref<!tpu.dma_semaphore, #tpu.memory_space<semaphore_mem>>) src(%arg10 : memref<128x64xf32, #tpu.memory_space<vmem>>) dst(%dma_wait3A_46 : memref<128x64xf32, #tpu.memory_space<vmem_shared>>)
      tpu.yield
    }) : () -> ()
    %mul3A_11 = arith.constant 640 : i32
    %mul3A_12 = arith.muli %arg1, %mul3A_11 : i32
    %add3A_13 = arith.constant 256 : i32
    %add3A_14 = arith.addi %mul3A_12, %add3A_13 : i32
    "tpu.region"() ({
      %run_scoped3A = tpu.sem_alloc : memref<!tpu.dma_semaphore, #tpu.memory_space<semaphore_mem>>
      %dma_start3A_40 = arith.constant 0 : i32
      %dma_start3A_41 = tpu.memref_slice %arg11[%add3A_14, %dma_start3A_40] : memref<10240x64xf32, #tpu.memory_space<vmem_shared>> -> memref<128x64xf32, #tpu.memory_space<vmem_shared>>
      %dma_start3A_42 = arith.constant 0 : i32
      %dma_start3A_43 = tpu.memref_slice %arg11[%add3A_14, %dma_start3A_42] : memref<10240x64xf32, #tpu.memory_space<vmem_shared>> -> memref<128x64xf32, #tpu.memory_space<vmem_shared>>
      tpu.enqueue_dma source(%arg10 : memref<128x64xf32, #tpu.memory_space<vmem>>) target(%dma_start3A_43 : memref<128x64xf32, #tpu.memory_space<vmem_shared>>) target_semaphore(%run_scoped3A : memref<!tpu.dma_semaphore, #tpu.memory_space<semaphore_mem>>)
      %dma_wait3A = arith.constant 0 : i32
      %dma_wait3A_44 = tpu.memref_slice %arg11[%add3A_14, %dma_wait3A] : memref<10240x64xf32, #tpu.memory_space<vmem_shared>> -> memref<128x64xf32, #tpu.memory_space<vmem_shared>>
      %dma_wait3A_45 = arith.constant 0 : i32
      %dma_wait3A_46 = tpu.memref_slice %arg11[%add3A_14, %dma_wait3A_45] : memref<10240x64xf32, #tpu.memory_space<vmem_shared>> -> memref<128x64xf32, #tpu.memory_space<vmem_shared>>
      tpu.wait_dma2 semaphore(%run_scoped3A : memref<!tpu.dma_semaphore, #tpu.memory_space<semaphore_mem>>) src(%arg10 : memref<128x64xf32, #tpu.memory_space<vmem>>) dst(%dma_wait3A_46 : memref<128x64xf32, #tpu.memory_space<vmem_shared>>)
      tpu.yield
    }) : () -> ()
    %mul3A_15 = arith.constant 640 : i32
    %mul3A_16 = arith.muli %arg1, %mul3A_15 : i32
    %add3A_17 = arith.constant 384 : i32
    %add3A_18 = arith.addi %mul3A_16, %add3A_17 : i32
    "tpu.region"() ({
      %run_scoped3A = tpu.sem_alloc : memref<!tpu.dma_semaphore, #tpu.memory_space<semaphore_mem>>
      %dma_start3A_40 = arith.constant 0 : i32
      %dma_start3A_41 = tpu.memref_slice %arg11[%add3A_18, %dma_start3A_40] : memref<10240x64xf32, #tpu.memory_space<vmem_shared>> -> memref<128x64xf32, #tpu.memory_space<vmem_shared>>
      %dma_start3A_42 = arith.constant 0 : i32
      %dma_start3A_43 = tpu.memref_slice %arg11[%add3A_18, %dma_start3A_42] : memref<10240x64xf32, #tpu.memory_space<vmem_shared>> -> memref<128x64xf32, #tpu.memory_space<vmem_shared>>
      tpu.enqueue_dma source(%arg10 : memref<128x64xf32, #tpu.memory_space<vmem>>) target(%dma_start3A_43 : memref<128x64xf32, #tpu.memory_space<vmem_shared>>) target_semaphore(%run_scoped3A : memref<!tpu.dma_semaphore, #tpu.memory_space<semaphore_mem>>)
      %dma_wait3A = arith.constant 0 : i32
      %dma_wait3A_44 = tpu.memref_slice %arg11[%add3A_18, %dma_wait3A] : memref<10240x64xf32, #tpu.memory_space<vmem_shared>> -> memref<128x64xf32, #tpu.memory_space<vmem_shared>>
      %dma_wait3A_45 = arith.constant 0 : i32
      %dma_wait3A_46 = tpu.memref_slice %arg11[%add3A_18, %dma_wait3A_45] : memref<10240x64xf32, #tpu.memory_space<vmem_shared>> -> memref<128x64xf32, #tpu.memory_space<vmem_shared>>
      tpu.wait_dma2 semaphore(%run_scoped3A : memref<!tpu.dma_semaphore, #tpu.memory_space<semaphore_mem>>) src(%arg10 : memref<128x64xf32, #tpu.memory_space<vmem>>) dst(%dma_wait3A_46 : memref<128x64xf32, #tpu.memory_space<vmem_shared>>)
      tpu.yield
    }) : () -> ()
    %mul3A_19 = arith.constant 640 : i32
    %mul3A_20 = arith.muli %arg1, %mul3A_19 : i32
    %add3A_21 = arith.constant 512 : i32
    %add3A_22 = arith.addi %mul3A_20, %add3A_21 : i32
    "tpu.region"() ({
      %run_scoped3A = tpu.sem_alloc : memref<!tpu.dma_semaphore, #tpu.memory_space<semaphore_mem>>
      %dma_start3A_40 = arith.constant 0 : i32
      %dma_start3A_41 = tpu.memref_slice %arg11[%add3A_22, %dma_start3A_40] : memref<10240x64xf32, #tpu.memory_space<vmem_shared>> -> memref<128x64xf32, #tpu.memory_space<vmem_shared>>
      %dma_start3A_42 = arith.constant 0 : i32
      %dma_start3A_43 = tpu.memref_slice %arg11[%add3A_22, %dma_start3A_42] : memref<10240x64xf32, #tpu.memory_space<vmem_shared>> -> memref<128x64xf32, #tpu.memory_space<vmem_shared>>
      tpu.enqueue_dma source(%arg10 : memref<128x64xf32, #tpu.memory_space<vmem>>) target(%dma_start3A_43 : memref<128x64xf32, #tpu.memory_space<vmem_shared>>) target_semaphore(%run_scoped3A : memref<!tpu.dma_semaphore, #tpu.memory_space<semaphore_mem>>)
      %dma_wait3A = arith.constant 0 : i32
      %dma_wait3A_44 = tpu.memref_slice %arg11[%add3A_22, %dma_wait3A] : memref<10240x64xf32, #tpu.memory_space<vmem_shared>> -> memref<128x64xf32, #tpu.memory_space<vmem_shared>>
      %dma_wait3A_45 = arith.constant 0 : i32
      %dma_wait3A_46 = tpu.memref_slice %arg11[%add3A_22, %dma_wait3A_45] : memref<10240x64xf32, #tpu.memory_space<vmem_shared>> -> memref<128x64xf32, #tpu.memory_space<vmem_shared>>
      tpu.wait_dma2 semaphore(%run_scoped3A : memref<!tpu.dma_semaphore, #tpu.memory_space<semaphore_mem>>) src(%arg10 : memref<128x64xf32, #tpu.memory_space<vmem>>) dst(%dma_wait3A_46 : memref<128x64xf32, #tpu.memory_space<vmem_shared>>)
      tpu.yield
    }) : () -> ()
    %barrier3A = arith.constant 0 : index
    tpu.barrier barrier_id(%barrier3A)
    "tpu.region"() ({
      %run_scoped3A = tpu.sem_alloc : memref<!tpu.dma_semaphore, #tpu.memory_space<semaphore_mem>>
      %dma_start3A_40 = arith.constant 0 : i32
      %dma_start3A_41 = arith.constant 0 : i32
      %dma_start3A_42 = tpu.memref_slice %arg3[%arg0, %arg1, %dma_start3A_40, %dma_start3A_41] : memref<2x16x158x128xi32, #tpu.memory_space<hbm>> -> memref<1x1x158x128xi32, #tpu.memory_space<hbm>>
      %dma_start3A_43 = tpu.memref_squeeze %dma_start3A_42 : memref<1x1x158x128xi32, #tpu.memory_space<hbm>> -> memref<158x128xi32, #tpu.memory_space<hbm>>
      %dma_start3A_44 = arith.constant 0 : i32
      %dma_start3A_45 = arith.constant 0 : i32
      %dma_start3A_46 = tpu.memref_slice %arg3[%arg0, %arg1, %dma_start3A_44, %dma_start3A_45] : memref<2x16x158x128xi32, #tpu.memory_space<hbm>> -> memref<1x1x158x128xi32, #tpu.memory_space<hbm>>
      %dma_start3A_47 = tpu.memref_squeeze %dma_start3A_46 : memref<1x1x158x128xi32, #tpu.memory_space<hbm>> -> memref<158x128xi32, #tpu.memory_space<hbm>>
      tpu.enqueue_dma source(%dma_start3A_47 : memref<158x128xi32, #tpu.memory_space<hbm>>) target(%arg6 : memref<158x128xi32, #tpu.memory_space<vmem>>) target_semaphore(%run_scoped3A : memref<!tpu.dma_semaphore, #tpu.memory_space<semaphore_mem>>)
      %dma_wait3A = arith.constant 0 : i32
      %dma_wait3A_48 = arith.constant 0 : i32
      %dma_wait3A_49 = tpu.memref_slice %arg3[%arg0, %arg1, %dma_wait3A, %dma_wait3A_48] : memref<2x16x158x128xi32, #tpu.memory_space<hbm>> -> memref<1x1x158x128xi32, #tpu.memory_space<hbm>>
      %dma_wait3A_50 = tpu.memref_squeeze %dma_wait3A_49 : memref<1x1x158x128xi32, #tpu.memory_space<hbm>> -> memref<158x128xi32, #tpu.memory_space<hbm>>
      %dma_wait3A_51 = arith.constant 0 : i32
      %dma_wait3A_52 = arith.constant 0 : i32
      %dma_wait3A_53 = tpu.memref_slice %arg3[%arg0, %arg1, %dma_wait3A_51, %dma_wait3A_52] : memref<2x16x158x128xi32, #tpu.memory_space<hbm>> -> memref<1x1x158x128xi32, #tpu.memory_space<hbm>>
      %dma_wait3A_54 = tpu.memref_squeeze %dma_wait3A_53 : memref<1x1x158x128xi32, #tpu.memory_space<hbm>> -> memref<158x128xi32, #tpu.memory_space<hbm>>
      tpu.wait_dma2 semaphore(%run_scoped3A : memref<!tpu.dma_semaphore, #tpu.memory_space<semaphore_mem>>) src(%dma_wait3A_54 : memref<158x128xi32, #tpu.memory_space<hbm>>) dst(%arg6 : memref<158x128xi32, #tpu.memory_space<vmem>>)
      tpu.yield
    }) : () -> ()
    "tpu.region"() ({
      %run_scoped3A = tpu.sem_alloc : memref<!tpu.dma_semaphore, #tpu.memory_space<semaphore_mem>>
      %dma_start3A_40 = arith.constant 0 : i32
      %dma_start3A_41 = arith.constant 0 : i32
      %dma_start3A_42 = tpu.memref_slice %arg4[%arg1, %dma_start3A_40, %dma_start3A_41] : memref<16x158x128xi32, #tpu.memory_space<hbm>> -> memref<1x158x128xi32, #tpu.memory_space<hbm>>
      %dma_start3A_43 = tpu.memref_squeeze %dma_start3A_42 : memref<1x158x128xi32, #tpu.memory_space<hbm>> -> memref<158x128xi32, #tpu.memory_space<hbm>>
      %dma_start3A_44 = arith.constant 0 : i32
      %dma_start3A_45 = arith.constant 0 : i32
      %dma_start3A_46 = tpu.memref_slice %arg4[%arg1, %dma_start3A_44, %dma_start3A_45] : memref<16x158x128xi32, #tpu.memory_space<hbm>> -> memref<1x158x128xi32, #tpu.memory_space<hbm>>
      %dma_start3A_47 = tpu.memref_squeeze %dma_start3A_46 : memref<1x158x128xi32, #tpu.memory_space<hbm>> -> memref<158x128xi32, #tpu.memory_space<hbm>>
      tpu.enqueue_dma source(%dma_start3A_47 : memref<158x128xi32, #tpu.memory_space<hbm>>) target(%arg7 : memref<158x128xi32, #tpu.memory_space<vmem>>) target_semaphore(%run_scoped3A : memref<!tpu.dma_semaphore, #tpu.memory_space<semaphore_mem>>)
      %dma_wait3A = arith.constant 0 : i32
      %dma_wait3A_48 = arith.constant 0 : i32
      %dma_wait3A_49 = tpu.memref_slice %arg4[%arg1, %dma_wait3A, %dma_wait3A_48] : memref<16x158x128xi32, #tpu.memory_space<hbm>> -> memref<1x158x128xi32, #tpu.memory_space<hbm>>
      %dma_wait3A_50 = tpu.memref_squeeze %dma_wait3A_49 : memref<1x158x128xi32, #tpu.memory_space<hbm>> -> memref<158x128xi32, #tpu.memory_space<hbm>>
      %dma_wait3A_51 = arith.constant 0 : i32
      %dma_wait3A_52 = arith.constant 0 : i32
      %dma_wait3A_53 = tpu.memref_slice %arg4[%arg1, %dma_wait3A_51, %dma_wait3A_52] : memref<16x158x128xi32, #tpu.memory_space<hbm>> -> memref<1x158x128xi32, #tpu.memory_space<hbm>>
      %dma_wait3A_54 = tpu.memref_squeeze %dma_wait3A_53 : memref<1x158x128xi32, #tpu.memory_space<hbm>> -> memref<158x128xi32, #tpu.memory_space<hbm>>
      tpu.wait_dma2 semaphore(%run_scoped3A : memref<!tpu.dma_semaphore, #tpu.memory_space<semaphore_mem>>) src(%dma_wait3A_54 : memref<158x128xi32, #tpu.memory_space<hbm>>) dst(%arg7 : memref<158x128xi32, #tpu.memory_space<vmem>>)
      tpu.yield
    }) : () -> ()
    %dma_start3A = arith.constant 0 : i32
    %dma_start3A_23 = arith.constant 0 : i32
    %dma_start3A_24 = tpu.memref_slice %arg6[%dma_start3A, %dma_start3A_23] : memref<158x128xi32, #tpu.memory_space<vmem>> -> memref<1x128xi32, #tpu.memory_space<vmem>>
    %dma_start3A_25 = tpu.memref_squeeze %dma_start3A_24 : memref<1x128xi32, #tpu.memory_space<vmem>> -> memref<128xi32, #tpu.memory_space<vmem>>
    %dma_start3A_26 = arith.constant 0 : i32
    %dma_start3A_27 = arith.constant 0 : i32
    %dma_start3A_28 = tpu.memref_slice %arg2[%dma_start3A_26, %dma_start3A_27] : memref<20480x64xf32, #tpu.memory_space<hbm>> -> memref<20480x64xf32, #tpu.memory_space<hbm>>
    tpu.enqueue_indirect_dma source(%dma_start3A_28 : memref<20480x64xf32, #tpu.memory_space<hbm>>) target(%arg8 : memref<128x64xf32, #tpu.memory_space<vmem>>) offsets(%dma_start3A_25 : memref<128xi32, #tpu.memory_space<vmem>>) semaphore(%arg12 : memref<!tpu.dma_semaphore, #tpu.memory_space<semaphore_mem>>)
    %scan3A_29 = arith.constant 0 : i32
    %scan3A_30 = arith.constant 0 : i32
    %scan3A_31 = arith.constant 79 : i32
    %scan3A_32 = arith.addi %scan3A_30, %scan3A_31 : i32
    %scan3A_33 = arith.constant 1 : i32
    scf.for %scan3A_40 = %scan3A_30 to %scan3A_32 step %scan3A_33  : i32 {
      %mul3A_41 = arith.constant 2 : i32
      %mul3A_42 = arith.muli %mul3A_41, %scan3A_40 : i32
      %add3A_43 = arith.constant 1 : i32
      %add3A_44 = arith.addi %mul3A_42, %add3A_43 : i32
      %dma_start3A_45 = arith.constant 0 : i32
      %dma_start3A_46 = tpu.memref_slice %arg6[%add3A_44, %dma_start3A_45] : memref<158x128xi32, #tpu.memory_space<vmem>> -> memref<1x128xi32, #tpu.memory_space<vmem>>
      %dma_start3A_47 = tpu.memref_squeeze %dma_start3A_46 : memref<1x128xi32, #tpu.memory_space<vmem>> -> memref<128xi32, #tpu.memory_space<vmem>>
      %dma_start3A_48 = arith.constant 0 : i32
      %dma_start3A_49 = arith.constant 0 : i32
      %dma_start3A_50 = tpu.memref_slice %arg2[%dma_start3A_48, %dma_start3A_49] : memref<20480x64xf32, #tpu.memory_space<hbm>> -> memref<20480x64xf32, #tpu.memory_space<hbm>>
      tpu.enqueue_indirect_dma source(%dma_start3A_50 : memref<20480x64xf32, #tpu.memory_space<hbm>>) target(%arg9 : memref<128x64xf32, #tpu.memory_space<vmem>>) offsets(%dma_start3A_47 : memref<128xi32, #tpu.memory_space<vmem>>) semaphore(%arg13 : memref<!tpu.dma_semaphore, #tpu.memory_space<semaphore_mem>>)
      %dma_wait3A = arith.constant 0 : i32
      %dma_wait3A_51 = tpu.memref_slice %arg6[%mul3A_42, %dma_wait3A] : memref<158x128xi32, #tpu.memory_space<vmem>> -> memref<1x128xi32, #tpu.memory_space<vmem>>
      %dma_wait3A_52 = tpu.memref_squeeze %dma_wait3A_51 : memref<1x128xi32, #tpu.memory_space<vmem>> -> memref<128xi32, #tpu.memory_space<vmem>>
      %dma_wait3A_53 = arith.constant 0 : i32
      %dma_wait3A_54 = arith.constant 0 : i32
      %dma_wait3A_55 = tpu.memref_slice %arg2[%dma_wait3A_53, %dma_wait3A_54] : memref<20480x64xf32, #tpu.memory_space<hbm>> -> memref<20480x64xf32, #tpu.memory_space<hbm>>
      tpu.wait_indirect_dma semaphore(%arg12 : memref<!tpu.dma_semaphore, #tpu.memory_space<semaphore_mem>>) src(%dma_wait3A_55 : memref<20480x64xf32, #tpu.memory_space<hbm>>) dst(%arg8 : memref<128x64xf32, #tpu.memory_space<vmem>>)
      "tpu.region"() ({
        %run_scoped3A = tpu.sem_alloc : memref<!tpu.dma_semaphore, #tpu.memory_space<semaphore_mem>>
        %dma_start3A_68 = arith.constant 0 : i32
        %dma_start3A_69 = tpu.memref_slice %arg7[%mul3A_42, %dma_start3A_68] : memref<158x128xi32, #tpu.memory_space<vmem>> -> memref<1x128xi32, #tpu.memory_space<vmem>>
        %dma_start3A_70 = tpu.memref_squeeze %dma_start3A_69 : memref<1x128xi32, #tpu.memory_space<vmem>> -> memref<128xi32, #tpu.memory_space<vmem>>
        %dma_start3A_71 = arith.constant 0 : i32
        %dma_start3A_72 = arith.constant 0 : i32
        %dma_start3A_73 = tpu.memref_slice %arg11[%dma_start3A_71, %dma_start3A_72] : memref<10240x64xf32, #tpu.memory_space<vmem_shared>> -> memref<10240x64xf32, #tpu.memory_space<vmem_shared>>
        tpu.enqueue_indirect_dma source(%arg8 : memref<128x64xf32, #tpu.memory_space<vmem>>) target(%dma_start3A_73 : memref<10240x64xf32, #tpu.memory_space<vmem_shared>>) offsets(%dma_start3A_70 : memref<128xi32, #tpu.memory_space<vmem>>) semaphore(%run_scoped3A : memref<!tpu.dma_semaphore, #tpu.memory_space<semaphore_mem>>) {add = true}
        %dma_wait3A_74 = arith.constant 0 : i32
        %dma_wait3A_75 = tpu.memref_slice %arg7[%mul3A_42, %dma_wait3A_74] : memref<158x128xi32, #tpu.memory_space<vmem>> -> memref<1x128xi32, #tpu.memory_space<vmem>>
        %dma_wait3A_76 = tpu.memref_squeeze %dma_wait3A_75 : memref<1x128xi32, #tpu.memory_space<vmem>> -> memref<128xi32, #tpu.memory_space<vmem>>
        %dma_wait3A_77 = arith.constant 0 : i32
        %dma_wait3A_78 = arith.constant 0 : i32
        %dma_wait3A_79 = tpu.memref_slice %arg11[%dma_wait3A_77, %dma_wait3A_78] : memref<10240x64xf32, #tpu.memory_space<vmem_shared>> -> memref<10240x64xf32, #tpu.memory_space<vmem_shared>>
        tpu.wait_indirect_dma semaphore(%run_scoped3A : memref<!tpu.dma_semaphore, #tpu.memory_space<semaphore_mem>>) src(%arg8 : memref<128x64xf32, #tpu.memory_space<vmem>>) dst(%dma_wait3A_79 : memref<10240x64xf32, #tpu.memory_space<vmem_shared>>)
        tpu.yield
      }) : () -> ()
      %lt3A = arith.constant 78 : i32
      %lt3A_56 = arith.cmpi slt, %scan3A_40, %lt3A : i32
      %convert_element_type3A = arith.extui %lt3A_56 : i1 to i32
      %cond3A = arith.constant 0 : i32
      %cond3A_57 = arith.cmpi ne, %convert_element_type3A, %cond3A : i32
      scf.if %cond3A_57 {
        %add3A_68 = arith.constant 2 : i32
        %add3A_69 = arith.addi %mul3A_42, %add3A_68 : i32
        %dma_start3A_70 = arith.constant 0 : i32
        %dma_start3A_71 = tpu.memref_slice %arg6[%add3A_69, %dma_start3A_70] : memref<158x128xi32, #tpu.memory_space<vmem>> -> memref<1x128xi32, #tpu.memory_space<vmem>>
        %dma_start3A_72 = tpu.memref_squeeze %dma_start3A_71 : memref<1x128xi32, #tpu.memory_space<vmem>> -> memref<128xi32, #tpu.memory_space<vmem>>
        %dma_start3A_73 = arith.constant 0 : i32
        %dma_start3A_74 = arith.constant 0 : i32
        %dma_start3A_75 = tpu.memref_slice %arg2[%dma_start3A_73, %dma_start3A_74] : memref<20480x64xf32, #tpu.memory_space<hbm>> -> memref<20480x64xf32, #tpu.memory_space<hbm>>
        tpu.enqueue_indirect_dma source(%dma_start3A_75 : memref<20480x64xf32, #tpu.memory_space<hbm>>) target(%arg8 : memref<128x64xf32, #tpu.memory_space<vmem>>) offsets(%dma_start3A_72 : memref<128xi32, #tpu.memory_space<vmem>>) semaphore(%arg12 : memref<!tpu.dma_semaphore, #tpu.memory_space<semaphore_mem>>)
      } else {
      }
      %add3A_58 = arith.constant 1 : i32
      %add3A_59 = arith.addi %mul3A_42, %add3A_58 : i32
      %dma_wait3A_60 = arith.constant 0 : i32
      %dma_wait3A_61 = tpu.memref_slice %arg6[%add3A_59, %dma_wait3A_60] : memref<158x128xi32, #tpu.memory_space<vmem>> -> memref<1x128xi32, #tpu.memory_space<vmem>>
      %dma_wait3A_62 = tpu.memref_squeeze %dma_wait3A_61 : memref<1x128xi32, #tpu.memory_space<vmem>> -> memref<128xi32, #tpu.memory_space<vmem>>
      %dma_wait3A_63 = arith.constant 0 : i32
      %dma_wait3A_64 = arith.constant 0 : i32
      %dma_wait3A_65 = tpu.memref_slice %arg2[%dma_wait3A_63, %dma_wait3A_64] : memref<20480x64xf32, #tpu.memory_space<hbm>> -> memref<20480x64xf32, #tpu.memory_space<hbm>>
      tpu.wait_indirect_dma semaphore(%arg13 : memref<!tpu.dma_semaphore, #tpu.memory_space<semaphore_mem>>) src(%dma_wait3A_65 : memref<20480x64xf32, #tpu.memory_space<hbm>>) dst(%arg9 : memref<128x64xf32, #tpu.memory_space<vmem>>)
      %add3A_66 = arith.constant 1 : i32
      %add3A_67 = arith.addi %mul3A_42, %add3A_66 : i32
      "tpu.region"() ({
        %run_scoped3A = tpu.sem_alloc : memref<!tpu.dma_semaphore, #tpu.memory_space<semaphore_mem>>
        %dma_start3A_68 = arith.constant 0 : i32
        %dma_start3A_69 = tpu.memref_slice %arg7[%add3A_67, %dma_start3A_68] : memref<158x128xi32, #tpu.memory_space<vmem>> -> memref<1x128xi32, #tpu.memory_space<vmem>>
        %dma_start3A_70 = tpu.memref_squeeze %dma_start3A_69 : memref<1x128xi32, #tpu.memory_space<vmem>> -> memref<128xi32, #tpu.memory_space<vmem>>
        %dma_start3A_71 = arith.constant 0 : i32
        %dma_start3A_72 = arith.constant 0 : i32
        %dma_start3A_73 = tpu.memref_slice %arg11[%dma_start3A_71, %dma_start3A_72] : memref<10240x64xf32, #tpu.memory_space<vmem_shared>> -> memref<10240x64xf32, #tpu.memory_space<vmem_shared>>
        tpu.enqueue_indirect_dma source(%arg9 : memref<128x64xf32, #tpu.memory_space<vmem>>) target(%dma_start3A_73 : memref<10240x64xf32, #tpu.memory_space<vmem_shared>>) offsets(%dma_start3A_70 : memref<128xi32, #tpu.memory_space<vmem>>) semaphore(%run_scoped3A : memref<!tpu.dma_semaphore, #tpu.memory_space<semaphore_mem>>) {add = true}
        %dma_wait3A_74 = arith.constant 0 : i32
        %dma_wait3A_75 = tpu.memref_slice %arg7[%add3A_67, %dma_wait3A_74] : memref<158x128xi32, #tpu.memory_space<vmem>> -> memref<1x128xi32, #tpu.memory_space<vmem>>
        %dma_wait3A_76 = tpu.memref_squeeze %dma_wait3A_75 : memref<1x128xi32, #tpu.memory_space<vmem>> -> memref<128xi32, #tpu.memory_space<vmem>>
        %dma_wait3A_77 = arith.constant 0 : i32
        %dma_wait3A_78 = arith.constant 0 : i32
        %dma_wait3A_79 = tpu.memref_slice %arg11[%dma_wait3A_77, %dma_wait3A_78] : memref<10240x64xf32, #tpu.memory_space<vmem_shared>> -> memref<10240x64xf32, #tpu.memory_space<vmem_shared>>
        tpu.wait_indirect_dma semaphore(%run_scoped3A : memref<!tpu.dma_semaphore, #tpu.memory_space<semaphore_mem>>) src(%arg9 : memref<128x64xf32, #tpu.memory_space<vmem>>) dst(%dma_wait3A_79 : memref<10240x64xf32, #tpu.memory_space<vmem_shared>>)
        tpu.yield
      }) : () -> ()
    }
    %scan3A_34 = arith.constant 79 : i32
    %barrier3A_35 = arith.constant 0 : index
    tpu.barrier barrier_id(%barrier3A_35)
    %mul3A_36 = arith.constant 640 : i32
    %mul3A_37 = arith.muli %arg1, %mul3A_36 : i32
    %mul3A_38 = arith.constant 640 : i32
    %mul3A_39 = arith.muli %arg1, %mul3A_38 : i32
    "tpu.region"() ({
      %run_scoped3A = tpu.sem_alloc : memref<!tpu.dma_semaphore, #tpu.memory_space<semaphore_mem>>
      %dma_start3A_40 = arith.constant 0 : i32
      %dma_start3A_41 = tpu.memref_slice %arg5[%arg0, %mul3A_39, %dma_start3A_40] : memref<2x10240x64xf32, #tpu.memory_space<hbm>> -> memref<1x640x64xf32, #tpu.memory_space<hbm>>
      %dma_start3A_42 = tpu.memref_squeeze %dma_start3A_41 : memref<1x640x64xf32, #tpu.memory_space<hbm>> -> memref<640x64xf32, #tpu.memory_space<hbm>>
      %dma_start3A_43 = arith.constant 0 : i32
      %dma_start3A_44 = tpu.memref_slice %arg11[%mul3A_37, %dma_start3A_43] : memref<10240x64xf32, #tpu.memory_space<vmem_shared>> -> memref<640x64xf32, #tpu.memory_space<vmem_shared>>
      tpu.enqueue_dma source(%dma_start3A_44 : memref<640x64xf32, #tpu.memory_space<vmem_shared>>) target(%dma_start3A_42 : memref<640x64xf32, #tpu.memory_space<hbm>>) target_semaphore(%run_scoped3A : memref<!tpu.dma_semaphore, #tpu.memory_space<semaphore_mem>>)
      %dma_wait3A = arith.constant 0 : i32
      %dma_wait3A_45 = tpu.memref_slice %arg5[%arg0, %mul3A_39, %dma_wait3A] : memref<2x10240x64xf32, #tpu.memory_space<hbm>> -> memref<1x640x64xf32, #tpu.memory_space<hbm>>
      %dma_wait3A_46 = tpu.memref_squeeze %dma_wait3A_45 : memref<1x640x64xf32, #tpu.memory_space<hbm>> -> memref<640x64xf32, #tpu.memory_space<hbm>>
      %dma_wait3A_47 = arith.constant 0 : i32
      %dma_wait3A_48 = tpu.memref_slice %arg11[%mul3A_37, %dma_wait3A_47] : memref<10240x64xf32, #tpu.memory_space<vmem_shared>> -> memref<640x64xf32, #tpu.memory_space<vmem_shared>>
      tpu.wait_dma2 semaphore(%run_scoped3A : memref<!tpu.dma_semaphore, #tpu.memory_space<semaphore_mem>>) src(%dma_wait3A_48 : memref<640x64xf32, #tpu.memory_space<vmem_shared>>) dst(%dma_wait3A_46 : memref<640x64xf32, #tpu.memory_space<hbm>>)
      tpu.yield
    }) : () -> ()
    return
  }
}

module attributes {stable_mosaic.version = 14 : i64} {
  func.func @body(%arg0: i32, %arg1: memref<1x1024x64xf32, #tpu.memory_space<vmem>>, %arg2: memref<1x1024x64xf32, #tpu.memory_space<vmem>>, %arg3: memref<1x1024x64xf32, #tpu.memory_space<vmem>>, %arg4: memref<1x1024x64xf32, #tpu.memory_space<vmem>>, %arg5: memref<128x128xf32, #tpu.memory_space<vmem>>, %arg6: memref<1x128xf32, #tpu.memory_space<vmem>>, %arg7: memref<128x128xf32, #tpu.memory_space<vmem>>, %arg8: memref<1x128xf32, #tpu.memory_space<vmem>>, %arg9: memref<1x128xf32, #tpu.memory_space<vmem>>, %arg10: memref<1x128xf32, #tpu.memory_space<vmem>>, %arg11: memref<1x128xf32, #tpu.memory_space<vmem>>, %arg12: memref<1x128xf32, #tpu.memory_space<vmem>>) attributes {dimension_semantics = [#tpu.dimension_semantics<arbitrary>], iteration_bounds = array<i64: 10>, scalar_prefetch = 0 : i64, scratch_operands = 0 : i64, tpu.core_type = #tpu.core_type<tc>, window_params = [{transform_indices = @transform_0, window_bounds = array<i64: 1, 1024, 64>}, {transform_indices = @transform_1, window_bounds = array<i64: 1, 1024, 64>}, {transform_indices = @transform_2, window_bounds = array<i64: 1, 1024, 64>}, {transform_indices = @transform_3, window_bounds = array<i64: 1, 1024, 64>}, {pipeline_mode = #tpu.pipeline_mode<synchronous>, transform_indices = @transform_4, window_bounds = array<i64: 128, 128>}, {pipeline_mode = #tpu.pipeline_mode<synchronous>, transform_indices = @transform_5, window_bounds = array<i64: 1, 128>}, {pipeline_mode = #tpu.pipeline_mode<synchronous>, transform_indices = @transform_6, window_bounds = array<i64: 128, 128>}, {pipeline_mode = #tpu.pipeline_mode<synchronous>, transform_indices = @transform_7, window_bounds = array<i64: 1, 128>}, {pipeline_mode = #tpu.pipeline_mode<synchronous>, transform_indices = @transform_8, window_bounds = array<i64: 1, 128>}, {pipeline_mode = #tpu.pipeline_mode<synchronous>, transform_indices = @transform_9, window_bounds = array<i64: 1, 128>}, {pipeline_mode = #tpu.pipeline_mode<synchronous>, transform_indices = @transform_10, window_bounds = array<i64: 1, 128>}, {pipeline_mode = #tpu.pipeline_mode<synchronous>, transform_indices = @transform_11, window_bounds = array<i64: 1, 128>}]} {
    %get3A = arith.constant 0 : index
    %get3A_0 = arith.constant 0 : index
    %get3A_1 = arith.constant 0 : index
    %get3A_2 = vector.load %arg1[%get3A, %get3A_0, %get3A_1] : memref<1x1024x64xf32, #tpu.memory_space<vmem>>, vector<1x1024x64xf32>
    %get3A_3 = vector.shape_cast %get3A_2 : vector<1x1024x64xf32> to vector<1024x64xf32>
    %get3A_4 = arith.constant 0 : index
    %get3A_5 = arith.constant 0 : index
    %get3A_6 = arith.constant 0 : index
    %get3A_7 = vector.load %arg2[%get3A_4, %get3A_5, %get3A_6] : memref<1x1024x64xf32, #tpu.memory_space<vmem>>, vector<1x1024x64xf32>
    %get3A_8 = vector.shape_cast %get3A_7 : vector<1x1024x64xf32> to vector<1024x64xf32>
    %concatenate3A = tpu.concatenate %get3A_3, %get3A_8 in 1 : vector<1024x64xf32>, vector<1024x64xf32> -> vector<1024x128xf32>
    %get3A_9 = arith.constant 0 : index
    %get3A_10 = arith.constant 0 : index
    %get3A_11 = arith.constant 0 : index
    %get3A_12 = vector.load %arg3[%get3A_9, %get3A_10, %get3A_11] : memref<1x1024x64xf32, #tpu.memory_space<vmem>>, vector<1x1024x64xf32>
    %get3A_13 = vector.shape_cast %get3A_12 : vector<1x1024x64xf32> to vector<1024x64xf32>
    %get3A_14 = arith.constant 0 : index
    %get3A_15 = arith.constant 0 : index
    %get3A_16 = arith.constant 0 : index
    %get3A_17 = vector.load %arg4[%get3A_14, %get3A_15, %get3A_16] : memref<1x1024x64xf32, #tpu.memory_space<vmem>>, vector<1x1024x64xf32>
    %get3A_18 = vector.shape_cast %get3A_17 : vector<1x1024x64xf32> to vector<1024x64xf32>
    %concatenate3A_19 = tpu.concatenate %get3A_13, %get3A_18 in 1 : vector<1024x64xf32>, vector<1024x64xf32> -> vector<1024x128xf32>
    %get3A_20 = arith.constant 0 : index
    %get3A_21 = arith.constant 0 : index
    %get3A_22 = vector.load %arg5[%get3A_20, %get3A_21] : memref<128x128xf32, #tpu.memory_space<vmem>>, vector<128x128xf32>
    %dot_general3A = arith.constant dense<0.000000e+00> : vector<1024x128xf32>
    %dot_general3A_23 = tpu.matmul %concatenate3A, %get3A_22, %dot_general3A {dimension_numbers = #tpu.dot_dimension_numbers<[1], [0], [0], [1], [0, 0, 1, 1], [], []>, precision = #tpu.contract_precision<fp32>, transpose_lhs_hint = false} : vector<1024x128xf32>, vector<128x128xf32>, vector<1024x128xf32> -> vector<1024x128xf32>
    %get3A_24 = arith.constant 0 : index
    %get3A_25 = arith.constant 0 : index
    %get3A_26 = vector.load %arg6[%get3A_24, %get3A_25] : memref<1x128xf32, #tpu.memory_space<vmem>>, vector<1x128xf32>
    %add3A = vector.broadcast %get3A_26 : vector<1x128xf32> to vector<1024x128xf32>
    %add3A_27 = arith.addf %dot_general3A_23, %add3A : vector<1024x128xf32>
    %get3A_28 = arith.constant 0 : index
    %get3A_29 = arith.constant 0 : index
    %get3A_30 = vector.load %arg7[%get3A_28, %get3A_29] : memref<128x128xf32, #tpu.memory_space<vmem>>, vector<128x128xf32>
    %dot_general3A_31 = arith.constant dense<0.000000e+00> : vector<1024x128xf32>
    %dot_general3A_32 = tpu.matmul %concatenate3A_19, %get3A_30, %dot_general3A_31 {dimension_numbers = #tpu.dot_dimension_numbers<[1], [0], [0], [1], [0, 0, 1, 1], [], []>, precision = #tpu.contract_precision<fp32>, transpose_lhs_hint = false} : vector<1024x128xf32>, vector<128x128xf32>, vector<1024x128xf32> -> vector<1024x128xf32>
    %get3A_33 = arith.constant 0 : index
    %get3A_34 = arith.constant 0 : index
    %get3A_35 = vector.load %arg8[%get3A_33, %get3A_34] : memref<1x128xf32, #tpu.memory_space<vmem>>, vector<1x128xf32>
    %add3A_36 = vector.broadcast %get3A_35 : vector<1x128xf32> to vector<1024x128xf32>
    %add3A_37 = arith.addf %dot_general3A_32, %add3A_36 : vector<1024x128xf32>
    %iota3A = tpu.iota {dimensions = array<i32: 0>} : vector<1024x1xi32>
    %mul3A = arith.constant 1024 : i32
    %mul3A_38 = arith.muli %arg0, %mul3A : i32
    %add3A_39 = vector.broadcast %mul3A_38 : i32 to vector<1024x1xi32>
    %add3A_40 = arith.addi %iota3A, %add3A_39 : vector<1024x1xi32>
    %lt3A = arith.constant 10000 : i32
    %lt3A_41 = vector.broadcast %lt3A : i32 to vector<1024x1xi32>
    %lt3A_42 = arith.cmpi slt, %add3A_40, %lt3A_41 : vector<1024x1xi32>
    %convert_element_type3A = arith.extui %lt3A_42 : vector<1024x1xi1> to vector<1024x1xi32>
    %convert_element_type3A_43 = arith.sitofp %convert_element_type3A : vector<1024x1xi32> to vector<1024x1xf32>
    %mul3A_44 = vector.broadcast %convert_element_type3A_43 : vector<1024x1xf32> to vector<1024x128xf32>
    %mul3A_45 = arith.mulf %add3A_27, %mul3A_44 : vector<1024x128xf32>
    %mul3A_46 = vector.broadcast %convert_element_type3A_43 : vector<1024x1xf32> to vector<1024x128xf32>
    %mul3A_47 = arith.mulf %add3A_37, %mul3A_46 : vector<1024x128xf32>
    %eq3A = arith.constant 0 : i32
    %eq3A_48 = arith.cmpi eq, %arg0, %eq3A : i32
    %convert_element_type3A_49 = arith.extui %eq3A_48 : i1 to i32
    %cond3A = arith.constant 0 : i32
    %cond3A_50 = arith.cmpi ne, %convert_element_type3A_49, %cond3A : i32
    scf.if %cond3A_50 {
      %broadcast_in_dim3A_173 = arith.constant 0.000000e+00 : f32
      %broadcast_in_dim3A_174 = vector.broadcast %broadcast_in_dim3A_173 : f32 to vector<1x128xf32>
      %swap3A_175 = arith.constant 0 : index
      %swap3A_176 = arith.constant 0 : index
      %swap3A_177 = vector.load %arg9[%swap3A_175, %swap3A_176] : memref<1x128xf32, #tpu.memory_space<vmem>>, vector<1x128xf32>
      tpu.vector_store %arg9[%swap3A_175, %swap3A_176], %broadcast_in_dim3A_174 {strides = array<i32>} : memref<1x128xf32, #tpu.memory_space<vmem>>, vector<1x128xf32>,
      %broadcast_in_dim3A_178 = arith.constant 0.000000e+00 : f32
      %broadcast_in_dim3A_179 = vector.broadcast %broadcast_in_dim3A_178 : f32 to vector<1x128xf32>
      %swap3A_180 = arith.constant 0 : index
      %swap3A_181 = arith.constant 0 : index
      %swap3A_182 = vector.load %arg10[%swap3A_180, %swap3A_181] : memref<1x128xf32, #tpu.memory_space<vmem>>, vector<1x128xf32>
      tpu.vector_store %arg10[%swap3A_180, %swap3A_181], %broadcast_in_dim3A_179 {strides = array<i32>} : memref<1x128xf32, #tpu.memory_space<vmem>>, vector<1x128xf32>,
      %broadcast_in_dim3A_183 = arith.constant 0.000000e+00 : f32
      %broadcast_in_dim3A_184 = vector.broadcast %broadcast_in_dim3A_183 : f32 to vector<1x128xf32>
      %swap3A_185 = arith.constant 0 : index
      %swap3A_186 = arith.constant 0 : index
      %swap3A_187 = vector.load %arg11[%swap3A_185, %swap3A_186] : memref<1x128xf32, #tpu.memory_space<vmem>>, vector<1x128xf32>
      tpu.vector_store %arg11[%swap3A_185, %swap3A_186], %broadcast_in_dim3A_184 {strides = array<i32>} : memref<1x128xf32, #tpu.memory_space<vmem>>, vector<1x128xf32>,
      %broadcast_in_dim3A_188 = arith.constant 0.000000e+00 : f32
      %broadcast_in_dim3A_189 = vector.broadcast %broadcast_in_dim3A_188 : f32 to vector<1x128xf32>
      %swap3A_190 = arith.constant 0 : index
      %swap3A_191 = arith.constant 0 : index
      %swap3A_192 = vector.load %arg12[%swap3A_190, %swap3A_191] : memref<1x128xf32, #tpu.memory_space<vmem>>, vector<1x128xf32>
      tpu.vector_store %arg12[%swap3A_190, %swap3A_191], %broadcast_in_dim3A_189 {strides = array<i32>} : memref<1x128xf32, #tpu.memory_space<vmem>>, vector<1x128xf32>,
    } else {
    }
    %get3A_51 = arith.constant 0 : index
    %get3A_52 = arith.constant 0 : index
    %get3A_53 = vector.load %arg9[%get3A_51, %get3A_52] : memref<1x128xf32, #tpu.memory_space<vmem>>, vector<1x128xf32>
    %slice3A = vector.extract_strided_slice %mul3A_45 {offsets = [0, 0], sizes = [512, 128], strides = [1, 1]} : vector<1024x128xf32> to vector<512x128xf32>
    %slice3A_54 = vector.extract_strided_slice %mul3A_45 {offsets = [512, 0], sizes = [512, 128], strides = [1, 1]} : vector<1024x128xf32> to vector<512x128xf32>
    %add3A_55 = arith.addf %slice3A, %slice3A_54 : vector<512x128xf32>
    %slice3A_56 = vector.extract_strided_slice %add3A_55 {offsets = [0, 0], sizes = [256, 128], strides = [1, 1]} : vector<512x128xf32> to vector<256x128xf32>
    %slice3A_57 = vector.extract_strided_slice %add3A_55 {offsets = [256, 0], sizes = [256, 128], strides = [1, 1]} : vector<512x128xf32> to vector<256x128xf32>
    %add3A_58 = arith.addf %slice3A_56, %slice3A_57 : vector<256x128xf32>
    %slice3A_59 = vector.extract_strided_slice %add3A_58 {offsets = [0, 0], sizes = [128, 128], strides = [1, 1]} : vector<256x128xf32> to vector<128x128xf32>
    %slice3A_60 = vector.extract_strided_slice %add3A_58 {offsets = [128, 0], sizes = [128, 128], strides = [1, 1]} : vector<256x128xf32> to vector<128x128xf32>
    %add3A_61 = arith.addf %slice3A_59, %slice3A_60 : vector<128x128xf32>
    %slice3A_62 = vector.extract_strided_slice %add3A_61 {offsets = [0, 0], sizes = [64, 128], strides = [1, 1]} : vector<128x128xf32> to vector<64x128xf32>
    %slice3A_63 = vector.extract_strided_slice %add3A_61 {offsets = [64, 0], sizes = [64, 128], strides = [1, 1]} : vector<128x128xf32> to vector<64x128xf32>
    %add3A_64 = arith.addf %slice3A_62, %slice3A_63 : vector<64x128xf32>
    %slice3A_65 = vector.extract_strided_slice %add3A_64 {offsets = [0, 0], sizes = [32, 128], strides = [1, 1]} : vector<64x128xf32> to vector<32x128xf32>
    %slice3A_66 = vector.extract_strided_slice %add3A_64 {offsets = [32, 0], sizes = [32, 128], strides = [1, 1]} : vector<64x128xf32> to vector<32x128xf32>
    %add3A_67 = arith.addf %slice3A_65, %slice3A_66 : vector<32x128xf32>
    %slice3A_68 = vector.extract_strided_slice %add3A_67 {offsets = [0, 0], sizes = [16, 128], strides = [1, 1]} : vector<32x128xf32> to vector<16x128xf32>
    %slice3A_69 = vector.extract_strided_slice %add3A_67 {offsets = [16, 0], sizes = [16, 128], strides = [1, 1]} : vector<32x128xf32> to vector<16x128xf32>
    %add3A_70 = arith.addf %slice3A_68, %slice3A_69 : vector<16x128xf32>
    %slice3A_71 = vector.extract_strided_slice %add3A_70 {offsets = [0, 0], sizes = [8, 128], strides = [1, 1]} : vector<16x128xf32> to vector<8x128xf32>
    %slice3A_72 = vector.extract_strided_slice %add3A_70 {offsets = [8, 0], sizes = [8, 128], strides = [1, 1]} : vector<16x128xf32> to vector<8x128xf32>
    %add3A_73 = arith.addf %slice3A_71, %slice3A_72 : vector<8x128xf32>
    %reduce_sum3A = arith.constant dense<0.000000e+00> : vector<128xf32>
    %reduce_sum3A_74 = vector.multi_reduction <add>, %add3A_73, %reduce_sum3A [0] : vector<8x128xf32> to vector<128xf32>
    %broadcast_in_dim3A = vector.shape_cast %reduce_sum3A_74 : vector<128xf32> to vector<1x128xf32>
    %add3A_75 = arith.addf %get3A_53, %broadcast_in_dim3A : vector<1x128xf32>
    %swap3A = arith.constant 0 : index
    %swap3A_76 = arith.constant 0 : index
    %swap3A_77 = vector.load %arg9[%swap3A, %swap3A_76] : memref<1x128xf32, #tpu.memory_space<vmem>>, vector<1x128xf32>
    tpu.vector_store %arg9[%swap3A, %swap3A_76], %add3A_75 {strides = array<i32>} : memref<1x128xf32, #tpu.memory_space<vmem>>, vector<1x128xf32>,
    %get3A_78 = arith.constant 0 : index
    %get3A_79 = arith.constant 0 : index
    %get3A_80 = vector.load %arg10[%get3A_78, %get3A_79] : memref<1x128xf32, #tpu.memory_space<vmem>>, vector<1x128xf32>
    %mul3A_81 = arith.mulf %mul3A_45, %mul3A_45 : vector<1024x128xf32>
    %slice3A_82 = vector.extract_strided_slice %mul3A_81 {offsets = [0, 0], sizes = [512, 128], strides = [1, 1]} : vector<1024x128xf32> to vector<512x128xf32>
    %slice3A_83 = vector.extract_strided_slice %mul3A_81 {offsets = [512, 0], sizes = [512, 128], strides = [1, 1]} : vector<1024x128xf32> to vector<512x128xf32>
    %add3A_84 = arith.addf %slice3A_82, %slice3A_83 : vector<512x128xf32>
    %slice3A_85 = vector.extract_strided_slice %add3A_84 {offsets = [0, 0], sizes = [256, 128], strides = [1, 1]} : vector<512x128xf32> to vector<256x128xf32>
    %slice3A_86 = vector.extract_strided_slice %add3A_84 {offsets = [256, 0], sizes = [256, 128], strides = [1, 1]} : vector<512x128xf32> to vector<256x128xf32>
    %add3A_87 = arith.addf %slice3A_85, %slice3A_86 : vector<256x128xf32>
    %slice3A_88 = vector.extract_strided_slice %add3A_87 {offsets = [0, 0], sizes = [128, 128], strides = [1, 1]} : vector<256x128xf32> to vector<128x128xf32>
    %slice3A_89 = vector.extract_strided_slice %add3A_87 {offsets = [128, 0], sizes = [128, 128], strides = [1, 1]} : vector<256x128xf32> to vector<128x128xf32>
    %add3A_90 = arith.addf %slice3A_88, %slice3A_89 : vector<128x128xf32>
    %slice3A_91 = vector.extract_strided_slice %add3A_90 {offsets = [0, 0], sizes = [64, 128], strides = [1, 1]} : vector<128x128xf32> to vector<64x128xf32>
    %slice3A_92 = vector.extract_strided_slice %add3A_90 {offsets = [64, 0], sizes = [64, 128], strides = [1, 1]} : vector<128x128xf32> to vector<64x128xf32>
    %add3A_93 = arith.addf %slice3A_91, %slice3A_92 : vector<64x128xf32>
    %slice3A_94 = vector.extract_strided_slice %add3A_93 {offsets = [0, 0], sizes = [32, 128], strides = [1, 1]} : vector<64x128xf32> to vector<32x128xf32>
    %slice3A_95 = vector.extract_strided_slice %add3A_93 {offsets = [32, 0], sizes = [32, 128], strides = [1, 1]} : vector<64x128xf32> to vector<32x128xf32>
    %add3A_96 = arith.addf %slice3A_94, %slice3A_95 : vector<32x128xf32>
    %slice3A_97 = vector.extract_strided_slice %add3A_96 {offsets = [0, 0], sizes = [16, 128], strides = [1, 1]} : vector<32x128xf32> to vector<16x128xf32>
    %slice3A_98 = vector.extract_strided_slice %add3A_96 {offsets = [16, 0], sizes = [16, 128], strides = [1, 1]} : vector<32x128xf32> to vector<16x128xf32>
    %add3A_99 = arith.addf %slice3A_97, %slice3A_98 : vector<16x128xf32>
    %slice3A_100 = vector.extract_strided_slice %add3A_99 {offsets = [0, 0], sizes = [8, 128], strides = [1, 1]} : vector<16x128xf32> to vector<8x128xf32>
    %slice3A_101 = vector.extract_strided_slice %add3A_99 {offsets = [8, 0], sizes = [8, 128], strides = [1, 1]} : vector<16x128xf32> to vector<8x128xf32>
    %add3A_102 = arith.addf %slice3A_100, %slice3A_101 : vector<8x128xf32>
    %reduce_sum3A_103 = arith.constant dense<0.000000e+00> : vector<128xf32>
    %reduce_sum3A_104 = vector.multi_reduction <add>, %add3A_102, %reduce_sum3A_103 [0] : vector<8x128xf32> to vector<128xf32>
    %broadcast_in_dim3A_105 = vector.shape_cast %reduce_sum3A_104 : vector<128xf32> to vector<1x128xf32>
    %add3A_106 = arith.addf %get3A_80, %broadcast_in_dim3A_105 : vector<1x128xf32>
    %swap3A_107 = arith.constant 0 : index
    %swap3A_108 = arith.constant 0 : index
    %swap3A_109 = vector.load %arg10[%swap3A_107, %swap3A_108] : memref<1x128xf32, #tpu.memory_space<vmem>>, vector<1x128xf32>
    tpu.vector_store %arg10[%swap3A_107, %swap3A_108], %add3A_106 {strides = array<i32>} : memref<1x128xf32, #tpu.memory_space<vmem>>, vector<1x128xf32>,
    %get3A_110 = arith.constant 0 : index
    %get3A_111 = arith.constant 0 : index
    %get3A_112 = vector.load %arg11[%get3A_110, %get3A_111] : memref<1x128xf32, #tpu.memory_space<vmem>>, vector<1x128xf32>
    %slice3A_113 = vector.extract_strided_slice %mul3A_47 {offsets = [0, 0], sizes = [512, 128], strides = [1, 1]} : vector<1024x128xf32> to vector<512x128xf32>
    %slice3A_114 = vector.extract_strided_slice %mul3A_47 {offsets = [512, 0], sizes = [512, 128], strides = [1, 1]} : vector<1024x128xf32> to vector<512x128xf32>
    %add3A_115 = arith.addf %slice3A_113, %slice3A_114 : vector<512x128xf32>
    %slice3A_116 = vector.extract_strided_slice %add3A_115 {offsets = [0, 0], sizes = [256, 128], strides = [1, 1]} : vector<512x128xf32> to vector<256x128xf32>
    %slice3A_117 = vector.extract_strided_slice %add3A_115 {offsets = [256, 0], sizes = [256, 128], strides = [1, 1]} : vector<512x128xf32> to vector<256x128xf32>
    %add3A_118 = arith.addf %slice3A_116, %slice3A_117 : vector<256x128xf32>
    %slice3A_119 = vector.extract_strided_slice %add3A_118 {offsets = [0, 0], sizes = [128, 128], strides = [1, 1]} : vector<256x128xf32> to vector<128x128xf32>
    %slice3A_120 = vector.extract_strided_slice %add3A_118 {offsets = [128, 0], sizes = [128, 128], strides = [1, 1]} : vector<256x128xf32> to vector<128x128xf32>
    %add3A_121 = arith.addf %slice3A_119, %slice3A_120 : vector<128x128xf32>
    %slice3A_122 = vector.extract_strided_slice %add3A_121 {offsets = [0, 0], sizes = [64, 128], strides = [1, 1]} : vector<128x128xf32> to vector<64x128xf32>
    %slice3A_123 = vector.extract_strided_slice %add3A_121 {offsets = [64, 0], sizes = [64, 128], strides = [1, 1]} : vector<128x128xf32> to vector<64x128xf32>
    %add3A_124 = arith.addf %slice3A_122, %slice3A_123 : vector<64x128xf32>
    %slice3A_125 = vector.extract_strided_slice %add3A_124 {offsets = [0, 0], sizes = [32, 128], strides = [1, 1]} : vector<64x128xf32> to vector<32x128xf32>
    %slice3A_126 = vector.extract_strided_slice %add3A_124 {offsets = [32, 0], sizes = [32, 128], strides = [1, 1]} : vector<64x128xf32> to vector<32x128xf32>
    %add3A_127 = arith.addf %slice3A_125, %slice3A_126 : vector<32x128xf32>
    %slice3A_128 = vector.extract_strided_slice %add3A_127 {offsets = [0, 0], sizes = [16, 128], strides = [1, 1]} : vector<32x128xf32> to vector<16x128xf32>
    %slice3A_129 = vector.extract_strided_slice %add3A_127 {offsets = [16, 0], sizes = [16, 128], strides = [1, 1]} : vector<32x128xf32> to vector<16x128xf32>
    %add3A_130 = arith.addf %slice3A_128, %slice3A_129 : vector<16x128xf32>
    %slice3A_131 = vector.extract_strided_slice %add3A_130 {offsets = [0, 0], sizes = [8, 128], strides = [1, 1]} : vector<16x128xf32> to vector<8x128xf32>
    %slice3A_132 = vector.extract_strided_slice %add3A_130 {offsets = [8, 0], sizes = [8, 128], strides = [1, 1]} : vector<16x128xf32> to vector<8x128xf32>
    %add3A_133 = arith.addf %slice3A_131, %slice3A_132 : vector<8x128xf32>
    %reduce_sum3A_134 = arith.constant dense<0.000000e+00> : vector<128xf32>
    %reduce_sum3A_135 = vector.multi_reduction <add>, %add3A_133, %reduce_sum3A_134 [0] : vector<8x128xf32> to vector<128xf32>
    %broadcast_in_dim3A_136 = vector.shape_cast %reduce_sum3A_135 : vector<128xf32> to vector<1x128xf32>
    %add3A_137 = arith.addf %get3A_112, %broadcast_in_dim3A_136 : vector<1x128xf32>
    %swap3A_138 = arith.constant 0 : index
    %swap3A_139 = arith.constant 0 : index
    %swap3A_140 = vector.load %arg11[%swap3A_138, %swap3A_139] : memref<1x128xf32, #tpu.memory_space<vmem>>, vector<1x128xf32>
    tpu.vector_store %arg11[%swap3A_138, %swap3A_139], %add3A_137 {strides = array<i32>} : memref<1x128xf32, #tpu.memory_space<vmem>>, vector<1x128xf32>,
    %get3A_141 = arith.constant 0 : index
    %get3A_142 = arith.constant 0 : index
    %get3A_143 = vector.load %arg12[%get3A_141, %get3A_142] : memref<1x128xf32, #tpu.memory_space<vmem>>, vector<1x128xf32>
    %mul3A_144 = arith.mulf %mul3A_47, %mul3A_47 : vector<1024x128xf32>
    %slice3A_145 = vector.extract_strided_slice %mul3A_144 {offsets = [0, 0], sizes = [512, 128], strides = [1, 1]} : vector<1024x128xf32> to vector<512x128xf32>
    %slice3A_146 = vector.extract_strided_slice %mul3A_144 {offsets = [512, 0], sizes = [512, 128], strides = [1, 1]} : vector<1024x128xf32> to vector<512x128xf32>
    %add3A_147 = arith.addf %slice3A_145, %slice3A_146 : vector<512x128xf32>
    %slice3A_148 = vector.extract_strided_slice %add3A_147 {offsets = [0, 0], sizes = [256, 128], strides = [1, 1]} : vector<512x128xf32> to vector<256x128xf32>
    %slice3A_149 = vector.extract_strided_slice %add3A_147 {offsets = [256, 0], sizes = [256, 128], strides = [1, 1]} : vector<512x128xf32> to vector<256x128xf32>
    %add3A_150 = arith.addf %slice3A_148, %slice3A_149 : vector<256x128xf32>
    %slice3A_151 = vector.extract_strided_slice %add3A_150 {offsets = [0, 0], sizes = [128, 128], strides = [1, 1]} : vector<256x128xf32> to vector<128x128xf32>
    %slice3A_152 = vector.extract_strided_slice %add3A_150 {offsets = [128, 0], sizes = [128, 128], strides = [1, 1]} : vector<256x128xf32> to vector<128x128xf32>
    %add3A_153 = arith.addf %slice3A_151, %slice3A_152 : vector<128x128xf32>
    %slice3A_154 = vector.extract_strided_slice %add3A_153 {offsets = [0, 0], sizes = [64, 128], strides = [1, 1]} : vector<128x128xf32> to vector<64x128xf32>
    %slice3A_155 = vector.extract_strided_slice %add3A_153 {offsets = [64, 0], sizes = [64, 128], strides = [1, 1]} : vector<128x128xf32> to vector<64x128xf32>
    %add3A_156 = arith.addf %slice3A_154, %slice3A_155 : vector<64x128xf32>
    %slice3A_157 = vector.extract_strided_slice %add3A_156 {offsets = [0, 0], sizes = [32, 128], strides = [1, 1]} : vector<64x128xf32> to vector<32x128xf32>
    %slice3A_158 = vector.extract_strided_slice %add3A_156 {offsets = [32, 0], sizes = [32, 128], strides = [1, 1]} : vector<64x128xf32> to vector<32x128xf32>
    %add3A_159 = arith.addf %slice3A_157, %slice3A_158 : vector<32x128xf32>
    %slice3A_160 = vector.extract_strided_slice %add3A_159 {offsets = [0, 0], sizes = [16, 128], strides = [1, 1]} : vector<32x128xf32> to vector<16x128xf32>
    %slice3A_161 = vector.extract_strided_slice %add3A_159 {offsets = [16, 0], sizes = [16, 128], strides = [1, 1]} : vector<32x128xf32> to vector<16x128xf32>
    %add3A_162 = arith.addf %slice3A_160, %slice3A_161 : vector<16x128xf32>
    %slice3A_163 = vector.extract_strided_slice %add3A_162 {offsets = [0, 0], sizes = [8, 128], strides = [1, 1]} : vector<16x128xf32> to vector<8x128xf32>
    %slice3A_164 = vector.extract_strided_slice %add3A_162 {offsets = [8, 0], sizes = [8, 128], strides = [1, 1]} : vector<16x128xf32> to vector<8x128xf32>
    %add3A_165 = arith.addf %slice3A_163, %slice3A_164 : vector<8x128xf32>
    %reduce_sum3A_166 = arith.constant dense<0.000000e+00> : vector<128xf32>
    %reduce_sum3A_167 = vector.multi_reduction <add>, %add3A_165, %reduce_sum3A_166 [0] : vector<8x128xf32> to vector<128xf32>
    %broadcast_in_dim3A_168 = vector.shape_cast %reduce_sum3A_167 : vector<128xf32> to vector<1x128xf32>
    %add3A_169 = arith.addf %get3A_143, %broadcast_in_dim3A_168 : vector<1x128xf32>
    %swap3A_170 = arith.constant 0 : index
    %swap3A_171 = arith.constant 0 : index
    %swap3A_172 = vector.load %arg12[%swap3A_170, %swap3A_171] : memref<1x128xf32, #tpu.memory_space<vmem>>, vector<1x128xf32>
    tpu.vector_store %arg12[%swap3A_170, %swap3A_171], %add3A_169 {strides = array<i32>} : memref<1x128xf32, #tpu.memory_space<vmem>>, vector<1x128xf32>,
    return
  }
  func.func @transform_0(%arg0: i32) -> (i32, i32, i32) {
    %c0_i32 = arith.constant 0 : i32
    %c0_i32_0 = arith.constant 0 : i32
    %c0_i32_1 = arith.constant 0 : i32
    return %c0_i32, %arg0, %c0_i32_0 : i32, i32, i32
  }
  func.func @transform_1(%arg0: i32) -> (i32, i32, i32) {
    %c1_i32 = arith.constant 1 : i32
    %c0_i32 = arith.constant 0 : i32
    %c0_i32_0 = arith.constant 0 : i32
    return %c1_i32, %arg0, %c0_i32 : i32, i32, i32
  }
  func.func @transform_2(%arg0: i32) -> (i32, i32, i32) {
    %c0_i32 = arith.constant 0 : i32
    %c0_i32_0 = arith.constant 0 : i32
    %c0_i32_1 = arith.constant 0 : i32
    return %c0_i32, %arg0, %c0_i32_0 : i32, i32, i32
  }
  func.func @transform_3(%arg0: i32) -> (i32, i32, i32) {
    %c1_i32 = arith.constant 1 : i32
    %c0_i32 = arith.constant 0 : i32
    %c0_i32_0 = arith.constant 0 : i32
    return %c1_i32, %arg0, %c0_i32 : i32, i32, i32
  }
  func.func @transform_4(%arg0: i32) -> (i32, i32) {
    %c0_i32 = arith.constant 0 : i32
    %c0_i32_0 = arith.constant 0 : i32
    %c0_i32_1 = arith.constant 0 : i32
    return %c0_i32, %c0_i32_0 : i32, i32
  }
  func.func @transform_5(%arg0: i32) -> (i32, i32) {
    %c0_i32 = arith.constant 0 : i32
    %c0_i32_0 = arith.constant 0 : i32
    %c0_i32_1 = arith.constant 0 : i32
    return %c0_i32, %c0_i32_0 : i32, i32
  }
  func.func @transform_6(%arg0: i32) -> (i32, i32) {
    %c0_i32 = arith.constant 0 : i32
    %c0_i32_0 = arith.constant 0 : i32
    %c0_i32_1 = arith.constant 0 : i32
    return %c0_i32, %c0_i32_0 : i32, i32
  }
  func.func @transform_7(%arg0: i32) -> (i32, i32) {
    %c0_i32 = arith.constant 0 : i32
    %c0_i32_0 = arith.constant 0 : i32
    %c0_i32_1 = arith.constant 0 : i32
    return %c0_i32, %c0_i32_0 : i32, i32
  }
  func.func @transform_8(%arg0: i32) -> (i32, i32) {
    %c0_i32 = arith.constant 0 : i32
    %c0_i32_0 = arith.constant 0 : i32
    %c0_i32_1 = arith.constant 0 : i32
    return %c0_i32, %c0_i32_0 : i32, i32
  }
  func.func @transform_9(%arg0: i32) -> (i32, i32) {
    %c0_i32 = arith.constant 0 : i32
    %c0_i32_0 = arith.constant 0 : i32
    %c0_i32_1 = arith.constant 0 : i32
    return %c0_i32, %c0_i32_0 : i32, i32
  }
  func.func @transform_10(%arg0: i32) -> (i32, i32) {
    %c0_i32 = arith.constant 0 : i32
    %c0_i32_0 = arith.constant 0 : i32
    %c0_i32_1 = arith.constant 0 : i32
    return %c0_i32, %c0_i32_0 : i32, i32
  }
  func.func @transform_11(%arg0: i32) -> (i32, i32) {
    %c0_i32 = arith.constant 0 : i32
    %c0_i32_0 = arith.constant 0 : i32
    %c0_i32_1 = arith.constant 0 : i32
    return %c0_i32, %c0_i32_0 : i32, i32
  }
}

module attributes {stable_mosaic.version = 14 : i64} {
  func.func @body(%arg0: i32, %arg1: memref<1x1024x64xf32, #tpu.memory_space<vmem>>, %arg2: memref<1x1024x64xf32, #tpu.memory_space<vmem>>, %arg3: memref<1x1024x64xf32, #tpu.memory_space<vmem>>, %arg4: memref<1x1024x64xf32, #tpu.memory_space<vmem>>, %arg5: memref<1x128xf32, #tpu.memory_space<vmem>>, %arg6: memref<1x128xf32, #tpu.memory_space<vmem>>, %arg7: memref<1x128xf32, #tpu.memory_space<vmem>>, %arg8: memref<1x128xf32, #tpu.memory_space<vmem>>, %arg9: memref<128x128xf32, #tpu.memory_space<vmem>>, %arg10: memref<1x128xf32, #tpu.memory_space<vmem>>, %arg11: memref<1x128xf32, #tpu.memory_space<vmem>>, %arg12: memref<1x128xf32, #tpu.memory_space<vmem>>, %arg13: memref<128x128xf32, #tpu.memory_space<vmem>>, %arg14: memref<1x128xf32, #tpu.memory_space<vmem>>, %arg15: memref<128x128xf32, #tpu.memory_space<vmem>>, %arg16: memref<1x128xf32, #tpu.memory_space<vmem>>, %arg17: memref<1x128xf32, #tpu.memory_space<vmem>>, %arg18: memref<1x128xf32, #tpu.memory_space<vmem>>, %arg19: memref<128x128xf32, #tpu.memory_space<vmem>>, %arg20: memref<1x128xf32, #tpu.memory_space<vmem>>, %arg21: memref<2x1024x64xf32, #tpu.memory_space<vmem>>) attributes {dimension_semantics = [#tpu.dimension_semantics<arbitrary>], iteration_bounds = array<i64: 10>, scalar_prefetch = 0 : i64, scratch_operands = 0 : i64, tpu.core_type = #tpu.core_type<tc>, window_params = [{transform_indices = @transform_0, window_bounds = array<i64: 1, 1024, 64>}, {transform_indices = @transform_1, window_bounds = array<i64: 1, 1024, 64>}, {transform_indices = @transform_2, window_bounds = array<i64: 1, 1024, 64>}, {transform_indices = @transform_3, window_bounds = array<i64: 1, 1024, 64>}, {pipeline_mode = #tpu.pipeline_mode<synchronous>, transform_indices = @transform_4, window_bounds = array<i64: 1, 128>}, {pipeline_mode = #tpu.pipeline_mode<synchronous>, transform_indices = @transform_5, window_bounds = array<i64: 1, 128>}, {pipeline_mode = #tpu.pipeline_mode<synchronous>, transform_indices = @transform_6, window_bounds = array<i64: 1, 128>}, {pipeline_mode = #tpu.pipeline_mode<synchronous>, transform_indices = @transform_7, window_bounds = array<i64: 1, 128>}, {pipeline_mode = #tpu.pipeline_mode<synchronous>, transform_indices = @transform_8, window_bounds = array<i64: 128, 128>}, {pipeline_mode = #tpu.pipeline_mode<synchronous>, transform_indices = @transform_9, window_bounds = array<i64: 1, 128>}, {pipeline_mode = #tpu.pipeline_mode<synchronous>, transform_indices = @transform_10, window_bounds = array<i64: 1, 128>}, {pipeline_mode = #tpu.pipeline_mode<synchronous>, transform_indices = @transform_11, window_bounds = array<i64: 1, 128>}, {pipeline_mode = #tpu.pipeline_mode<synchronous>, transform_indices = @transform_12, window_bounds = array<i64: 128, 128>}, {pipeline_mode = #tpu.pipeline_mode<synchronous>, transform_indices = @transform_13, window_bounds = array<i64: 1, 128>}, {pipeline_mode = #tpu.pipeline_mode<synchronous>, transform_indices = @transform_14, window_bounds = array<i64: 128, 128>}, {pipeline_mode = #tpu.pipeline_mode<synchronous>, transform_indices = @transform_15, window_bounds = array<i64: 1, 128>}, {pipeline_mode = #tpu.pipeline_mode<synchronous>, transform_indices = @transform_16, window_bounds = array<i64: 1, 128>}, {pipeline_mode = #tpu.pipeline_mode<synchronous>, transform_indices = @transform_17, window_bounds = array<i64: 1, 128>}, {pipeline_mode = #tpu.pipeline_mode<synchronous>, transform_indices = @transform_18, window_bounds = array<i64: 128, 128>}, {pipeline_mode = #tpu.pipeline_mode<synchronous>, transform_indices = @transform_19, window_bounds = array<i64: 1, 128>}, {transform_indices = @transform_20, window_bounds = array<i64: 2, 1024, 64>}]} {
    %get3A = arith.constant 0 : index
    %get3A_0 = arith.constant 0 : index
    %get3A_1 = vector.load %arg5[%get3A, %get3A_0] : memref<1x128xf32, #tpu.memory_space<vmem>>, vector<1x128xf32>
    %mul3A = arith.constant 9.99999974E-5 : f32
    %mul3A_2 = vector.broadcast %mul3A : f32 to vector<1x128xf32>
    %mul3A_3 = arith.mulf %get3A_1, %mul3A_2 : vector<1x128xf32>
    %get3A_4 = arith.constant 0 : index
    %get3A_5 = arith.constant 0 : index
    %get3A_6 = vector.load %arg6[%get3A_4, %get3A_5] : memref<1x128xf32, #tpu.memory_space<vmem>>, vector<1x128xf32>
    %mul3A_7 = arith.constant 9.99999974E-5 : f32
    %mul3A_8 = vector.broadcast %mul3A_7 : f32 to vector<1x128xf32>
    %mul3A_9 = arith.mulf %get3A_6, %mul3A_8 : vector<1x128xf32>
    %mul3A_10 = arith.mulf %mul3A_3, %mul3A_3 : vector<1x128xf32>
    %sub3A = arith.subf %mul3A_9, %mul3A_10 : vector<1x128xf32>
    %max3A = arith.constant 0.000000e+00 : f32
    %max3A_11 = vector.broadcast %max3A : f32 to vector<1x128xf32>
    %max3A_12 = arith.maximumf %sub3A, %max3A_11 : vector<1x128xf32>
    %add3A = arith.constant 9.99999974E-6 : f32
    %add3A_13 = vector.broadcast %add3A : f32 to vector<1x128xf32>
    %add3A_14 = arith.addf %max3A_12, %add3A_13 : vector<1x128xf32>
    %sqrt3A = math.sqrt %add3A_14 : vector<1x128xf32>
    %get3A_15 = arith.constant 0 : index
    %get3A_16 = arith.constant 0 : index
    %get3A_17 = vector.load %arg7[%get3A_15, %get3A_16] : memref<1x128xf32, #tpu.memory_space<vmem>>, vector<1x128xf32>
    %mul3A_18 = arith.constant 9.99999974E-5 : f32
    %mul3A_19 = vector.broadcast %mul3A_18 : f32 to vector<1x128xf32>
    %mul3A_20 = arith.mulf %get3A_17, %mul3A_19 : vector<1x128xf32>
    %get3A_21 = arith.constant 0 : index
    %get3A_22 = arith.constant 0 : index
    %get3A_23 = vector.load %arg8[%get3A_21, %get3A_22] : memref<1x128xf32, #tpu.memory_space<vmem>>, vector<1x128xf32>
    %mul3A_24 = arith.constant 9.99999974E-5 : f32
    %mul3A_25 = vector.broadcast %mul3A_24 : f32 to vector<1x128xf32>
    %mul3A_26 = arith.mulf %get3A_23, %mul3A_25 : vector<1x128xf32>
    %mul3A_27 = arith.mulf %mul3A_20, %mul3A_20 : vector<1x128xf32>
    %sub3A_28 = arith.subf %mul3A_26, %mul3A_27 : vector<1x128xf32>
    %max3A_29 = arith.constant 0.000000e+00 : f32
    %max3A_30 = vector.broadcast %max3A_29 : f32 to vector<1x128xf32>
    %max3A_31 = arith.maximumf %sub3A_28, %max3A_30 : vector<1x128xf32>
    %add3A_32 = arith.constant 9.99999974E-6 : f32
    %add3A_33 = vector.broadcast %add3A_32 : f32 to vector<1x128xf32>
    %add3A_34 = arith.addf %max3A_31, %add3A_33 : vector<1x128xf32>
    %sqrt3A_35 = math.sqrt %add3A_34 : vector<1x128xf32>
    %get3A_36 = arith.constant 0 : index
    %get3A_37 = arith.constant 0 : index
    %get3A_38 = arith.constant 0 : index
    %get3A_39 = vector.load %arg1[%get3A_36, %get3A_37, %get3A_38] : memref<1x1024x64xf32, #tpu.memory_space<vmem>>, vector<1x1024x64xf32>
    %get3A_40 = vector.shape_cast %get3A_39 : vector<1x1024x64xf32> to vector<1024x64xf32>
    %get3A_41 = arith.constant 0 : index
    %get3A_42 = arith.constant 0 : index
    %get3A_43 = arith.constant 0 : index
    %get3A_44 = vector.load %arg2[%get3A_41, %get3A_42, %get3A_43] : memref<1x1024x64xf32, #tpu.memory_space<vmem>>, vector<1x1024x64xf32>
    %get3A_45 = vector.shape_cast %get3A_44 : vector<1x1024x64xf32> to vector<1024x64xf32>
    %concatenate3A = tpu.concatenate %get3A_40, %get3A_45 in 1 : vector<1024x64xf32>, vector<1024x64xf32> -> vector<1024x128xf32>
    %get3A_46 = arith.constant 0 : index
    %get3A_47 = arith.constant 0 : index
    %get3A_48 = arith.constant 0 : index
    %get3A_49 = vector.load %arg3[%get3A_46, %get3A_47, %get3A_48] : memref<1x1024x64xf32, #tpu.memory_space<vmem>>, vector<1x1024x64xf32>
    %get3A_50 = vector.shape_cast %get3A_49 : vector<1x1024x64xf32> to vector<1024x64xf32>
    %get3A_51 = arith.constant 0 : index
    %get3A_52 = arith.constant 0 : index
    %get3A_53 = arith.constant 0 : index
    %get3A_54 = vector.load %arg4[%get3A_51, %get3A_52, %get3A_53] : memref<1x1024x64xf32, #tpu.memory_space<vmem>>, vector<1x1024x64xf32>
    %get3A_55 = vector.shape_cast %get3A_54 : vector<1x1024x64xf32> to vector<1024x64xf32>
    %concatenate3A_56 = tpu.concatenate %get3A_50, %get3A_55 in 1 : vector<1024x64xf32>, vector<1024x64xf32> -> vector<1024x128xf32>
    %get3A_57 = arith.constant 0 : index
    %get3A_58 = arith.constant 0 : index
    %get3A_59 = vector.load %arg9[%get3A_57, %get3A_58] : memref<128x128xf32, #tpu.memory_space<vmem>>, vector<128x128xf32>
    %dot_general3A = arith.constant dense<0.000000e+00> : vector<1024x128xf32>
    %dot_general3A_60 = tpu.matmul %concatenate3A, %get3A_59, %dot_general3A {dimension_numbers = #tpu.dot_dimension_numbers<[1], [0], [0], [1], [0, 0, 1, 1], [], []>, precision = #tpu.contract_precision<fp32>, transpose_lhs_hint = false} : vector<1024x128xf32>, vector<128x128xf32>, vector<1024x128xf32> -> vector<1024x128xf32>
    %get3A_61 = arith.constant 0 : index
    %get3A_62 = arith.constant 0 : index
    %get3A_63 = vector.load %arg10[%get3A_61, %get3A_62] : memref<1x128xf32, #tpu.memory_space<vmem>>, vector<1x128xf32>
    %add3A_64 = vector.broadcast %get3A_63 : vector<1x128xf32> to vector<1024x128xf32>
    %add3A_65 = arith.addf %dot_general3A_60, %add3A_64 : vector<1024x128xf32>
    %get3A_66 = arith.constant 0 : index
    %get3A_67 = arith.constant 0 : index
    %get3A_68 = vector.load %arg11[%get3A_66, %get3A_67] : memref<1x128xf32, #tpu.memory_space<vmem>>, vector<1x128xf32>
    %sub3A_69 = vector.broadcast %mul3A_3 : vector<1x128xf32> to vector<1024x128xf32>
    %sub3A_70 = arith.subf %add3A_65, %sub3A_69 : vector<1024x128xf32>
    %mul3A_71 = vector.broadcast %get3A_68 : vector<1x128xf32> to vector<1024x128xf32>
    %mul3A_72 = arith.mulf %mul3A_71, %sub3A_70 : vector<1024x128xf32>
    %div3A = vector.broadcast %sqrt3A : vector<1x128xf32> to vector<1024x128xf32>
    %div3A_73 = arith.divf %mul3A_72, %div3A : vector<1024x128xf32>
    %get3A_74 = arith.constant 0 : index
    %get3A_75 = arith.constant 0 : index
    %get3A_76 = vector.load %arg12[%get3A_74, %get3A_75] : memref<1x128xf32, #tpu.memory_space<vmem>>, vector<1x128xf32>
    %add3A_77 = vector.broadcast %get3A_76 : vector<1x128xf32> to vector<1024x128xf32>
    %add3A_78 = arith.addf %div3A_73, %add3A_77 : vector<1024x128xf32>
    %max3A_79 = arith.constant 0.000000e+00 : f32
    %max3A_80 = vector.broadcast %max3A_79 : f32 to vector<1024x128xf32>
    %max3A_81 = arith.maximumf %add3A_78, %max3A_80 : vector<1024x128xf32>
    %get3A_82 = arith.constant 0 : index
    %get3A_83 = arith.constant 0 : index
    %get3A_84 = vector.load %arg13[%get3A_82, %get3A_83] : memref<128x128xf32, #tpu.memory_space<vmem>>, vector<128x128xf32>
    %dot_general3A_85 = arith.constant dense<0.000000e+00> : vector<1024x128xf32>
    %dot_general3A_86 = tpu.matmul %max3A_81, %get3A_84, %dot_general3A_85 {dimension_numbers = #tpu.dot_dimension_numbers<[1], [0], [0], [1], [0, 0, 1, 1], [], []>, precision = #tpu.contract_precision<fp32>, transpose_lhs_hint = false} : vector<1024x128xf32>, vector<128x128xf32>, vector<1024x128xf32> -> vector<1024x128xf32>
    %get3A_87 = arith.constant 0 : index
    %get3A_88 = arith.constant 0 : index
    %get3A_89 = vector.load %arg14[%get3A_87, %get3A_88] : memref<1x128xf32, #tpu.memory_space<vmem>>, vector<1x128xf32>
    %add3A_90 = vector.broadcast %get3A_89 : vector<1x128xf32> to vector<1024x128xf32>
    %add3A_91 = arith.addf %dot_general3A_86, %add3A_90 : vector<1024x128xf32>
    %get3A_92 = arith.constant 0 : index
    %get3A_93 = arith.constant 0 : index
    %get3A_94 = vector.load %arg15[%get3A_92, %get3A_93] : memref<128x128xf32, #tpu.memory_space<vmem>>, vector<128x128xf32>
    %dot_general3A_95 = arith.constant dense<0.000000e+00> : vector<1024x128xf32>
    %dot_general3A_96 = tpu.matmul %concatenate3A_56, %get3A_94, %dot_general3A_95 {dimension_numbers = #tpu.dot_dimension_numbers<[1], [0], [0], [1], [0, 0, 1, 1], [], []>, precision = #tpu.contract_precision<fp32>, transpose_lhs_hint = false} : vector<1024x128xf32>, vector<128x128xf32>, vector<1024x128xf32> -> vector<1024x128xf32>
    %get3A_97 = arith.constant 0 : index
    %get3A_98 = arith.constant 0 : index
    %get3A_99 = vector.load %arg16[%get3A_97, %get3A_98] : memref<1x128xf32, #tpu.memory_space<vmem>>, vector<1x128xf32>
    %add3A_100 = vector.broadcast %get3A_99 : vector<1x128xf32> to vector<1024x128xf32>
    %add3A_101 = arith.addf %dot_general3A_96, %add3A_100 : vector<1024x128xf32>
    %get3A_102 = arith.constant 0 : index
    %get3A_103 = arith.constant 0 : index
    %get3A_104 = vector.load %arg17[%get3A_102, %get3A_103] : memref<1x128xf32, #tpu.memory_space<vmem>>, vector<1x128xf32>
    %sub3A_105 = vector.broadcast %mul3A_20 : vector<1x128xf32> to vector<1024x128xf32>
    %sub3A_106 = arith.subf %add3A_101, %sub3A_105 : vector<1024x128xf32>
    %mul3A_107 = vector.broadcast %get3A_104 : vector<1x128xf32> to vector<1024x128xf32>
    %mul3A_108 = arith.mulf %mul3A_107, %sub3A_106 : vector<1024x128xf32>
    %div3A_109 = vector.broadcast %sqrt3A_35 : vector<1x128xf32> to vector<1024x128xf32>
    %div3A_110 = arith.divf %mul3A_108, %div3A_109 : vector<1024x128xf32>
    %get3A_111 = arith.constant 0 : index
    %get3A_112 = arith.constant 0 : index
    %get3A_113 = vector.load %arg18[%get3A_111, %get3A_112] : memref<1x128xf32, #tpu.memory_space<vmem>>, vector<1x128xf32>
    %add3A_114 = vector.broadcast %get3A_113 : vector<1x128xf32> to vector<1024x128xf32>
    %add3A_115 = arith.addf %div3A_110, %add3A_114 : vector<1024x128xf32>
    %max3A_116 = arith.constant 0.000000e+00 : f32
    %max3A_117 = vector.broadcast %max3A_116 : f32 to vector<1024x128xf32>
    %max3A_118 = arith.maximumf %add3A_115, %max3A_117 : vector<1024x128xf32>
    %get3A_119 = arith.constant 0 : index
    %get3A_120 = arith.constant 0 : index
    %get3A_121 = vector.load %arg19[%get3A_119, %get3A_120] : memref<128x128xf32, #tpu.memory_space<vmem>>, vector<128x128xf32>
    %dot_general3A_122 = arith.constant dense<0.000000e+00> : vector<1024x128xf32>
    %dot_general3A_123 = tpu.matmul %max3A_118, %get3A_121, %dot_general3A_122 {dimension_numbers = #tpu.dot_dimension_numbers<[1], [0], [0], [1], [0, 0, 1, 1], [], []>, precision = #tpu.contract_precision<fp32>, transpose_lhs_hint = false} : vector<1024x128xf32>, vector<128x128xf32>, vector<1024x128xf32> -> vector<1024x128xf32>
    %get3A_124 = arith.constant 0 : index
    %get3A_125 = arith.constant 0 : index
    %get3A_126 = vector.load %arg20[%get3A_124, %get3A_125] : memref<1x128xf32, #tpu.memory_space<vmem>>, vector<1x128xf32>
    %add3A_127 = vector.broadcast %get3A_126 : vector<1x128xf32> to vector<1024x128xf32>
    %add3A_128 = arith.addf %dot_general3A_123, %add3A_127 : vector<1024x128xf32>
    %add3A_129 = arith.addf %add3A_91, %add3A_128 : vector<1024x128xf32>
    %max3A_130 = arith.constant 0.000000e+00 : f32
    %max3A_131 = vector.broadcast %max3A_130 : f32 to vector<1024x128xf32>
    %max3A_132 = arith.maximumf %add3A_129, %max3A_131 : vector<1024x128xf32>
    %slice3A = vector.extract_strided_slice %max3A_132 {offsets = [0, 0], sizes = [1024, 64], strides = [1, 1]} : vector<1024x128xf32> to vector<1024x64xf32>
    %swap3A = arith.constant 0 : index
    %swap3A_133 = arith.constant 0 : index
    %swap3A_134 = arith.constant 0 : index
    %swap3A_135 = vector.load %arg21[%swap3A, %swap3A_133, %swap3A_134] : memref<2x1024x64xf32, #tpu.memory_space<vmem>>, vector<1x1024x64xf32>
    %swap3A_136 = vector.shape_cast %swap3A_135 : vector<1x1024x64xf32> to vector<1024x64xf32>
    %swap3A_137 = vector.shape_cast %slice3A : vector<1024x64xf32> to vector<1x1024x64xf32>
    tpu.vector_store %arg21[%swap3A, %swap3A_133, %swap3A_134], %swap3A_137 {strides = array<i32>} : memref<2x1024x64xf32, #tpu.memory_space<vmem>>, vector<1x1024x64xf32>,
    %slice3A_138 = vector.extract_strided_slice %max3A_132 {offsets = [0, 64], sizes = [1024, 64], strides = [1, 1]} : vector<1024x128xf32> to vector<1024x64xf32>
    %swap3A_139 = arith.constant 1 : index
    %swap3A_140 = arith.constant 0 : index
    %swap3A_141 = arith.constant 0 : index
    %swap3A_142 = vector.load %arg21[%swap3A_139, %swap3A_140, %swap3A_141] : memref<2x1024x64xf32, #tpu.memory_space<vmem>>, vector<1x1024x64xf32>
    %swap3A_143 = vector.shape_cast %swap3A_142 : vector<1x1024x64xf32> to vector<1024x64xf32>
    %swap3A_144 = vector.shape_cast %slice3A_138 : vector<1024x64xf32> to vector<1x1024x64xf32>
    tpu.vector_store %arg21[%swap3A_139, %swap3A_140, %swap3A_141], %swap3A_144 {strides = array<i32>} : memref<2x1024x64xf32, #tpu.memory_space<vmem>>, vector<1x1024x64xf32>,
    return
  }
  func.func @transform_0(%arg0: i32) -> (i32, i32, i32) {
    %c0_i32 = arith.constant 0 : i32
    %c0_i32_0 = arith.constant 0 : i32
    %c0_i32_1 = arith.constant 0 : i32
    return %c0_i32, %arg0, %c0_i32_0 : i32, i32, i32
  }
  func.func @transform_1(%arg0: i32) -> (i32, i32, i32) {
    %c1_i32 = arith.constant 1 : i32
    %c0_i32 = arith.constant 0 : i32
    %c0_i32_0 = arith.constant 0 : i32
    return %c1_i32, %arg0, %c0_i32 : i32, i32, i32
  }
  func.func @transform_2(%arg0: i32) -> (i32, i32, i32) {
    %c0_i32 = arith.constant 0 : i32
    %c0_i32_0 = arith.constant 0 : i32
    %c0_i32_1 = arith.constant 0 : i32
    return %c0_i32, %arg0, %c0_i32_0 : i32, i32, i32
  }
  func.func @transform_3(%arg0: i32) -> (i32, i32, i32) {
    %c1_i32 = arith.constant 1 : i32
    %c0_i32 = arith.constant 0 : i32
    %c0_i32_0 = arith.constant 0 : i32
    return %c1_i32, %arg0, %c0_i32 : i32, i32, i32
  }
  func.func @transform_4(%arg0: i32) -> (i32, i32) {
    %c0_i32 = arith.constant 0 : i32
    %c0_i32_0 = arith.constant 0 : i32
    %c0_i32_1 = arith.constant 0 : i32
    return %c0_i32, %c0_i32_0 : i32, i32
  }
  func.func @transform_5(%arg0: i32) -> (i32, i32) {
    %c0_i32 = arith.constant 0 : i32
    %c0_i32_0 = arith.constant 0 : i32
    %c0_i32_1 = arith.constant 0 : i32
    return %c0_i32, %c0_i32_0 : i32, i32
  }
  func.func @transform_6(%arg0: i32) -> (i32, i32) {
    %c0_i32 = arith.constant 0 : i32
    %c0_i32_0 = arith.constant 0 : i32
    %c0_i32_1 = arith.constant 0 : i32
    return %c0_i32, %c0_i32_0 : i32, i32
  }
  func.func @transform_7(%arg0: i32) -> (i32, i32) {
    %c0_i32 = arith.constant 0 : i32
    %c0_i32_0 = arith.constant 0 : i32
    %c0_i32_1 = arith.constant 0 : i32
    return %c0_i32, %c0_i32_0 : i32, i32
  }
  func.func @transform_8(%arg0: i32) -> (i32, i32) {
    %c0_i32 = arith.constant 0 : i32
    %c0_i32_0 = arith.constant 0 : i32
    %c0_i32_1 = arith.constant 0 : i32
    return %c0_i32, %c0_i32_0 : i32, i32
  }
  func.func @transform_9(%arg0: i32) -> (i32, i32) {
    %c0_i32 = arith.constant 0 : i32
    %c0_i32_0 = arith.constant 0 : i32
    %c0_i32_1 = arith.constant 0 : i32
    return %c0_i32, %c0_i32_0 : i32, i32
  }
  func.func @transform_10(%arg0: i32) -> (i32, i32) {
    %c0_i32 = arith.constant 0 : i32
    %c0_i32_0 = arith.constant 0 : i32
    %c0_i32_1 = arith.constant 0 : i32
    return %c0_i32, %c0_i32_0 : i32, i32
  }
  func.func @transform_11(%arg0: i32) -> (i32, i32) {
    %c0_i32 = arith.constant 0 : i32
    %c0_i32_0 = arith.constant 0 : i32
    %c0_i32_1 = arith.constant 0 : i32
    return %c0_i32, %c0_i32_0 : i32, i32
  }
  func.func @transform_12(%arg0: i32) -> (i32, i32) {
    %c0_i32 = arith.constant 0 : i32
    %c0_i32_0 = arith.constant 0 : i32
    %c0_i32_1 = arith.constant 0 : i32
    return %c0_i32, %c0_i32_0 : i32, i32
  }
  func.func @transform_13(%arg0: i32) -> (i32, i32) {
    %c0_i32 = arith.constant 0 : i32
    %c0_i32_0 = arith.constant 0 : i32
    %c0_i32_1 = arith.constant 0 : i32
    return %c0_i32, %c0_i32_0 : i32, i32
  }
  func.func @transform_14(%arg0: i32) -> (i32, i32) {
    %c0_i32 = arith.constant 0 : i32
    %c0_i32_0 = arith.constant 0 : i32
    %c0_i32_1 = arith.constant 0 : i32
    return %c0_i32, %c0_i32_0 : i32, i32
  }
  func.func @transform_15(%arg0: i32) -> (i32, i32) {
    %c0_i32 = arith.constant 0 : i32
    %c0_i32_0 = arith.constant 0 : i32
    %c0_i32_1 = arith.constant 0 : i32
    return %c0_i32, %c0_i32_0 : i32, i32
  }
  func.func @transform_16(%arg0: i32) -> (i32, i32) {
    %c0_i32 = arith.constant 0 : i32
    %c0_i32_0 = arith.constant 0 : i32
    %c0_i32_1 = arith.constant 0 : i32
    return %c0_i32, %c0_i32_0 : i32, i32
  }
  func.func @transform_17(%arg0: i32) -> (i32, i32) {
    %c0_i32 = arith.constant 0 : i32
    %c0_i32_0 = arith.constant 0 : i32
    %c0_i32_1 = arith.constant 0 : i32
    return %c0_i32, %c0_i32_0 : i32, i32
  }
  func.func @transform_18(%arg0: i32) -> (i32, i32) {
    %c0_i32 = arith.constant 0 : i32
    %c0_i32_0 = arith.constant 0 : i32
    %c0_i32_1 = arith.constant 0 : i32
    return %c0_i32, %c0_i32_0 : i32, i32
  }
  func.func @transform_19(%arg0: i32) -> (i32, i32) {
    %c0_i32 = arith.constant 0 : i32
    %c0_i32_0 = arith.constant 0 : i32
    %c0_i32_1 = arith.constant 0 : i32
    return %c0_i32, %c0_i32_0 : i32, i32
  }
  func.func @transform_20(%arg0: i32) -> (i32, i32, i32) {
    %c0_i32 = arith.constant 0 : i32
    %c0_i32_0 = arith.constant 0 : i32
    %c0_i32_1 = arith.constant 0 : i32
    return %c0_i32, %arg0, %c0_i32_0 : i32, i32, i32
  }
}

module attributes {stable_mosaic.version = 14 : i64} {
  func.func @body(%arg0: memref<2x10240x64xf32, #tpu.memory_space<vmem>>, %arg1: memref<1x10240xi32, #tpu.memory_space<vmem>>, %arg2: memref<128x128xf32, #tpu.memory_space<vmem>>, %arg3: memref<1x128xf32, #tpu.memory_space<vmem>>, %arg4: memref<1x128xf32, #tpu.memory_space<vmem>>, %arg5: memref<1x128xf32, #tpu.memory_space<vmem>>, %arg6: memref<128x40xf32, #tpu.memory_space<vmem>>, %arg7: memref<1x40xf32, #tpu.memory_space<vmem>>, %arg8: memref<64x40xf32, #tpu.memory_space<vmem>>) attributes {dimension_semantics = [], scalar_prefetch = 0 : i64, scratch_operands = 0 : i64, tpu.core_type = #tpu.core_type<tc>} {
    %get3A = arith.constant 0 : index
    %get3A_0 = arith.constant 0 : index
    %get3A_1 = vector.load %arg1[%get3A, %get3A_0] : memref<1x10240xi32, #tpu.memory_space<vmem>>, vector<1x10240xi32>
    %iota3A = tpu.iota {dimensions = array<i32: 0>} : vector<64x10240xi32>
    %eq3A = vector.broadcast %get3A_1 : vector<1x10240xi32> to vector<64x10240xi32>
    %eq3A_2 = arith.cmpi eq, %iota3A, %eq3A : vector<64x10240xi32>
    %convert_element_type3A = arith.extui %eq3A_2 : vector<64x10240xi1> to vector<64x10240xi32>
    %convert_element_type3A_3 = arith.sitofp %convert_element_type3A : vector<64x10240xi32> to vector<64x10240xf32>
    %get3A_4 = arith.constant 0 : index
    %get3A_5 = arith.constant 0 : index
    %get3A_6 = arith.constant 0 : index
    %get3A_7 = vector.load %arg0[%get3A_4, %get3A_5, %get3A_6] : memref<2x10240x64xf32, #tpu.memory_space<vmem>>, vector<1x10240x64xf32>
    %get3A_8 = vector.shape_cast %get3A_7 : vector<1x10240x64xf32> to vector<10240x64xf32>
    %dot_general3A = arith.constant dense<0.000000e+00> : vector<64x64xf32>
    %dot_general3A_9 = tpu.matmul %convert_element_type3A_3, %get3A_8, %dot_general3A {dimension_numbers = #tpu.dot_dimension_numbers<[1], [0], [0], [1], [0, 0, 1, 1], [], []>, precision = #tpu.contract_precision<fp32>, transpose_lhs_hint = false} : vector<64x10240xf32>, vector<10240x64xf32>, vector<64x64xf32> -> vector<64x64xf32>
    %get3A_10 = arith.constant 1 : index
    %get3A_11 = arith.constant 0 : index
    %get3A_12 = arith.constant 0 : index
    %get3A_13 = vector.load %arg0[%get3A_10, %get3A_11, %get3A_12] : memref<2x10240x64xf32, #tpu.memory_space<vmem>>, vector<1x10240x64xf32>
    %get3A_14 = vector.shape_cast %get3A_13 : vector<1x10240x64xf32> to vector<10240x64xf32>
    %dot_general3A_15 = arith.constant dense<0.000000e+00> : vector<64x64xf32>
    %dot_general3A_16 = tpu.matmul %convert_element_type3A_3, %get3A_14, %dot_general3A_15 {dimension_numbers = #tpu.dot_dimension_numbers<[1], [0], [0], [1], [0, 0, 1, 1], [], []>, precision = #tpu.contract_precision<fp32>, transpose_lhs_hint = false} : vector<64x10240xf32>, vector<10240x64xf32>, vector<64x64xf32> -> vector<64x64xf32>
    %concatenate3A = tpu.concatenate %dot_general3A_9, %dot_general3A_16 in 1 : vector<64x64xf32>, vector<64x64xf32> -> vector<64x128xf32>
    %get3A_17 = arith.constant 0 : index
    %get3A_18 = arith.constant 0 : index
    %get3A_19 = vector.load %arg2[%get3A_17, %get3A_18] : memref<128x128xf32, #tpu.memory_space<vmem>>, vector<128x128xf32>
    %dot_general3A_20 = arith.constant dense<0.000000e+00> : vector<64x128xf32>
    %dot_general3A_21 = tpu.matmul %concatenate3A, %get3A_19, %dot_general3A_20 {dimension_numbers = #tpu.dot_dimension_numbers<[1], [0], [0], [1], [0, 0, 1, 1], [], []>, precision = #tpu.contract_precision<fp32>, transpose_lhs_hint = false} : vector<64x128xf32>, vector<128x128xf32>, vector<64x128xf32> -> vector<64x128xf32>
    %get3A_22 = arith.constant 0 : index
    %get3A_23 = arith.constant 0 : index
    %get3A_24 = vector.load %arg3[%get3A_22, %get3A_23] : memref<1x128xf32, #tpu.memory_space<vmem>>, vector<1x128xf32>
    %add3A = vector.broadcast %get3A_24 : vector<1x128xf32> to vector<64x128xf32>
    %add3A_25 = arith.addf %dot_general3A_21, %add3A : vector<64x128xf32>
    %reduce_sum3A = arith.constant dense<0.000000e+00> : vector<128xf32>
    %reduce_sum3A_26 = vector.multi_reduction <add>, %add3A_25, %reduce_sum3A [0] : vector<64x128xf32> to vector<128xf32>
    %broadcast_in_dim3A = vector.shape_cast %reduce_sum3A_26 : vector<128xf32> to vector<1x128xf32>
    %div3A = arith.constant 6.400000e+01 : f32
    %div3A_27 = vector.broadcast %div3A : f32 to vector<1x128xf32>
    %div3A_28 = arith.divf %broadcast_in_dim3A, %div3A_27 : vector<1x128xf32>
    %sub3A = vector.broadcast %div3A_28 : vector<1x128xf32> to vector<64x128xf32>
    %sub3A_29 = arith.subf %add3A_25, %sub3A : vector<64x128xf32>
    %integer_pow3A = arith.mulf %sub3A_29, %sub3A_29 : vector<64x128xf32>
    %reduce_sum3A_30 = arith.constant dense<0.000000e+00> : vector<128xf32>
    %reduce_sum3A_31 = vector.multi_reduction <add>, %integer_pow3A, %reduce_sum3A_30 [0] : vector<64x128xf32> to vector<128xf32>
    %broadcast_in_dim3A_32 = vector.shape_cast %reduce_sum3A_31 : vector<128xf32> to vector<1x128xf32>
    %div3A_33 = arith.constant 6.400000e+01 : f32
    %div3A_34 = vector.broadcast %div3A_33 : f32 to vector<1x128xf32>
    %div3A_35 = arith.divf %broadcast_in_dim3A_32, %div3A_34 : vector<1x128xf32>
    %get3A_36 = arith.constant 0 : index
    %get3A_37 = arith.constant 0 : index
    %get3A_38 = vector.load %arg4[%get3A_36, %get3A_37] : memref<1x128xf32, #tpu.memory_space<vmem>>, vector<1x128xf32>
    %sub3A_39 = vector.broadcast %div3A_28 : vector<1x128xf32> to vector<64x128xf32>
    %sub3A_40 = arith.subf %add3A_25, %sub3A_39 : vector<64x128xf32>
    %mul3A = vector.broadcast %get3A_38 : vector<1x128xf32> to vector<64x128xf32>
    %mul3A_41 = arith.mulf %mul3A, %sub3A_40 : vector<64x128xf32>
    %add3A_42 = arith.constant 9.99999974E-6 : f32
    %add3A_43 = vector.broadcast %add3A_42 : f32 to vector<1x128xf32>
    %add3A_44 = arith.addf %div3A_35, %add3A_43 : vector<1x128xf32>
    %sqrt3A = math.sqrt %add3A_44 : vector<1x128xf32>
    %div3A_45 = vector.broadcast %sqrt3A : vector<1x128xf32> to vector<64x128xf32>
    %div3A_46 = arith.divf %mul3A_41, %div3A_45 : vector<64x128xf32>
    %get3A_47 = arith.constant 0 : index
    %get3A_48 = arith.constant 0 : index
    %get3A_49 = vector.load %arg5[%get3A_47, %get3A_48] : memref<1x128xf32, #tpu.memory_space<vmem>>, vector<1x128xf32>
    %add3A_50 = vector.broadcast %get3A_49 : vector<1x128xf32> to vector<64x128xf32>
    %add3A_51 = arith.addf %div3A_46, %add3A_50 : vector<64x128xf32>
    %max3A = arith.constant 0.000000e+00 : f32
    %max3A_52 = vector.broadcast %max3A : f32 to vector<64x128xf32>
    %max3A_53 = arith.maximumf %add3A_51, %max3A_52 : vector<64x128xf32>
    %get3A_54 = arith.constant 0 : index
    %get3A_55 = arith.constant 0 : index
    %get3A_56 = vector.load %arg6[%get3A_54, %get3A_55] : memref<128x40xf32, #tpu.memory_space<vmem>>, vector<128x40xf32>
    %dot_general3A_57 = arith.constant dense<0.000000e+00> : vector<64x40xf32>
    %dot_general3A_58 = tpu.matmul %max3A_53, %get3A_56, %dot_general3A_57 {dimension_numbers = #tpu.dot_dimension_numbers<[1], [0], [0], [1], [0, 0, 1, 1], [], []>, precision = #tpu.contract_precision<fp32>, transpose_lhs_hint = false} : vector<64x128xf32>, vector<128x40xf32>, vector<64x40xf32> -> vector<64x40xf32>
    %get3A_59 = arith.constant 0 : index
    %get3A_60 = arith.constant 0 : index
    %get3A_61 = vector.load %arg7[%get3A_59, %get3A_60] : memref<1x40xf32, #tpu.memory_space<vmem>>, vector<1x40xf32>
    %add3A_62 = vector.broadcast %get3A_61 : vector<1x40xf32> to vector<64x40xf32>
    %add3A_63 = arith.addf %dot_general3A_58, %add3A_62 : vector<64x40xf32>
    %swap3A = arith.constant 0 : index
    %swap3A_64 = arith.constant 0 : index
    %swap3A_65 = vector.load %arg8[%swap3A, %swap3A_64] : memref<64x40xf32, #tpu.memory_space<vmem>>, vector<64x40xf32>
    tpu.vector_store %arg8[%swap3A, %swap3A_64], %add3A_63 {strides = array<i32>} : memref<64x40xf32, #tpu.memory_space<vmem>>, vector<64x40xf32>,
    return
  }
}

</mosaic_0001>

<sc_bundles>
// kernel: kernel.12.cloned.1.call-start
scs
__scs_entry_jumppad:
0x0: {  	(pc) =	sbr.rel $0x88, $3  }
0x1: {  	(tag) =	ssettag $0x0;
	lr =	simm.s32 $0x1  }
0x2: {  	[smem:$0x3F8C] =	sst lr;
	_ =	strace $0xD0000000  }
0x3: {  	_ = 	snop  }
0x4: {  	_ = 	snop  }
0x5: {  	_ = 	snop  }
0x6: {  	_ = 	snop  }
0x7: {  	_ = 	snop  }
__scs_overlays_trampoline_lowered:
0x8: {  	[smem:$0x3F9B] =	sst s0  }
0x9: {  	[smem:$0x3F9C] =	sst s1  }
0xa: {  	[smem:$0x3F9D] =	sst s2  }
0xb: {  	[smem:$0x3F9E] =	sst s3  }
0xc: {  	[smem:$0x3F9F] =	sst s4  }
0xd: {  	[smem:$0x3FA0] =	sst s5  }
0xe: {  	[smem:$0x3FA1] =	sst s6  }
0xf: {  	[smem:$0x3FA2] =	sst s7  }
0x10: {  	[smem:$0x3FA3] =	sst s8  }
0x11: {  	[smem:$0x3FA4] =	sst s9;
	s0 =	simm.s32 @!p0 $0x0  }
0x12: {  	s1 =	sld [smem:$0x3F8A];
	s0 =	simm.s32 @p0 $0x1  }
0x13: {  	[smem:$0x3FA5] =	sst s0;
	s0 =	simm.s32 @!p1 $0x0  }
0x14: {  	s2 =	sld [smem:$0x3F89];
	s0 =	simm.s32 @p1 $0x1  }
0x15: {  	[smem:$0x3FA6] =	sst s0;
	s0 =	simm.s32 @!p2 $0x0  }
0x16: {  	s3 =	sld [smem:$0x3FDB];
	s0 =	simm.s32 @p2 $0x1  }
0x17: {  	s4 =	simm.s32 $0x1BF5;
	[smem:$0x3FA8] =	sst s0  }
0x18: {  	s0 =	sld [smem:$0x3F8B];
	_ =	swait.ge [sflag:s4], $0x0  }
0x19: {  	s7 =	sld [smem:$0x3F8C]  }
0x1a: {  	s8 =	sadd.s32 $0xFFFFE003, lr  }
0x1b: {  	s9 =	sadd.s32 $0xFFFFFEF7, lr;
	s5 =	simm.s32 $0xFFFFFFFF;
	p2 =	slt.u32 s8, $0xFFFFF086  }
0x1c: {  	p1 =	slt.u32 s9, $0xF7A;
	s5 =	simm.s32 @!p2 $0x0  }
0x1d: {  	s5 =	simm.s32 @p1 $0x1;
	p0 =	seq.s32 s7, s2  }
0x1e: {  	s7 =	smul.u32 @!p0 $0xF7A, s2;
	p2 =	seq.s32 @!p0 s5, $0x0  }
0x1f: {  	s9 =	smul.u32 $0xF7A, s1;
	s8 =	simm.s32 @!p0 $0x1BF5;
	p2 =	por !p2, p0  }
0x20: {  	[sflag:s8] =	ssyncset.s32 @!p0 $0xFFFFF086;
	s6 =	sadd.s32 @!p0 s3, s7;
	s7 =	simm.s32 @!p0 $0x108  }
0x21: {  	s3 =	sadd.s32 s3, s9;
	s6 =	sadd.s32 @!p0 $0x88, s6;
	s7 =	simm.s32 @p2 $0x1082  }
0x22: {  	[simem:s7], [sflag:s8] =	dma.local @!p0 [hbm:s6], $0xF7A  }
0x23: {  	s9 =	sor.u32 $0xD0000000, s2;
	s6 =	simm.s32 $0x108;
	_ =	swait.ge @!p0 [sflag:s8], $0x0  }
0x24: {  	s3 =	sadd.s32 $0x88, s3;
	s6 =	simm.s32 @!p1 $0x1082;
	[sflag:s4] =	ssyncset.s32 $0xFFFFF086  }
0x25: {  	[simem:s6], [sflag:s4] =	dma.local [hbm:s3], $0xF7A  }
0x26: {  	[smem:$0x3F8C] =	sst s1;
	(tag) =	ssettag s2;
	_ =	strace s9  }
0x27: {  	s1 =	sld [smem:$0x3F9C]  }
0x28: {  	s2 =	sld [smem:$0x3F9D]  }
0x29: {  	s4 =	sld [smem:$0x3F9F]  }
0x2a: {  	p0 =	seq.s32 s5, $0x0;
	s5 =	sld [smem:$0x3FA0]  }
0x2b: {  	s6 =	sld [smem:$0x3FA1]  }
0x2c: {  	s7 =	sld [smem:$0x3FA2]  }
0x2d: {  	s3 =	simm.s32 $0x108;
	s8 =	sld [smem:$0x3FA3]  }
0x2e: {  	s3 =	simm.s32 @!p0 $0x1082;
	s9 =	sld [smem:$0x3FA4]  }
0x2f: {  	lr =	sadd.s32 s0, s3;
	s0 =	sld [smem:$0x3F9B]  }
0x30: {  	s3 =	sld [smem:$0x3F9E]  }
0x31: {  	[smem:$0x3FA7] =	sst s10  }
0x32: {  	s10 =	sld [smem:$0x3FA5];
	_ =	sdelay $0x3  }
0x33: {  	p0 =	seq.s32 s10, $0x1;
	s10 =	sld [smem:$0x3FA7];
	_ =	sdelay $0x3  }
0x34: {  	[smem:$0x3FA7] =	sst s10  }
0x35: {  	s10 =	sld [smem:$0x3FA6];
	_ =	sdelay $0x3  }
0x36: {  	p1 =	seq.s32 s10, $0x1;
	s10 =	sld [smem:$0x3FA7];
	_ =	sdelay $0x3  }
0x37: {  	[smem:$0x3FA7] =	sst s10  }
0x38: {  	s10 =	sld [smem:$0x3FA8]  }
0x39: {  	_ = 	snop;
	(pc) =	sbr.ind lr, $3  }
0x3a: {  	_ = 	snop  }
0x3b: {  	_ = 	snop  }
0x3c: {  	p2 =	seq.s32 s10, $0x1;
	s10 =	sld [smem:$0x3FA7]  }
0x3d: {  	_ =	shalt  }
0x3e: {  	_ =	shalt  }
0x3f: {  	_ =	shalt  }
0x40: {  	_ =	shalt  }
0x41: {  	_ =	shalt  }
0x42: {  	_ =	shalt  }
0x43: {  	_ =	shalt  }
0x44: {  	_ =	shalt  }
0x45: {  	_ =	shalt  }
0x46: {  	_ =	shalt  }
0x47: {  	_ =	shalt  }
0x48: {  	_ =	shalt  }
0x49: {  	_ =	shalt  }
0x4a: {  	_ =	shalt  }
0x4b: {  	_ =	shalt  }
0x4c: {  	_ =	shalt  }
0x4d: {  	_ =	shalt  }
0x4e: {  	_ =	shalt  }
0x4f: {  	_ =	shalt  }
0x50: {  	_ =	shalt  }
0x51: {  	_ =	shalt  }
0x52: {  	_ =	shalt  }
0x53: {  	_ =	shalt  }
0x54: {  	_ =	shalt  }
0x55: {  	_ =	shalt  }
0x56: {  	_ =	shalt  }
0x57: {  	_ =	shalt  }
0x58: {  	_ =	shalt  }
0x59: {  	_ =	shalt  }
0x5a: {  	_ =	shalt  }
0x5b: {  	_ =	shalt  }
0x5c: {  	_ =	shalt  }
0x5d: {  	_ =	shalt  }
0x5e: {  	_ =	shalt  }
0x5f: {  	_ =	shalt  }
0x60: {  	_ =	shalt  }
0x61: {  	_ =	shalt  }
0x62: {  	_ =	shalt  }
0x63: {  	_ =	shalt  }
0x64: {  	_ =	shalt  }
0x65: {  	_ =	shalt  }
0x66: {  	_ =	shalt  }
0x67: {  	_ =	shalt  }
0x68: {  	_ =	shalt  }
0x69: {  	_ =	shalt  }
0x6a: {  	_ =	shalt  }
0x6b: {  	_ =	shalt  }
0x6c: {  	_ =	shalt  }
0x6d: {  	_ =	shalt  }
0x6e: {  	_ =	shalt  }
0x6f: {  	_ =	shalt  }
0x70: {  	_ =	shalt  }
0x71: {  	_ =	shalt  }
0x72: {  	_ =	shalt  }
0x73: {  	_ =	shalt  }
0x74: {  	_ =	shalt  }
0x75: {  	_ =	shalt  }
0x76: {  	_ =	shalt  }
0x77: {  	_ =	shalt  }
0x78: {  	_ =	shalt  }
0x79: {  	_ =	shalt  }
0x7a: {  	_ =	shalt  }
0x7b: {  	_ =	shalt  }
0x7c: {  	_ =	shalt  }
0x7d: {  	_ =	shalt  }
0x7e: {  	_ =	shalt  }
0x7f: {  	_ =	shalt  }
0x80: {  	_ =	shalt  }
0x81: {  	_ =	shalt  }
0x82: {  	_ =	shalt  }
0x83: {  	_ =	shalt  }
0x84: {  	_ =	shalt  }
0x85: {  	_ =	shalt  }
0x86: {  	_ =	shalt  }
0x87: {  	_ =	shalt  }
.Lfunc_end0:
.L_simem_size_0:
called_computation_lowered:
.L_overlay_start_0:
0x88: {  	s2 =	sld [smem:$0x3FD9]  }
0x89: {  	s3 =	sld [smem:$0x3FFE];
	_ =	sdelay $0x1  }
0x8a: {  	s1 =	srdreg.scid  }
0x8b: {  	s0 =	sand.u32 $0x1, s1  }
0x8c: {  	s16 =	sshll.u32 s0, $0xA;
	s2 =	sadd.s32 s3, s2  }
0x8d: {  	s2 =	sadd.s32 s2, s16  }
0x8e: {  	[smem:$0x3FB3] =	sst s2  }
0x8f: {  	_ = 	snop  }
0x90: {  	(tm) =	ssettm $0x1  }
0x91: {  	s17 =	sld [smem:$0x3FFB];
	_ =	sdelay $0x3  }
0x92: {  	_ =	strace s17  }
0x93: {  	s2 =	sld [smem:$0x3FFC];
	_ =	sdelay $0x3  }
0x94: {  	_ =	strace s2  }
0x95: {  	s2 =	sld [smem:$0x3FFD];
	_ =	sdelay $0x3  }
0x96: {  	_ =	strace s2  }
0x97: {  	_ =	strace $0x8FFFFFFF  }
0x98: {  	s18 =	sld [smem:$0x3FDB];
	_ =	sdelay $0x1  }
0x99: {  	s19 =	simm.s32 $_scs_section_size  }
0x9a: {  	s4 =	simm.s32 $_size__tile_overlayer_lowered;
	s5 =	simm.s32 $_tile_overlayer_lowered  }
0x9b: {  	s22 =	simm.s32 $0x1BFF;
	s21 =	sshll.u32 s5, $0x1;
	s2 =	sadd.s32 s19, s18  }
0x9c: {  	s6 =	simm.s32 $0x0;
	s20 =	sshll.u32 s4, $0x1;
	s4 =	sadd.s32 s21, s2  }
0x9d: {  	[timem:s6], [sflag:s22] =	dma.local [hbm:s4], s20  }
0x9e: {  	_ =	swait.ge [sflag:s22], s20  }
0x9f: {  	s3 =	ssub.s32 $0x0, s20;
	[sflag:s22] =	ssyncset.done $0x0  }
0xa0: {  	[sflag:s22] =	ssyncadd.s32 s3;
	_ =	sdelay $0x1  }
0xa1: {  	s23 =	simm.s32 $0x1B8B  }
0xa2: {  	_ =	swait.ge [sflag:s23], $0x1  }
0xa3: {  	[sflag:s23] =	ssyncset.done $0x0  }
0xa4: {  	s25 =	simm.s32 $0x1B8E;
	s24 =	sld [smem:$0x3FFE];
	[sflag:s23] =	ssyncadd.s32 $0xFFFFFFFF  }
0xa5: {  	s26 =	simm.s32 $execute0_lowered;
	[smem:$0x3FD2] =	sst s25  }
0xa6: {  	s4 =	sshll.u32 s26, $0x1;
	_ =	strace $0x80000046;
	[dreg:$0x1] =	wrdreg $0xFFFFFFFF  }
0xa7: {  	s28 =	simm.s32 $_size_execute0_lowered;
	s2 =	sadd.s32 s2, s4;
	[dreg:$0x0] =	wrdreg $0x0  }
0xa8: {  	s4 =	sshll.u32 s28, $0x1;
	[dreg:$0x2] =	wrdreg s2  }
0xa9: {  	[dreg:$0x3] =	wrdreg s4  }
0xaa: {  	[dreg:$0x4] =	wrdreg $0xC0  }
0xab: {  	_ =	task [dreg:s6], $0x5FFFF  }
0xac: {  	[dreg:$0x1] =	wrdreg $0xFFFFFFFF  }
0xad: {  	[dreg:$0x0] =	wrdreg $0x60  }
0xae: {  	[dreg:$0x2] =	wrdreg s24  }
0xaf: {  	[dreg:$0x3] =	wrdreg $0xFE000  }
0xb0: {  	[dreg:$0x4] =	wrdreg $0x9  }
0xb1: {  	_ =	task.clear_ibuf [dreg:s6], $0x5FFFF;
	_ =	strace $0x90000046  }
0xb2: {  	s29 =	simm.s32 $0x9;
	_ =	strace $0x80000048  }
0xb3: {  	_ =	swait.ge [sflag:s29], $0x1  }
0xb4: {  	[sflag:s29] =	ssyncadd.s32 $0xFFFFFFFF  }
0xb5: {  	_ =	strace $0x90000048  }
0xb6: {  	_ =	sfence  }
0xb7: {  	s30 =	sld [smem:$0x0];
	_ =	sdelay $0x2  }
0xb8: {  	s31 =	sshll.u32 s1, $0xD;
	s1 =	sshrl.u32 s1, $0x2  }
0xb9: {  	s3 =	sand.u32 $0x4000, s31;
	s1 =	sadd.s32 s1, s30  }
0xba: {  	s0 =	sor.u32 s3, s0;
	s1 =	sshll.u32 s1, $0x11  }
0xbb: {  	s0 =	sor.u32 s1, s0  }
0xbc: {  	s0 =	sadd.s32 $0x8F2B, s0  }
0xbd: {  	[sflag:s0] =	ssyncadd.remote.s32 $0x1  }
0xbe: {  	_ =	sfence.sel $0xFFFF  }
0xbf: {  	[dreg:$0x0] =	wrdreg $0xFFFFFFFF;
	(pc) =	sbr.abs _section_cstart, $3  }
0xc0: {  	[dreg:$0x1] =	wrdreg $0xFFFFFFFF  }
0xc1: {  	_ =	task.clear_ibuf [dreg:s6], $0x2FFFF;
	_ =	strace $0x9FFFFFFF  }
0xc2: {  	(tm) =	ssettm $0x7FFFFFFF  }
0xc3: {  	_ =	shalt  }
tec
execute0_lowered:
.L_overlay_start_1:
0x0: {  	(tag) =	ssettag $0x1  }
0x1: {  	s5 =	rddreg [dreg:$0x0]  }
0x2: {  	s2 =	rddreg [dreg:$0x1]  }
0x3: {  	s0 =	rddreg [dreg:$0x2]  }
0x4: {  	s4 =	srdreg.scid;
	s1 =	stileid.u32;
	s3 =	simm.s32 $0x0  }
0x5: {  	s16 =	simm.s32 $0x4F00;
	s17 =	simm.s32 $0x80;
	s18 =	simm.s32 $0x9E00  }
0x6: {  	s19 =	simm.s32 $0xBE00;
	s20 =	simm.s32 $0x1;
	s7 =	smul.u32 $0x4F00, s1  }
0x7: {  	s21 =	simm.s32 $0x2;
	s22 =	simm.s32 $0x4E80;
	s9 =	smul.u32 $0xA000, s1  }
0x8: {  	s23 =	simm.s32 $0x9D00;
	s6 =	sand.u32 $0x1, s4;
	s11 =	smul.u32 $0x28000, s1  }
0x9: {  	s24 =	simm.s32 $0x9D80;
	[smem:$0x7FF] =	sst s3;
	s8 =	smul.u32 $0x4F000, s6  }
0xa: {  	s4 =	sadd.s32 $0x72200, s5;
	s10 =	smul.u32 $0xA0000, s6;
	s6 =	ssub.s32 $0x2, s6  }
0xb: {  	_ =	strace $0x80000047;
	s29 =	sshrl.u32 s11, $0x2;
	s30 =	sshrl.u32 s6, $0x1  }
0xc: {  	s8 =	sadd.s32 s7, s8;
	s7 =	sshrl.u32 s7, $0x3;
	s28 =	sadd.s32 s9, s10  }
0xd: {  	s31 =	sadd.s32 s29, s2;
	s15 =	ssub.s32 s6, s30;
	s8 =	sshrl.u32 s8, $0x3  }
0xe: {  	s13 =	sadd.s32 s7, s5;
	s7 =	sshrl.u32 s28, $0x3;
	s6 =	sadd.s32 $0x2000, s31  }
0xf: {  	s12 =	sadd.s32 s8, s5;
	s14 =	sadd.s32 s7, s5;
	s5 =	sadd.s32 s9, s2  }
0x10: {  	s7 =	sadd.s32 $0x4000, s31;
	s8 =	sadd.s32 $0x6000, s31;
	s9 =	sadd.s32 $0x8000, s31  }
0x11: {  	s11 =	sadd.s32 $0x4800, s13;
	s13 =	smax.u32 s15, $0x1;
	s15 =	simm.s32 $0x3  }
0x12: {  	v0 =	vimm.f32 $0.0e+00;
	s10 =	sadd.s32 $0xE600, s12;
	s12 =	sadd.s32 $0x9A200, s14;
	s14 =	simm.s32 $0xDE00  }
.LBB2_1:
0x13: {  	s26 =	simm.s32 $0x100;
	s25 =	simm.s32 $0x0  }
.LBB2_2:
0x14: {  	p0 =	sne.s32 s26, $0x7F00;
	[tilespmem:s25+$0xDE30] =	vst v0;
	s28 =	smov.u32 s26;
	s26 =	sadd.s32 $0x100, s26  }
.Ltmp0:
0x15: {  	[tilespmem:s25+$0xDE20] =	vst v0;
	(pc) =	sbr.rel @p0 .LBB2_2-.Ltmp0, $3  }
0x16: {  	[tilespmem:s25+$0xDE00] =	vst v0  }
0x17: {  	[tilespmem:s25+$0xDE10] =	vst v0;
	_ =	sdelay $0x1  }
0x18: {  	s25 =	sshra.s32 s28, $0x2  }
0x19: {  	[tilespmem:s25+$0xDE30] =	vst v0  }
0x1a: {  	[tilespmem:s25+$0xDE20] =	vst v0  }
0x1b: {  	[tilespmem:s25+$0xDE00] =	vst v0  }
0x1c: {  	[tilespmem:s25+$0xDE10] =	vst v0  }
0x1d: {  	[spmem:s5] =	stream.linear.scatter [tilespmem:s14], [sflag:$0x3], $0x2000, $0x38;
	[tilespmem:$0x19E00] =	vst v63  }
0x1e: {  	_ =	swait.ge [sflag:s15], $0x2000  }
0x1f: {  	[sflag:s15] =	ssyncset.done $0x0  }
0x20: {  	[sflag:s15] =	ssyncadd.s32 $0xFFFFE000  }
0x21: {  	[spmem:s6] =	stream.linear.scatter [tilespmem:s14], [sflag:$0x3], $0x2000, $0x38;
	[tilespmem:$0x19E00] =	vst v63  }
0x22: {  	_ =	swait.ge [sflag:s15], $0x2000  }
0x23: {  	[sflag:s15] =	ssyncset.done $0x0  }
0x24: {  	[sflag:s15] =	ssyncadd.s32 $0xFFFFE000  }
0x25: {  	[spmem:s7] =	stream.linear.scatter [tilespmem:s14], [sflag:$0x3], $0x2000, $0x38;
	[tilespmem:$0x19E00] =	vst v63  }
0x26: {  	_ =	swait.ge [sflag:s15], $0x2000  }
0x27: {  	[sflag:s15] =	ssyncset.done $0x0  }
0x28: {  	[sflag:s15] =	ssyncadd.s32 $0xFFFFE000  }
0x29: {  	[spmem:s8] =	stream.linear.scatter [tilespmem:s14], [sflag:$0x3], $0x2000, $0x38;
	[tilespmem:$0x19E00] =	vst v63  }
0x2a: {  	_ =	swait.ge [sflag:s15], $0x2000  }
0x2b: {  	[sflag:s15] =	ssyncset.done $0x0  }
0x2c: {  	[sflag:s15] =	ssyncadd.s32 $0xFFFFE000  }
0x2d: {  	[spmem:s9] =	stream.linear.scatter [tilespmem:s14], [sflag:$0x3], $0x2000, $0x38;
	[tilespmem:$0x19E00] =	vst v63  }
0x2e: {  	_ =	swait.ge [sflag:s15], $0x2000  }
0x2f: {  	[sflag:s15] =	ssyncset.done $0x0  }
0x30: {  	[sflag:s15] =	ssyncadd.s32 $0xFFFFE000  }
0x31: {  	s26 =	simm.s32 $0x0;
	[bflag:$0x0] =	sbarrier.arrive $0xFFFF  }
0x32: {  	[tilespmem:s26], [sflag:$0x3] =	stream.linear.gather [hbm4b:s10+s26], $0x4F00, $0x38;
	[tilespmem:$0x19E00] =	vst v63  }
0x33: {  	_ =	swait.ge [sflag:s15], $0x4F00  }
0x34: {  	[sflag:s15] =	ssyncset.done $0x0  }
0x35: {  	[sflag:s15] =	ssyncadd.s32 $0xFFFFB100  }
0x36: {  	[tilespmem:s16], [sflag:$0x3] =	stream.linear.gather [hbm4b:s11+s26], $0x4F00, $0x38;
	[tilespmem:$0x19E00] =	vst v63  }
0x37: {  	_ =	swait.ge [sflag:s15], $0x4F00  }
0x38: {  	[sflag:s15] =	ssyncset.done $0x0  }
0x39: {  	[sflag:s15] =	ssyncadd.s32 $0xFFFFB100  }
0x3a: {  	[tilespmem:s18], [sflag:$0x1] =	stream.indirect.gather [hbm4b:s4+s17], $0x40, s26, s17, $0xb8;
	[tilespmem:$0x19E00] =	vst v63  }
0x3b: {  	s28 =	simm.s32 $0x80  }
0x3c: {  	[tilespmem:s19], [sflag:$0x2] =	stream.indirect.gather [hbm4b:s4+s17], $0x40, s28, s17, $0xb8;
	[tilespmem:$0x19E00] =	vst v63  }
0x3d: {  	_ =	swait.ge [sflag:s20], $0x2000  }
0x3e: {  	[sflag:s20] =	ssyncset.done $0x0  }
0x3f: {  	s29 =	simm.s32 $0x4F00;
	[sflag:s20] =	ssyncadd.s32 $0xFFFFE000  }
0x40: {  	[spmem:s2] =	stream.indirect.scatter.add.f32 [tilespmem:s18], [sflag:$0x3], $0x40, s29, s17, $0xb8;
	[tilespmem:$0x19E00] =	vst v63  }
0x41: {  	_ =	swait.ge [sflag:s15], $0x2000  }
0x42: {  	[sflag:s15] =	ssyncset.done $0x0  }
0x43: {  	s30 =	simm.s32 $0x100;
	[sflag:s15] =	ssyncadd.s32 $0xFFFFE000  }
0x44: {  	[tilespmem:s18], [sflag:$0x1] =	stream.indirect.gather [hbm4b:s4+s17], $0x40, s30, s17, $0xb8;
	[tilespmem:$0x19E00] =	vst v63  }
0x45: {  	_ =	swait.ge [sflag:s21], $0x2000  }
0x46: {  	[sflag:s21] =	ssyncset.done $0x0  }
0x47: {  	s31 =	simm.s32 $0x4F80;
	[sflag:s21] =	ssyncadd.s32 $0xFFFFE000  }
0x48: {  	[spmem:s2] =	stream.indirect.scatter.add.f32 [tilespmem:s19], [sflag:$0x3], $0x40, s31, s17, $0xb8;
	[tilespmem:$0x19E00] =	vst v63  }
0x49: {  	_ =	swait.ge [sflag:s15], $0x2000  }
0x4a: {  	s25 =	simm.s32 $0x100;
	s26 =	simm.s32 $0x800;
	[sflag:s15] =	ssyncset.done $0x0  }
.LBB2_4:
0x4b: {  	s28 =	sadd.s32 $0x80, s25  }
0x4c: {  	[sflag:s15] =	ssyncadd.s32 $0xFFFFE000;
	s29 =	smov.u32 s26;
	s30 =	sadd.s32 $0x400, s26  }
0x4d: {  	[tilespmem:s19], [sflag:$0x2] =	stream.indirect.gather [hbm4b:s4+s17], $0x40, s28, s17, $0xb8;
	[tilespmem:$0x19E00] =	vst v63  }
0x4e: {  	p0 =	sne.s32 s26, $0x13400;
	_ =	swait.ge [sflag:s20], $0x2000  }
0x4f: {  	[sflag:s20] =	ssyncset.done $0x0  }
0x50: {  	s26 =	sadd.s32 $0x4F00, s25;
	[sflag:s20] =	ssyncadd.s32 $0xFFFFE000  }
0x51: {  	[spmem:s2] =	stream.indirect.scatter.add.f32 [tilespmem:s18], [sflag:$0x3], $0x40, s26, s17, $0xb8;
	[tilespmem:$0x19E00] =	vst v63  }
0x52: {  	_ =	swait.ge [sflag:s15], $0x2000  }
0x53: {  	[sflag:s15] =	ssyncset.done $0x0  }
0x54: {  	s26 =	sadd.s32 $0x100, s25;
	[sflag:s15] =	ssyncadd.s32 $0xFFFFE000  }
0x55: {  	[tilespmem:s18], [sflag:$0x1] =	stream.indirect.gather [hbm4b:s4+s17], $0x40, s26, s17, $0xb8;
	[tilespmem:$0x19E00] =	vst v63  }
0x56: {  	_ =	swait.ge [sflag:s21], $0x2000  }
.Ltmp1:
0x57: {  	[sflag:s21] =	ssyncset.done $0x0;
	(pc) =	sbr.rel @p0 .LBB2_4-.Ltmp1, $4  }
0x58: {  	s25 =	sadd.s32 $0x4F80, s25;
	[sflag:s21] =	ssyncadd.s32 $0xFFFFE000  }
0x59: {  	[spmem:s2] =	stream.indirect.scatter.add.f32 [tilespmem:s19], [sflag:$0x3], $0x40, s25, s17, $0xb8;
	[tilespmem:$0x19E00] =	vst v63  }
0x5a: {  	_ =	swait.ge [sflag:s15], $0x2000  }
0x5b: {  	s26 =	smov.u32 s30;
	s25 =	sshra.s32 s29, $0x2;
	[sflag:s15] =	ssyncset.done $0x0  }
0x5c: {  	s26 =	sadd.s32 $0x80, s25;
	[sflag:s15] =	ssyncadd.s32 $0xFFFFE000  }
0x5d: {  	[tilespmem:s19], [sflag:$0x2] =	stream.indirect.gather [hbm4b:s4+s17], $0x40, s26, s17, $0xb8;
	[tilespmem:$0x19E00] =	vst v63  }
0x5e: {  	_ =	swait.ge [sflag:s20], $0x2000  }
0x5f: {  	[sflag:s20] =	ssyncset.done $0x0  }
0x60: {  	s31 =	sadd.s32 $0x4F00, s25;
	[sflag:s20] =	ssyncadd.s32 $0xFFFFE000  }
0x61: {  	[spmem:s2] =	stream.indirect.scatter.add.f32 [tilespmem:s18], [sflag:$0x3], $0x40, s31, s17, $0xb8;
	[tilespmem:$0x19E00] =	vst v63  }
0x62: {  	_ =	swait.ge [sflag:s15], $0x2000  }
0x63: {  	[sflag:s15] =	ssyncset.done $0x0  }
0x64: {  	s28 =	sadd.s32 $0x100, s25;
	[sflag:s15] =	ssyncadd.s32 $0xFFFFE000  }
0x65: {  	[tilespmem:s18], [sflag:$0x1] =	stream.indirect.gather [hbm4b:s4+s17], $0x40, s28, s17, $0xb8;
	[tilespmem:$0x19E00] =	vst v63  }
0x66: {  	_ =	swait.ge [sflag:s21], $0x2000  }
0x67: {  	[sflag:s21] =	ssyncset.done $0x0  }
0x68: {  	s29 =	sadd.s32 $0x4F80, s25;
	[sflag:s21] =	ssyncadd.s32 $0xFFFFE000  }
0x69: {  	[spmem:s2] =	stream.indirect.scatter.add.f32 [tilespmem:s19], [sflag:$0x3], $0x40, s29, s17, $0xb8;
	[tilespmem:$0x19E00] =	vst v63  }
0x6a: {  	_ =	swait.ge [sflag:s15], $0x2000  }
0x6b: {  	[sflag:s15] =	ssyncset.done $0x0  }
0x6c: {  	[sflag:s15] =	ssyncadd.s32 $0xFFFFE000  }
0x6d: {  	[tilespmem:s19], [sflag:$0x2] =	stream.indirect.gather [hbm4b:s4+s17], $0x40, s22, s17, $0xb8;
	[tilespmem:$0x19E00] =	vst v63  }
0x6e: {  	_ =	swait.ge [sflag:s20], $0x2000  }
0x6f: {  	[sflag:s20] =	ssyncset.done $0x0  }
0x70: {  	[sflag:s20] =	ssyncadd.s32 $0xFFFFE000  }
0x71: {  	[spmem:s2] =	stream.indirect.scatter.add.f32 [tilespmem:s18], [sflag:$0x3], $0x40, s23, s17, $0xb8;
	[tilespmem:$0x19E00] =	vst v63  }
0x72: {  	_ =	swait.ge [sflag:s15], $0x2000  }
0x73: {  	[sflag:s15] =	ssyncset.done $0x0  }
0x74: {  	[sflag:s15] =	ssyncadd.s32 $0xFFFFE000  }
0x75: {  	_ =	swait.ge [sflag:s21], $0x2000  }
0x76: {  	[sflag:s21] =	ssyncset.done $0x0  }
0x77: {  	[sflag:s21] =	ssyncadd.s32 $0xFFFFE000  }
0x78: {  	[spmem:s2] =	stream.indirect.scatter.add.f32 [tilespmem:s19], [sflag:$0x3], $0x40, s24, s17, $0xb8;
	[tilespmem:$0x19E00] =	vst v63  }
0x79: {  	_ =	swait.ge [sflag:s15], $0x2000  }
0x7a: {  	s30 =	sshll.u32 s1, $0x6;
	s3 =	sadd.s32 $0x1, s3;
	[sflag:s15] =	ssyncset.done $0x0  }
0x7b: {  	s25 =	sor.u32 $0x1C03, s30;
	p0 =	sne.s32 s3, s13;
	[sflag:s15] =	ssyncadd.s32 $0xFFFFE000  }
.Ltmp2:
0x7c: {  	s31 =	sshrl.u32 s5, $0x3;
	[bflag:$0x0] =	sbarrier.arrive $0xFFFF;
	(pc) =	sbr.rel @p0 .LBB2_1-.Ltmp2, $4  }
0x7d: {  	[hbm:s12], [sflag:s25] =	dma.local [spmem:s31], $0x1400  }
0x7e: {  	_ =	swait.ge [sflag:s15], $0x1400  }
0x7f: {  	[sflag:s15] =	ssyncset.done $0x0  }
0x80: {  	[sflag:s15] =	ssyncadd.s32 $0xFFFFEC00  }
0x81: {  	_ =	sfence.sel $0x180000  }
0x82: {  	[bflag:$0x0] =	sbarrier.arrive $0xFFFF  }
0x83: {  	p0 =	sne.s32 s1, $0x0;
	_ =	strace $0x90000047  }
0x84: {  	s0 =	sadd.s32 @!p0 $0x100000, s0;
	[bflag:$0x2] =	sbarrier.arrive $0xFFFF  }
0x85: {  	[sflag:s0] =	ssyncadd.tile.s32 @!p0 $0x1;
	_ =	shalt  }
.Lfunc_end2:
_tile_overlayer_lowered:
.L_overlay_start_2:
0x86: {  	(tag) =	ssettag $0x2  }
0x87: {  	s0 =	rddreg [dreg:$0x0];
	s2 =	stileid.u32  }
0x88: {  	s1 =	rddreg [dreg:$0x1];
	p0 =	sne.s32 s2, $0x0  }
0x89: {  	s3 =	rddreg [dreg:$0x2];
	[bflag:$0x3] =	sbarrier.arrive $0xFFFF;
	s2 =	simm.s32 @!p0 $0x1C03  }
0x8a: {  	[timem:s3], [sflag:s2] =	dma.local @!p0 [hbm:s0], s1  }
0x8b: {  	s0 =	simm.s32 @!p0 $0x3  }
0x8c: {  	_ =	swait.ge @!p0 [sflag:s0], s1  }
0x8d: {  	s1 =	ssub.s32 @!p0 $0x0, s1;
	[sflag:s0] =	ssyncset.done @!p0 $0x0  }
0x8e: {  	[sflag:s0] =	ssyncadd.s32 @!p0 s1  }
0x8f: {  	[bflag:$0x3] =	sbarrier.arrive $0xFFFF  }
0x90: {  	_ =	shalt  }

// kernel: kernel.15.cloned.1.call-start
scs
__scs_entry_jumppad:
0x0: {  	(pc) =	sbr.rel $0x88, $3  }
0x1: {  	(tag) =	ssettag $0x0;
	lr =	simm.s32 $0x1  }
0x2: {  	[smem:$0x3F8C] =	sst lr;
	_ =	strace $0xD0000000  }
0x3: {  	_ = 	snop  }
0x4: {  	_ = 	snop  }
0x5: {  	_ = 	snop  }
0x6: {  	_ = 	snop  }
0x7: {  	_ = 	snop  }
__scs_overlays_trampoline_lowered:
0x8: {  	[smem:$0x3F9B] =	sst s0  }
0x9: {  	[smem:$0x3F9C] =	sst s1  }
0xa: {  	[smem:$0x3F9D] =	sst s2  }
0xb: {  	[smem:$0x3F9E] =	sst s3  }
0xc: {  	[smem:$0x3F9F] =	sst s4  }
0xd: {  	[smem:$0x3FA0] =	sst s5  }
0xe: {  	[smem:$0x3FA1] =	sst s6  }
0xf: {  	[smem:$0x3FA2] =	sst s7  }
0x10: {  	[smem:$0x3FA3] =	sst s8  }
0x11: {  	[smem:$0x3FA4] =	sst s9;
	s0 =	simm.s32 @!p0 $0x0  }
0x12: {  	s1 =	sld [smem:$0x3F8A];
	s0 =	simm.s32 @p0 $0x1  }
0x13: {  	[smem:$0x3FA5] =	sst s0;
	s0 =	simm.s32 @!p1 $0x0  }
0x14: {  	s2 =	sld [smem:$0x3F89];
	s0 =	simm.s32 @p1 $0x1  }
0x15: {  	[smem:$0x3FA6] =	sst s0;
	s0 =	simm.s32 @!p2 $0x0  }
0x16: {  	s3 =	sld [smem:$0x3FDB];
	s0 =	simm.s32 @p2 $0x1  }
0x17: {  	s4 =	simm.s32 $0x1BF5;
	[smem:$0x3FA8] =	sst s0  }
0x18: {  	s0 =	sld [smem:$0x3F8B];
	_ =	swait.ge [sflag:s4], $0x0  }
0x19: {  	s7 =	sld [smem:$0x3F8C]  }
0x1a: {  	s8 =	sadd.s32 $0xFFFFE003, lr  }
0x1b: {  	s9 =	sadd.s32 $0xFFFFFEF7, lr;
	s5 =	simm.s32 $0xFFFFFFFF;
	p2 =	slt.u32 s8, $0xFFFFF086  }
0x1c: {  	p1 =	slt.u32 s9, $0xF7A;
	s5 =	simm.s32 @!p2 $0x0  }
0x1d: {  	s5 =	simm.s32 @p1 $0x1;
	p0 =	seq.s32 s7, s2  }
0x1e: {  	s7 =	smul.u32 @!p0 $0xF7A, s2;
	p2 =	seq.s32 @!p0 s5, $0x0  }
0x1f: {  	s9 =	smul.u32 $0xF7A, s1;
	s8 =	simm.s32 @!p0 $0x1BF5;
	p2 =	por !p2, p0  }
0x20: {  	[sflag:s8] =	ssyncset.s32 @!p0 $0xFFFFF086;
	s6 =	sadd.s32 @!p0 s3, s7;
	s7 =	simm.s32 @!p0 $0x108  }
0x21: {  	s3 =	sadd.s32 s3, s9;
	s6 =	sadd.s32 @!p0 $0x88, s6;
	s7 =	simm.s32 @p2 $0x1082  }
0x22: {  	[simem:s7], [sflag:s8] =	dma.local @!p0 [hbm:s6], $0xF7A  }
0x23: {  	s9 =	sor.u32 $0xD0000000, s2;
	s6 =	simm.s32 $0x108;
	_ =	swait.ge @!p0 [sflag:s8], $0x0  }
0x24: {  	s3 =	sadd.s32 $0x88, s3;
	s6 =	simm.s32 @!p1 $0x1082;
	[sflag:s4] =	ssyncset.s32 $0xFFFFF086  }
0x25: {  	[simem:s6], [sflag:s4] =	dma.local [hbm:s3], $0xF7A  }
0x26: {  	[smem:$0x3F8C] =	sst s1;
	(tag) =	ssettag s2;
	_ =	strace s9  }
0x27: {  	s1 =	sld [smem:$0x3F9C]  }
0x28: {  	s2 =	sld [smem:$0x3F9D]  }
0x29: {  	s4 =	sld [smem:$0x3F9F]  }
0x2a: {  	p0 =	seq.s32 s5, $0x0;
	s5 =	sld [smem:$0x3FA0]  }
0x2b: {  	s6 =	sld [smem:$0x3FA1]  }
0x2c: {  	s7 =	sld [smem:$0x3FA2]  }
0x2d: {  	s3 =	simm.s32 $0x108;
	s8 =	sld [smem:$0x3FA3]  }
0x2e: {  	s3 =	simm.s32 @!p0 $0x1082;
	s9 =	sld [smem:$0x3FA4]  }
0x2f: {  	lr =	sadd.s32 s0, s3;
	s0 =	sld [smem:$0x3F9B]  }
0x30: {  	s3 =	sld [smem:$0x3F9E]  }
0x31: {  	[smem:$0x3FA7] =	sst s10  }
0x32: {  	s10 =	sld [smem:$0x3FA5];
	_ =	sdelay $0x3  }
0x33: {  	p0 =	seq.s32 s10, $0x1;
	s10 =	sld [smem:$0x3FA7];
	_ =	sdelay $0x3  }
0x34: {  	[smem:$0x3FA7] =	sst s10  }
0x35: {  	s10 =	sld [smem:$0x3FA6];
	_ =	sdelay $0x3  }
0x36: {  	p1 =	seq.s32 s10, $0x1;
	s10 =	sld [smem:$0x3FA7];
	_ =	sdelay $0x3  }
0x37: {  	[smem:$0x3FA7] =	sst s10  }
0x38: {  	s10 =	sld [smem:$0x3FA8]  }
0x39: {  	_ = 	snop;
	(pc) =	sbr.ind lr, $3  }
0x3a: {  	_ = 	snop  }
0x3b: {  	_ = 	snop  }
0x3c: {  	p2 =	seq.s32 s10, $0x1;
	s10 =	sld [smem:$0x3FA7]  }
0x3d: {  	_ =	shalt  }
0x3e: {  	_ =	shalt  }
0x3f: {  	_ =	shalt  }
0x40: {  	_ =	shalt  }
0x41: {  	_ =	shalt  }
0x42: {  	_ =	shalt  }
0x43: {  	_ =	shalt  }
0x44: {  	_ =	shalt  }
0x45: {  	_ =	shalt  }
0x46: {  	_ =	shalt  }
0x47: {  	_ =	shalt  }
0x48: {  	_ =	shalt  }
0x49: {  	_ =	shalt  }
0x4a: {  	_ =	shalt  }
0x4b: {  	_ =	shalt  }
0x4c: {  	_ =	shalt  }
0x4d: {  	_ =	shalt  }
0x4e: {  	_ =	shalt  }
0x4f: {  	_ =	shalt  }
0x50: {  	_ =	shalt  }
0x51: {  	_ =	shalt  }
0x52: {  	_ =	shalt  }
0x53: {  	_ =	shalt  }
0x54: {  	_ =	shalt  }
0x55: {  	_ =	shalt  }
0x56: {  	_ =	shalt  }
0x57: {  	_ =	shalt  }
0x58: {  	_ =	shalt  }
0x59: {  	_ =	shalt  }
0x5a: {  	_ =	shalt  }
0x5b: {  	_ =	shalt  }
0x5c: {  	_ =	shalt  }
0x5d: {  	_ =	shalt  }
0x5e: {  	_ =	shalt  }
0x5f: {  	_ =	shalt  }
0x60: {  	_ =	shalt  }
0x61: {  	_ =	shalt  }
0x62: {  	_ =	shalt  }
0x63: {  	_ =	shalt  }
0x64: {  	_ =	shalt  }
0x65: {  	_ =	shalt  }
0x66: {  	_ =	shalt  }
0x67: {  	_ =	shalt  }
0x68: {  	_ =	shalt  }
0x69: {  	_ =	shalt  }
0x6a: {  	_ =	shalt  }
0x6b: {  	_ =	shalt  }
0x6c: {  	_ =	shalt  }
0x6d: {  	_ =	shalt  }
0x6e: {  	_ =	shalt  }
0x6f: {  	_ =	shalt  }
0x70: {  	_ =	shalt  }
0x71: {  	_ =	shalt  }
0x72: {  	_ =	shalt  }
0x73: {  	_ =	shalt  }
0x74: {  	_ =	shalt  }
0x75: {  	_ =	shalt  }
0x76: {  	_ =	shalt  }
0x77: {  	_ =	shalt  }
0x78: {  	_ =	shalt  }
0x79: {  	_ =	shalt  }
0x7a: {  	_ =	shalt  }
0x7b: {  	_ =	shalt  }
0x7c: {  	_ =	shalt  }
0x7d: {  	_ =	shalt  }
0x7e: {  	_ =	shalt  }
0x7f: {  	_ =	shalt  }
0x80: {  	_ =	shalt  }
0x81: {  	_ =	shalt  }
0x82: {  	_ =	shalt  }
0x83: {  	_ =	shalt  }
0x84: {  	_ =	shalt  }
0x85: {  	_ =	shalt  }
0x86: {  	_ =	shalt  }
0x87: {  	_ =	shalt  }
.Lfunc_end0:
.L_simem_size_0:
called_computation.1_lowered:
.L_overlay_start_0:
0x88: {  	s2 =	sld [smem:$0x3FD9]  }
0x89: {  	s3 =	sld [smem:$0x3FFE];
	_ =	sdelay $0x1  }
0x8a: {  	s1 =	srdreg.scid  }
0x8b: {  	s0 =	sand.u32 $0x1, s1  }
0x8c: {  	s16 =	sshll.u32 s0, $0xA;
	s2 =	sadd.s32 s3, s2  }
0x8d: {  	s2 =	sadd.s32 s2, s16  }
0x8e: {  	[smem:$0x3FB3] =	sst s2  }
0x8f: {  	_ = 	snop  }
0x90: {  	(tm) =	ssettm $0x1  }
0x91: {  	s17 =	sld [smem:$0x3FFB];
	_ =	sdelay $0x3  }
0x92: {  	_ =	strace s17  }
0x93: {  	s2 =	sld [smem:$0x3FFC];
	_ =	sdelay $0x3  }
0x94: {  	_ =	strace s2  }
0x95: {  	s2 =	sld [smem:$0x3FFD];
	_ =	sdelay $0x3  }
0x96: {  	_ =	strace s2  }
0x97: {  	_ =	strace $0x8FFFFFFF  }
0x98: {  	s18 =	sld [smem:$0x3FDB];
	_ =	sdelay $0x1  }
0x99: {  	s19 =	simm.s32 $_scs_section_size  }
0x9a: {  	s4 =	simm.s32 $_size__tile_overlayer_lowered;
	s5 =	simm.s32 $_tile_overlayer_lowered  }
0x9b: {  	s22 =	simm.s32 $0x1BFF;
	s21 =	sshll.u32 s5, $0x1;
	s2 =	sadd.s32 s19, s18  }
0x9c: {  	s6 =	simm.s32 $0x0;
	s20 =	sshll.u32 s4, $0x1;
	s4 =	sadd.s32 s21, s2  }
0x9d: {  	[timem:s6], [sflag:s22] =	dma.local [hbm:s4], s20  }
0x9e: {  	_ =	swait.ge [sflag:s22], s20  }
0x9f: {  	s3 =	ssub.s32 $0x0, s20;
	[sflag:s22] =	ssyncset.done $0x0  }
0xa0: {  	[sflag:s22] =	ssyncadd.s32 s3;
	_ =	sdelay $0x1  }
0xa1: {  	s23 =	simm.s32 $0x1B8B  }
0xa2: {  	_ =	swait.ge [sflag:s23], $0x1  }
0xa3: {  	[sflag:s23] =	ssyncset.done $0x0  }
0xa4: {  	s25 =	simm.s32 $0x1B8E;
	s24 =	sld [smem:$0x3FFE];
	[sflag:s23] =	ssyncadd.s32 $0xFFFFFFFF  }
0xa5: {  	s26 =	simm.s32 $execute0_lowered;
	[smem:$0x3FD2] =	sst s25  }
0xa6: {  	s4 =	sshll.u32 s26, $0x1;
	_ =	strace $0x80000049;
	[dreg:$0x1] =	wrdreg $0xFFFFFFFF  }
0xa7: {  	s28 =	simm.s32 $_size_execute0_lowered;
	s2 =	sadd.s32 s2, s4;
	[dreg:$0x0] =	wrdreg $0x0  }
0xa8: {  	s4 =	sshll.u32 s28, $0x1;
	[dreg:$0x2] =	wrdreg s2  }
0xa9: {  	[dreg:$0x3] =	wrdreg s4  }
0xaa: {  	[dreg:$0x4] =	wrdreg $0xC0  }
0xab: {  	_ =	task [dreg:s6], $0x5FFFF  }
0xac: {  	[dreg:$0x1] =	wrdreg $0xFFFFFFFF  }
0xad: {  	[dreg:$0x0] =	wrdreg $0x60  }
0xae: {  	[dreg:$0x2] =	wrdreg s24  }
0xaf: {  	[dreg:$0x3] =	wrdreg $0xFE000  }
0xb0: {  	[dreg:$0x4] =	wrdreg $0x9  }
0xb1: {  	_ =	task.clear_ibuf [dreg:s6], $0x5FFFF;
	_ =	strace $0x90000049  }
0xb2: {  	s29 =	simm.s32 $0x9;
	_ =	strace $0x8000004B  }
0xb3: {  	_ =	swait.ge [sflag:s29], $0x1  }
0xb4: {  	[sflag:s29] =	ssyncadd.s32 $0xFFFFFFFF  }
0xb5: {  	_ =	strace $0x9000004B  }
0xb6: {  	_ =	sfence  }
0xb7: {  	s30 =	sld [smem:$0x0];
	_ =	sdelay $0x2  }
0xb8: {  	s31 =	sshll.u32 s1, $0xD;
	s1 =	sshrl.u32 s1, $0x2  }
0xb9: {  	s3 =	sand.u32 $0x4000, s31;
	s1 =	sadd.s32 s1, s30  }
0xba: {  	s0 =	sor.u32 s3, s0;
	s1 =	sshll.u32 s1, $0x11  }
0xbb: {  	s0 =	sor.u32 s1, s0  }
0xbc: {  	s0 =	sadd.s32 $0x8F2B, s0  }
0xbd: {  	[sflag:s0] =	ssyncadd.remote.s32 $0x1  }
0xbe: {  	_ =	sfence.sel $0xFFFF  }
0xbf: {  	[dreg:$0x0] =	wrdreg $0xFFFFFFFF;
	(pc) =	sbr.abs _section_cstart, $3  }
0xc0: {  	[dreg:$0x1] =	wrdreg $0xFFFFFFFF  }
0xc1: {  	_ =	task.clear_ibuf [dreg:s6], $0x2FFFF;
	_ =	strace $0x9FFFFFFF  }
0xc2: {  	(tm) =	ssettm $0x7FFFFFFF  }
0xc3: {  	_ =	shalt  }
tec
execute0_lowered:
.L_overlay_start_1:
0x0: {  	(tag) =	ssettag $0x1  }
0x1: {  	s5 =	rddreg [dreg:$0x0]  }
0x2: {  	s2 =	rddreg [dreg:$0x1]  }
0x3: {  	s0 =	rddreg [dreg:$0x2]  }
0x4: {  	s4 =	srdreg.scid;
	s1 =	stileid.u32;
	s3 =	simm.s32 $0x0  }
0x5: {  	s16 =	simm.s32 $0x4F00;
	s17 =	simm.s32 $0x80;
	s18 =	simm.s32 $0x9E00  }
0x6: {  	s19 =	simm.s32 $0xBE00;
	s20 =	simm.s32 $0x1;
	s7 =	smul.u32 $0x4F00, s1  }
0x7: {  	s21 =	simm.s32 $0x2;
	s22 =	simm.s32 $0x4E80;
	s9 =	smul.u32 $0xA000, s1  }
0x8: {  	s23 =	simm.s32 $0x9D00;
	s6 =	sand.u32 $0x1, s4;
	s11 =	smul.u32 $0x28000, s1  }
0x9: {  	s24 =	simm.s32 $0x9D80;
	[smem:$0x7FF] =	sst s3;
	s8 =	smul.u32 $0x4F000, s6  }
0xa: {  	s4 =	sadd.s32 $0x72200, s5;
	s10 =	smul.u32 $0xA0000, s6;
	s6 =	ssub.s32 $0x2, s6  }
0xb: {  	_ =	strace $0x8000004A;
	s29 =	sshrl.u32 s11, $0x2;
	s30 =	sshrl.u32 s6, $0x1  }
0xc: {  	s8 =	sadd.s32 s7, s8;
	s7 =	sshrl.u32 s7, $0x3;
	s28 =	sadd.s32 s9, s10  }
0xd: {  	s31 =	sadd.s32 s29, s2;
	s15 =	ssub.s32 s6, s30;
	s8 =	sshrl.u32 s8, $0x3  }
0xe: {  	s13 =	sadd.s32 s7, s5;
	s7 =	sshrl.u32 s28, $0x3;
	s6 =	sadd.s32 $0x2000, s31  }
0xf: {  	s12 =	sadd.s32 s8, s5;
	s14 =	sadd.s32 s7, s5;
	s5 =	sadd.s32 s9, s2  }
0x10: {  	s7 =	sadd.s32 $0x4000, s31;
	s8 =	sadd.s32 $0x6000, s31;
	s9 =	sadd.s32 $0x8000, s31  }
0x11: {  	s11 =	sadd.s32 $0x4800, s13;
	s13 =	smax.u32 s15, $0x1;
	s15 =	simm.s32 $0x3  }
0x12: {  	v0 =	vimm.f32 $0.0e+00;
	s10 =	sadd.s32 $0xE600, s12;
	s12 =	sadd.s32 $0x9A200, s14;
	s14 =	simm.s32 $0xDE00  }
.LBB2_1:
0x13: {  	s26 =	simm.s32 $0x100;
	s25 =	simm.s32 $0x0  }
.LBB2_2:
0x14: {  	p0 =	sne.s32 s26, $0x7F00;
	[tilespmem:s25+$0xDE30] =	vst v0;
	s28 =	smov.u32 s26;
	s26 =	sadd.s32 $0x100, s26  }
.Ltmp0:
0x15: {  	[tilespmem:s25+$0xDE20] =	vst v0;
	(pc) =	sbr.rel @p0 .LBB2_2-.Ltmp0, $3  }
0x16: {  	[tilespmem:s25+$0xDE00] =	vst v0  }
0x17: {  	[tilespmem:s25+$0xDE10] =	vst v0;
	_ =	sdelay $0x1  }
0x18: {  	s25 =	sshra.s32 s28, $0x2  }
0x19: {  	[tilespmem:s25+$0xDE30] =	vst v0  }
0x1a: {  	[tilespmem:s25+$0xDE20] =	vst v0  }
0x1b: {  	[tilespmem:s25+$0xDE00] =	vst v0  }
0x1c: {  	[tilespmem:s25+$0xDE10] =	vst v0  }
0x1d: {  	[spmem:s5] =	stream.linear.scatter [tilespmem:s14], [sflag:$0x3], $0x2000, $0x38;
	[tilespmem:$0x19E00] =	vst v63  }
0x1e: {  	_ =	swait.ge [sflag:s15], $0x2000  }
0x1f: {  	[sflag:s15] =	ssyncset.done $0x0  }
0x20: {  	[sflag:s15] =	ssyncadd.s32 $0xFFFFE000  }
0x21: {  	[spmem:s6] =	stream.linear.scatter [tilespmem:s14], [sflag:$0x3], $0x2000, $0x38;
	[tilespmem:$0x19E00] =	vst v63  }
0x22: {  	_ =	swait.ge [sflag:s15], $0x2000  }
0x23: {  	[sflag:s15] =	ssyncset.done $0x0  }
0x24: {  	[sflag:s15] =	ssyncadd.s32 $0xFFFFE000  }
0x25: {  	[spmem:s7] =	stream.linear.scatter [tilespmem:s14], [sflag:$0x3], $0x2000, $0x38;
	[tilespmem:$0x19E00] =	vst v63  }
0x26: {  	_ =	swait.ge [sflag:s15], $0x2000  }
0x27: {  	[sflag:s15] =	ssyncset.done $0x0  }
0x28: {  	[sflag:s15] =	ssyncadd.s32 $0xFFFFE000  }
0x29: {  	[spmem:s8] =	stream.linear.scatter [tilespmem:s14], [sflag:$0x3], $0x2000, $0x38;
	[tilespmem:$0x19E00] =	vst v63  }
0x2a: {  	_ =	swait.ge [sflag:s15], $0x2000  }
0x2b: {  	[sflag:s15] =	ssyncset.done $0x0  }
0x2c: {  	[sflag:s15] =	ssyncadd.s32 $0xFFFFE000  }
0x2d: {  	[spmem:s9] =	stream.linear.scatter [tilespmem:s14], [sflag:$0x3], $0x2000, $0x38;
	[tilespmem:$0x19E00] =	vst v63  }
0x2e: {  	_ =	swait.ge [sflag:s15], $0x2000  }
0x2f: {  	[sflag:s15] =	ssyncset.done $0x0  }
0x30: {  	[sflag:s15] =	ssyncadd.s32 $0xFFFFE000  }
0x31: {  	s26 =	simm.s32 $0x0;
	[bflag:$0x0] =	sbarrier.arrive $0xFFFF  }
0x32: {  	[tilespmem:s26], [sflag:$0x3] =	stream.linear.gather [hbm4b:s10+s26], $0x4F00, $0x38;
	[tilespmem:$0x19E00] =	vst v63  }
0x33: {  	_ =	swait.ge [sflag:s15], $0x4F00  }
0x34: {  	[sflag:s15] =	ssyncset.done $0x0  }
0x35: {  	[sflag:s15] =	ssyncadd.s32 $0xFFFFB100  }
0x36: {  	[tilespmem:s16], [sflag:$0x3] =	stream.linear.gather [hbm4b:s11+s26], $0x4F00, $0x38;
	[tilespmem:$0x19E00] =	vst v63  }
0x37: {  	_ =	swait.ge [sflag:s15], $0x4F00  }
0x38: {  	[sflag:s15] =	ssyncset.done $0x0  }
0x39: {  	[sflag:s15] =	ssyncadd.s32 $0xFFFFB100  }
0x3a: {  	[tilespmem:s18], [sflag:$0x1] =	stream.indirect.gather [hbm4b:s4+s17], $0x40, s26, s17, $0xb8;
	[tilespmem:$0x19E00] =	vst v63  }
0x3b: {  	s28 =	simm.s32 $0x80  }
0x3c: {  	[tilespmem:s19], [sflag:$0x2] =	stream.indirect.gather [hbm4b:s4+s17], $0x40, s28, s17, $0xb8;
	[tilespmem:$0x19E00] =	vst v63  }
0x3d: {  	_ =	swait.ge [sflag:s20], $0x2000  }
0x3e: {  	[sflag:s20] =	ssyncset.done $0x0  }
0x3f: {  	s29 =	simm.s32 $0x4F00;
	[sflag:s20] =	ssyncadd.s32 $0xFFFFE000  }
0x40: {  	[spmem:s2] =	stream.indirect.scatter.add.f32 [tilespmem:s18], [sflag:$0x3], $0x40, s29, s17, $0xb8;
	[tilespmem:$0x19E00] =	vst v63  }
0x41: {  	_ =	swait.ge [sflag:s15], $0x2000  }
0x42: {  	[sflag:s15] =	ssyncset.done $0x0  }
0x43: {  	s30 =	simm.s32 $0x100;
	[sflag:s15] =	ssyncadd.s32 $0xFFFFE000  }
0x44: {  	[tilespmem:s18], [sflag:$0x1] =	stream.indirect.gather [hbm4b:s4+s17], $0x40, s30, s17, $0xb8;
	[tilespmem:$0x19E00] =	vst v63  }
0x45: {  	_ =	swait.ge [sflag:s21], $0x2000  }
0x46: {  	[sflag:s21] =	ssyncset.done $0x0  }
0x47: {  	s31 =	simm.s32 $0x4F80;
	[sflag:s21] =	ssyncadd.s32 $0xFFFFE000  }
0x48: {  	[spmem:s2] =	stream.indirect.scatter.add.f32 [tilespmem:s19], [sflag:$0x3], $0x40, s31, s17, $0xb8;
	[tilespmem:$0x19E00] =	vst v63  }
0x49: {  	_ =	swait.ge [sflag:s15], $0x2000  }
0x4a: {  	s25 =	simm.s32 $0x100;
	s26 =	simm.s32 $0x800;
	[sflag:s15] =	ssyncset.done $0x0  }
.LBB2_4:
0x4b: {  	s28 =	sadd.s32 $0x80, s25  }
0x4c: {  	[sflag:s15] =	ssyncadd.s32 $0xFFFFE000;
	s29 =	smov.u32 s26;
	s30 =	sadd.s32 $0x400, s26  }
0x4d: {  	[tilespmem:s19], [sflag:$0x2] =	stream.indirect.gather [hbm4b:s4+s17], $0x40, s28, s17, $0xb8;
	[tilespmem:$0x19E00] =	vst v63  }
0x4e: {  	p0 =	sne.s32 s26, $0x13400;
	_ =	swait.ge [sflag:s20], $0x2000  }
0x4f: {  	[sflag:s20] =	ssyncset.done $0x0  }
0x50: {  	s26 =	sadd.s32 $0x4F00, s25;
	[sflag:s20] =	ssyncadd.s32 $0xFFFFE000  }
0x51: {  	[spmem:s2] =	stream.indirect.scatter.add.f32 [tilespmem:s18], [sflag:$0x3], $0x40, s26, s17, $0xb8;
	[tilespmem:$0x19E00] =	vst v63  }
0x52: {  	_ =	swait.ge [sflag:s15], $0x2000  }
0x53: {  	[sflag:s15] =	ssyncset.done $0x0  }
0x54: {  	s26 =	sadd.s32 $0x100, s25;
	[sflag:s15] =	ssyncadd.s32 $0xFFFFE000  }
0x55: {  	[tilespmem:s18], [sflag:$0x1] =	stream.indirect.gather [hbm4b:s4+s17], $0x40, s26, s17, $0xb8;
	[tilespmem:$0x19E00] =	vst v63  }
0x56: {  	_ =	swait.ge [sflag:s21], $0x2000  }
.Ltmp1:
0x57: {  	[sflag:s21] =	ssyncset.done $0x0;
	(pc) =	sbr.rel @p0 .LBB2_4-.Ltmp1, $4  }
0x58: {  	s25 =	sadd.s32 $0x4F80, s25;
	[sflag:s21] =	ssyncadd.s32 $0xFFFFE000  }
0x59: {  	[spmem:s2] =	stream.indirect.scatter.add.f32 [tilespmem:s19], [sflag:$0x3], $0x40, s25, s17, $0xb8;
	[tilespmem:$0x19E00] =	vst v63  }
0x5a: {  	_ =	swait.ge [sflag:s15], $0x2000  }
0x5b: {  	s26 =	smov.u32 s30;
	s25 =	sshra.s32 s29, $0x2;
	[sflag:s15] =	ssyncset.done $0x0  }
0x5c: {  	s26 =	sadd.s32 $0x80, s25;
	[sflag:s15] =	ssyncadd.s32 $0xFFFFE000  }
0x5d: {  	[tilespmem:s19], [sflag:$0x2] =	stream.indirect.gather [hbm4b:s4+s17], $0x40, s26, s17, $0xb8;
	[tilespmem:$0x19E00] =	vst v63  }
0x5e: {  	_ =	swait.ge [sflag:s20], $0x2000  }
0x5f: {  	[sflag:s20] =	ssyncset.done $0x0  }
0x60: {  	s31 =	sadd.s32 $0x4F00, s25;
	[sflag:s20] =	ssyncadd.s32 $0xFFFFE000  }
0x61: {  	[spmem:s2] =	stream.indirect.scatter.add.f32 [tilespmem:s18], [sflag:$0x3], $0x40, s31, s17, $0xb8;
	[tilespmem:$0x19E00] =	vst v63  }
0x62: {  	_ =	swait.ge [sflag:s15], $0x2000  }
0x63: {  	[sflag:s15] =	ssyncset.done $0x0  }
0x64: {  	s28 =	sadd.s32 $0x100, s25;
	[sflag:s15] =	ssyncadd.s32 $0xFFFFE000  }
0x65: {  	[tilespmem:s18], [sflag:$0x1] =	stream.indirect.gather [hbm4b:s4+s17], $0x40, s28, s17, $0xb8;
	[tilespmem:$0x19E00] =	vst v63  }
0x66: {  	_ =	swait.ge [sflag:s21], $0x2000  }
0x67: {  	[sflag:s21] =	ssyncset.done $0x0  }
0x68: {  	s29 =	sadd.s32 $0x4F80, s25;
	[sflag:s21] =	ssyncadd.s32 $0xFFFFE000  }
0x69: {  	[spmem:s2] =	stream.indirect.scatter.add.f32 [tilespmem:s19], [sflag:$0x3], $0x40, s29, s17, $0xb8;
	[tilespmem:$0x19E00] =	vst v63  }
0x6a: {  	_ =	swait.ge [sflag:s15], $0x2000  }
0x6b: {  	[sflag:s15] =	ssyncset.done $0x0  }
0x6c: {  	[sflag:s15] =	ssyncadd.s32 $0xFFFFE000  }
0x6d: {  	[tilespmem:s19], [sflag:$0x2] =	stream.indirect.gather [hbm4b:s4+s17], $0x40, s22, s17, $0xb8;
	[tilespmem:$0x19E00] =	vst v63  }
0x6e: {  	_ =	swait.ge [sflag:s20], $0x2000  }
0x6f: {  	[sflag:s20] =	ssyncset.done $0x0  }
0x70: {  	[sflag:s20] =	ssyncadd.s32 $0xFFFFE000  }
0x71: {  	[spmem:s2] =	stream.indirect.scatter.add.f32 [tilespmem:s18], [sflag:$0x3], $0x40, s23, s17, $0xb8;
	[tilespmem:$0x19E00] =	vst v63  }
0x72: {  	_ =	swait.ge [sflag:s15], $0x2000  }
0x73: {  	[sflag:s15] =	ssyncset.done $0x0  }
0x74: {  	[sflag:s15] =	ssyncadd.s32 $0xFFFFE000  }
0x75: {  	_ =	swait.ge [sflag:s21], $0x2000  }
0x76: {  	[sflag:s21] =	ssyncset.done $0x0  }
0x77: {  	[sflag:s21] =	ssyncadd.s32 $0xFFFFE000  }
0x78: {  	[spmem:s2] =	stream.indirect.scatter.add.f32 [tilespmem:s19], [sflag:$0x3], $0x40, s24, s17, $0xb8;
	[tilespmem:$0x19E00] =	vst v63  }
0x79: {  	_ =	swait.ge [sflag:s15], $0x2000  }
0x7a: {  	s30 =	sshll.u32 s1, $0x6;
	s3 =	sadd.s32 $0x1, s3;
	[sflag:s15] =	ssyncset.done $0x0  }
0x7b: {  	s25 =	sor.u32 $0x1C03, s30;
	p0 =	sne.s32 s3, s13;
	[sflag:s15] =	ssyncadd.s32 $0xFFFFE000  }
.Ltmp2:
0x7c: {  	s31 =	sshrl.u32 s5, $0x3;
	[bflag:$0x0] =	sbarrier.arrive $0xFFFF;
	(pc) =	sbr.rel @p0 .LBB2_1-.Ltmp2, $4  }
0x7d: {  	[hbm:s12], [sflag:s25] =	dma.local [spmem:s31], $0x1400  }
0x7e: {  	_ =	swait.ge [sflag:s15], $0x1400  }
0x7f: {  	[sflag:s15] =	ssyncset.done $0x0  }
0x80: {  	[sflag:s15] =	ssyncadd.s32 $0xFFFFEC00  }
0x81: {  	_ =	sfence.sel $0x180000  }
0x82: {  	[bflag:$0x0] =	sbarrier.arrive $0xFFFF  }
0x83: {  	p0 =	sne.s32 s1, $0x0;
	_ =	strace $0x9000004A  }
0x84: {  	s0 =	sadd.s32 @!p0 $0x100000, s0;
	[bflag:$0x2] =	sbarrier.arrive $0xFFFF  }
0x85: {  	[sflag:s0] =	ssyncadd.tile.s32 @!p0 $0x1;
	_ =	shalt  }
.Lfunc_end2:
_tile_overlayer_lowered:
.L_overlay_start_2:
0x86: {  	(tag) =	ssettag $0x2  }
0x87: {  	s0 =	rddreg [dreg:$0x0];
	s2 =	stileid.u32  }
0x88: {  	s1 =	rddreg [dreg:$0x1];
	p0 =	sne.s32 s2, $0x0  }
0x89: {  	s3 =	rddreg [dreg:$0x2];
	[bflag:$0x3] =	sbarrier.arrive $0xFFFF;
	s2 =	simm.s32 @!p0 $0x1C03  }
0x8a: {  	[timem:s3], [sflag:s2] =	dma.local @!p0 [hbm:s0], s1  }
0x8b: {  	s0 =	simm.s32 @!p0 $0x3  }
0x8c: {  	_ =	swait.ge @!p0 [sflag:s0], s1  }
0x8d: {  	s1 =	ssub.s32 @!p0 $0x0, s1;
	[sflag:s0] =	ssyncset.done @!p0 $0x0  }
0x8e: {  	[sflag:s0] =	ssyncadd.s32 @!p0 s1  }
0x8f: {  	[bflag:$0x3] =	sbarrier.arrive $0xFFFF  }
0x90: {  	_ =	shalt  }

// kernel: kernel.18.cloned.1.call-start
scs
__scs_entry_jumppad:
0x0: {  	(pc) =	sbr.rel $0x88, $3  }
0x1: {  	(tag) =	ssettag $0x0;
	lr =	simm.s32 $0x1  }
0x2: {  	[smem:$0x3F8C] =	sst lr;
	_ =	strace $0xD0000000  }
0x3: {  	_ = 	snop  }
0x4: {  	_ = 	snop  }
0x5: {  	_ = 	snop  }
0x6: {  	_ = 	snop  }
0x7: {  	_ = 	snop  }
__scs_overlays_trampoline_lowered:
0x8: {  	[smem:$0x3F9B] =	sst s0  }
0x9: {  	[smem:$0x3F9C] =	sst s1  }
0xa: {  	[smem:$0x3F9D] =	sst s2  }
0xb: {  	[smem:$0x3F9E] =	sst s3  }
0xc: {  	[smem:$0x3F9F] =	sst s4  }
0xd: {  	[smem:$0x3FA0] =	sst s5  }
0xe: {  	[smem:$0x3FA1] =	sst s6  }
0xf: {  	[smem:$0x3FA2] =	sst s7  }
0x10: {  	[smem:$0x3FA3] =	sst s8  }
0x11: {  	[smem:$0x3FA4] =	sst s9;
	s0 =	simm.s32 @!p0 $0x0  }
0x12: {  	s1 =	sld [smem:$0x3F8A];
	s0 =	simm.s32 @p0 $0x1  }
0x13: {  	[smem:$0x3FA5] =	sst s0;
	s0 =	simm.s32 @!p1 $0x0  }
0x14: {  	s2 =	sld [smem:$0x3F89];
	s0 =	simm.s32 @p1 $0x1  }
0x15: {  	[smem:$0x3FA6] =	sst s0;
	s0 =	simm.s32 @!p2 $0x0  }
0x16: {  	s3 =	sld [smem:$0x3FDB];
	s0 =	simm.s32 @p2 $0x1  }
0x17: {  	s4 =	simm.s32 $0x1BF5;
	[smem:$0x3FA8] =	sst s0  }
0x18: {  	s0 =	sld [smem:$0x3F8B];
	_ =	swait.ge [sflag:s4], $0x0  }
0x19: {  	s7 =	sld [smem:$0x3F8C]  }
0x1a: {  	s8 =	sadd.s32 $0xFFFFE003, lr  }
0x1b: {  	s9 =	sadd.s32 $0xFFFFFEF7, lr;
	s5 =	simm.s32 $0xFFFFFFFF;
	p2 =	slt.u32 s8, $0xFFFFF086  }
0x1c: {  	p1 =	slt.u32 s9, $0xF7A;
	s5 =	simm.s32 @!p2 $0x0  }
0x1d: {  	s5 =	simm.s32 @p1 $0x1;
	p0 =	seq.s32 s7, s2  }
0x1e: {  	s7 =	smul.u32 @!p0 $0xF7A, s2;
	p2 =	seq.s32 @!p0 s5, $0x0  }
0x1f: {  	s9 =	smul.u32 $0xF7A, s1;
	s8 =	simm.s32 @!p0 $0x1BF5;
	p2 =	por !p2, p0  }
0x20: {  	[sflag:s8] =	ssyncset.s32 @!p0 $0xFFFFF086;
	s6 =	sadd.s32 @!p0 s3, s7;
	s7 =	simm.s32 @!p0 $0x108  }
0x21: {  	s3 =	sadd.s32 s3, s9;
	s6 =	sadd.s32 @!p0 $0x88, s6;
	s7 =	simm.s32 @p2 $0x1082  }
0x22: {  	[simem:s7], [sflag:s8] =	dma.local @!p0 [hbm:s6], $0xF7A  }
0x23: {  	s9 =	sor.u32 $0xD0000000, s2;
	s6 =	simm.s32 $0x108;
	_ =	swait.ge @!p0 [sflag:s8], $0x0  }
0x24: {  	s3 =	sadd.s32 $0x88, s3;
	s6 =	simm.s32 @!p1 $0x1082;
	[sflag:s4] =	ssyncset.s32 $0xFFFFF086  }
0x25: {  	[simem:s6], [sflag:s4] =	dma.local [hbm:s3], $0xF7A  }
0x26: {  	[smem:$0x3F8C] =	sst s1;
	(tag) =	ssettag s2;
	_ =	strace s9  }
0x27: {  	s1 =	sld [smem:$0x3F9C]  }
0x28: {  	s2 =	sld [smem:$0x3F9D]  }
0x29: {  	s4 =	sld [smem:$0x3F9F]  }
0x2a: {  	p0 =	seq.s32 s5, $0x0;
	s5 =	sld [smem:$0x3FA0]  }
0x2b: {  	s6 =	sld [smem:$0x3FA1]  }
0x2c: {  	s7 =	sld [smem:$0x3FA2]  }
0x2d: {  	s3 =	simm.s32 $0x108;
	s8 =	sld [smem:$0x3FA3]  }
0x2e: {  	s3 =	simm.s32 @!p0 $0x1082;
	s9 =	sld [smem:$0x3FA4]  }
0x2f: {  	lr =	sadd.s32 s0, s3;
	s0 =	sld [smem:$0x3F9B]  }
0x30: {  	s3 =	sld [smem:$0x3F9E]  }
0x31: {  	[smem:$0x3FA7] =	sst s10  }
0x32: {  	s10 =	sld [smem:$0x3FA5];
	_ =	sdelay $0x3  }
0x33: {  	p0 =	seq.s32 s10, $0x1;
	s10 =	sld [smem:$0x3FA7];
	_ =	sdelay $0x3  }
0x34: {  	[smem:$0x3FA7] =	sst s10  }
0x35: {  	s10 =	sld [smem:$0x3FA6];
	_ =	sdelay $0x3  }
0x36: {  	p1 =	seq.s32 s10, $0x1;
	s10 =	sld [smem:$0x3FA7];
	_ =	sdelay $0x3  }
0x37: {  	[smem:$0x3FA7] =	sst s10  }
0x38: {  	s10 =	sld [smem:$0x3FA8]  }
0x39: {  	_ = 	snop;
	(pc) =	sbr.ind lr, $3  }
0x3a: {  	_ = 	snop  }
0x3b: {  	_ = 	snop  }
0x3c: {  	p2 =	seq.s32 s10, $0x1;
	s10 =	sld [smem:$0x3FA7]  }
0x3d: {  	_ =	shalt  }
0x3e: {  	_ =	shalt  }
0x3f: {  	_ =	shalt  }
0x40: {  	_ =	shalt  }
0x41: {  	_ =	shalt  }
0x42: {  	_ =	shalt  }
0x43: {  	_ =	shalt  }
0x44: {  	_ =	shalt  }
0x45: {  	_ =	shalt  }
0x46: {  	_ =	shalt  }
0x47: {  	_ =	shalt  }
0x48: {  	_ =	shalt  }
0x49: {  	_ =	shalt  }
0x4a: {  	_ =	shalt  }
0x4b: {  	_ =	shalt  }
0x4c: {  	_ =	shalt  }
0x4d: {  	_ =	shalt  }
0x4e: {  	_ =	shalt  }
0x4f: {  	_ =	shalt  }
0x50: {  	_ =	shalt  }
0x51: {  	_ =	shalt  }
0x52: {  	_ =	shalt  }
0x53: {  	_ =	shalt  }
0x54: {  	_ =	shalt  }
0x55: {  	_ =	shalt  }
0x56: {  	_ =	shalt  }
0x57: {  	_ =	shalt  }
0x58: {  	_ =	shalt  }
0x59: {  	_ =	shalt  }
0x5a: {  	_ =	shalt  }
0x5b: {  	_ =	shalt  }
0x5c: {  	_ =	shalt  }
0x5d: {  	_ =	shalt  }
0x5e: {  	_ =	shalt  }
0x5f: {  	_ =	shalt  }
0x60: {  	_ =	shalt  }
0x61: {  	_ =	shalt  }
0x62: {  	_ =	shalt  }
0x63: {  	_ =	shalt  }
0x64: {  	_ =	shalt  }
0x65: {  	_ =	shalt  }
0x66: {  	_ =	shalt  }
0x67: {  	_ =	shalt  }
0x68: {  	_ =	shalt  }
0x69: {  	_ =	shalt  }
0x6a: {  	_ =	shalt  }
0x6b: {  	_ =	shalt  }
0x6c: {  	_ =	shalt  }
0x6d: {  	_ =	shalt  }
0x6e: {  	_ =	shalt  }
0x6f: {  	_ =	shalt  }
0x70: {  	_ =	shalt  }
0x71: {  	_ =	shalt  }
0x72: {  	_ =	shalt  }
0x73: {  	_ =	shalt  }
0x74: {  	_ =	shalt  }
0x75: {  	_ =	shalt  }
0x76: {  	_ =	shalt  }
0x77: {  	_ =	shalt  }
0x78: {  	_ =	shalt  }
0x79: {  	_ =	shalt  }
0x7a: {  	_ =	shalt  }
0x7b: {  	_ =	shalt  }
0x7c: {  	_ =	shalt  }
0x7d: {  	_ =	shalt  }
0x7e: {  	_ =	shalt  }
0x7f: {  	_ =	shalt  }
0x80: {  	_ =	shalt  }
0x81: {  	_ =	shalt  }
0x82: {  	_ =	shalt  }
0x83: {  	_ =	shalt  }
0x84: {  	_ =	shalt  }
0x85: {  	_ =	shalt  }
0x86: {  	_ =	shalt  }
0x87: {  	_ =	shalt  }
.Lfunc_end0:
.L_simem_size_0:
called_computation.2_lowered:
.L_overlay_start_0:
0x88: {  	s2 =	sld [smem:$0x3FD9]  }
0x89: {  	s3 =	sld [smem:$0x3FFE];
	_ =	sdelay $0x1  }
0x8a: {  	s1 =	srdreg.scid  }
0x8b: {  	s0 =	sand.u32 $0x1, s1  }
0x8c: {  	s16 =	sshll.u32 s0, $0xA;
	s2 =	sadd.s32 s3, s2  }
0x8d: {  	s2 =	sadd.s32 s2, s16  }
0x8e: {  	[smem:$0x3FB3] =	sst s2  }
0x8f: {  	_ = 	snop  }
0x90: {  	(tm) =	ssettm $0x1  }
0x91: {  	s17 =	sld [smem:$0x3FFB];
	_ =	sdelay $0x3  }
0x92: {  	_ =	strace s17  }
0x93: {  	s2 =	sld [smem:$0x3FFC];
	_ =	sdelay $0x3  }
0x94: {  	_ =	strace s2  }
0x95: {  	s2 =	sld [smem:$0x3FFD];
	_ =	sdelay $0x3  }
0x96: {  	_ =	strace s2  }
0x97: {  	_ =	strace $0x8FFFFFFF  }
0x98: {  	s18 =	sld [smem:$0x3FDB];
	_ =	sdelay $0x1  }
0x99: {  	s19 =	simm.s32 $_scs_section_size  }
0x9a: {  	s4 =	simm.s32 $_size__tile_overlayer_lowered;
	s5 =	simm.s32 $_tile_overlayer_lowered  }
0x9b: {  	s22 =	simm.s32 $0x1BFF;
	s21 =	sshll.u32 s5, $0x1;
	s2 =	sadd.s32 s19, s18  }
0x9c: {  	s6 =	simm.s32 $0x0;
	s20 =	sshll.u32 s4, $0x1;
	s4 =	sadd.s32 s21, s2  }
0x9d: {  	[timem:s6], [sflag:s22] =	dma.local [hbm:s4], s20  }
0x9e: {  	_ =	swait.ge [sflag:s22], s20  }
0x9f: {  	s3 =	ssub.s32 $0x0, s20;
	[sflag:s22] =	ssyncset.done $0x0  }
0xa0: {  	[sflag:s22] =	ssyncadd.s32 s3;
	_ =	sdelay $0x1  }
0xa1: {  	s23 =	simm.s32 $0x1B8B  }
0xa2: {  	_ =	swait.ge [sflag:s23], $0x1  }
0xa3: {  	[sflag:s23] =	ssyncset.done $0x0  }
0xa4: {  	s25 =	simm.s32 $0x1B8E;
	s24 =	sld [smem:$0x3FFE];
	[sflag:s23] =	ssyncadd.s32 $0xFFFFFFFF  }
0xa5: {  	s26 =	simm.s32 $execute0_lowered;
	[smem:$0x3FD2] =	sst s25  }
0xa6: {  	s4 =	sshll.u32 s26, $0x1;
	_ =	strace $0x8000004C;
	[dreg:$0x1] =	wrdreg $0xFFFFFFFF  }
0xa7: {  	s28 =	simm.s32 $_size_execute0_lowered;
	s2 =	sadd.s32 s2, s4;
	[dreg:$0x0] =	wrdreg $0x0  }
0xa8: {  	s4 =	sshll.u32 s28, $0x1;
	[dreg:$0x2] =	wrdreg s2  }
0xa9: {  	[dreg:$0x3] =	wrdreg s4  }
0xaa: {  	[dreg:$0x4] =	wrdreg $0xC0  }
0xab: {  	_ =	task [dreg:s6], $0x5FFFF  }
0xac: {  	[dreg:$0x1] =	wrdreg $0xFFFFFFFF  }
0xad: {  	[dreg:$0x0] =	wrdreg $0x60  }
0xae: {  	[dreg:$0x2] =	wrdreg s24  }
0xaf: {  	[dreg:$0x3] =	wrdreg $0xFE000  }
0xb0: {  	[dreg:$0x4] =	wrdreg $0x9  }
0xb1: {  	_ =	task.clear_ibuf [dreg:s6], $0x5FFFF;
	_ =	strace $0x9000004C  }
0xb2: {  	s29 =	simm.s32 $0x9;
	_ =	strace $0x8000004E  }
0xb3: {  	_ =	swait.ge [sflag:s29], $0x1  }
0xb4: {  	[sflag:s29] =	ssyncadd.s32 $0xFFFFFFFF  }
0xb5: {  	_ =	strace $0x9000004E  }
0xb6: {  	_ =	sfence  }
0xb7: {  	s30 =	sld [smem:$0x0];
	_ =	sdelay $0x2  }
0xb8: {  	s31 =	sshll.u32 s1, $0xD;
	s1 =	sshrl.u32 s1, $0x2  }
0xb9: {  	s3 =	sand.u32 $0x4000, s31;
	s1 =	sadd.s32 s1, s30  }
0xba: {  	s0 =	sor.u32 s3, s0;
	s1 =	sshll.u32 s1, $0x11  }
0xbb: {  	s0 =	sor.u32 s1, s0  }
0xbc: {  	s0 =	sadd.s32 $0x8F2B, s0  }
0xbd: {  	[sflag:s0] =	ssyncadd.remote.s32 $0x1  }
0xbe: {  	_ =	sfence.sel $0xFFFF  }
0xbf: {  	[dreg:$0x0] =	wrdreg $0xFFFFFFFF;
	(pc) =	sbr.abs _section_cstart, $3  }
0xc0: {  	[dreg:$0x1] =	wrdreg $0xFFFFFFFF  }
0xc1: {  	_ =	task.clear_ibuf [dreg:s6], $0x2FFFF;
	_ =	strace $0x9FFFFFFF  }
0xc2: {  	(tm) =	ssettm $0x7FFFFFFF  }
0xc3: {  	_ =	shalt  }
tec
execute0_lowered:
.L_overlay_start_1:
0x0: {  	(tag) =	ssettag $0x1  }
0x1: {  	s5 =	rddreg [dreg:$0x0]  }
0x2: {  	s2 =	rddreg [dreg:$0x1]  }
0x3: {  	s0 =	rddreg [dreg:$0x2]  }
0x4: {  	s4 =	srdreg.scid;
	s1 =	stileid.u32;
	s3 =	simm.s32 $0x0  }
0x5: {  	s16 =	simm.s32 $0x4F00;
	s17 =	simm.s32 $0x80;
	s18 =	simm.s32 $0x9E00  }
0x6: {  	s19 =	simm.s32 $0xBE00;
	s20 =	simm.s32 $0x1;
	s7 =	smul.u32 $0x4F00, s1  }
0x7: {  	s21 =	simm.s32 $0x2;
	s22 =	simm.s32 $0x4E80;
	s9 =	smul.u32 $0xA000, s1  }
0x8: {  	s23 =	simm.s32 $0x9D00;
	s6 =	sand.u32 $0x1, s4;
	s11 =	smul.u32 $0x28000, s1  }
0x9: {  	s24 =	simm.s32 $0x9D80;
	[smem:$0x7FF] =	sst s3;
	s8 =	smul.u32 $0x4F000, s6  }
0xa: {  	s4 =	sadd.s32 $0x72200, s5;
	s10 =	smul.u32 $0xA0000, s6;
	s6 =	ssub.s32 $0x2, s6  }
0xb: {  	_ =	strace $0x8000004D;
	s29 =	sshrl.u32 s11, $0x2;
	s30 =	sshrl.u32 s6, $0x1  }
0xc: {  	s8 =	sadd.s32 s7, s8;
	s7 =	sshrl.u32 s7, $0x3;
	s28 =	sadd.s32 s9, s10  }
0xd: {  	s31 =	sadd.s32 s29, s2;
	s15 =	ssub.s32 s6, s30;
	s8 =	sshrl.u32 s8, $0x3  }
0xe: {  	s13 =	sadd.s32 s7, s5;
	s7 =	sshrl.u32 s28, $0x3;
	s6 =	sadd.s32 $0x2000, s31  }
0xf: {  	s12 =	sadd.s32 s8, s5;
	s14 =	sadd.s32 s7, s5;
	s5 =	sadd.s32 s9, s2  }
0x10: {  	s7 =	sadd.s32 $0x4000, s31;
	s8 =	sadd.s32 $0x6000, s31;
	s9 =	sadd.s32 $0x8000, s31  }
0x11: {  	s11 =	sadd.s32 $0x4800, s13;
	s13 =	smax.u32 s15, $0x1;
	s15 =	simm.s32 $0x3  }
0x12: {  	v0 =	vimm.f32 $0.0e+00;
	s10 =	sadd.s32 $0xE600, s12;
	s12 =	sadd.s32 $0x9A200, s14;
	s14 =	simm.s32 $0xDE00  }
.LBB2_1:
0x13: {  	s26 =	simm.s32 $0x100;
	s25 =	simm.s32 $0x0  }
.LBB2_2:
0x14: {  	p0 =	sne.s32 s26, $0x7F00;
	[tilespmem:s25+$0xDE30] =	vst v0;
	s28 =	smov.u32 s26;
	s26 =	sadd.s32 $0x100, s26  }
.Ltmp0:
0x15: {  	[tilespmem:s25+$0xDE20] =	vst v0;
	(pc) =	sbr.rel @p0 .LBB2_2-.Ltmp0, $3  }
0x16: {  	[tilespmem:s25+$0xDE00] =	vst v0  }
0x17: {  	[tilespmem:s25+$0xDE10] =	vst v0;
	_ =	sdelay $0x1  }
0x18: {  	s25 =	sshra.s32 s28, $0x2  }
0x19: {  	[tilespmem:s25+$0xDE30] =	vst v0  }
0x1a: {  	[tilespmem:s25+$0xDE20] =	vst v0  }
0x1b: {  	[tilespmem:s25+$0xDE00] =	vst v0  }
0x1c: {  	[tilespmem:s25+$0xDE10] =	vst v0  }
0x1d: {  	[spmem:s5] =	stream.linear.scatter [tilespmem:s14], [sflag:$0x3], $0x2000, $0x38;
	[tilespmem:$0x19E00] =	vst v63  }
0x1e: {  	_ =	swait.ge [sflag:s15], $0x2000  }
0x1f: {  	[sflag:s15] =	ssyncset.done $0x0  }
0x20: {  	[sflag:s15] =	ssyncadd.s32 $0xFFFFE000  }
0x21: {  	[spmem:s6] =	stream.linear.scatter [tilespmem:s14], [sflag:$0x3], $0x2000, $0x38;
	[tilespmem:$0x19E00] =	vst v63  }
0x22: {  	_ =	swait.ge [sflag:s15], $0x2000  }
0x23: {  	[sflag:s15] =	ssyncset.done $0x0  }
0x24: {  	[sflag:s15] =	ssyncadd.s32 $0xFFFFE000  }
0x25: {  	[spmem:s7] =	stream.linear.scatter [tilespmem:s14], [sflag:$0x3], $0x2000, $0x38;
	[tilespmem:$0x19E00] =	vst v63  }
0x26: {  	_ =	swait.ge [sflag:s15], $0x2000  }
0x27: {  	[sflag:s15] =	ssyncset.done $0x0  }
0x28: {  	[sflag:s15] =	ssyncadd.s32 $0xFFFFE000  }
0x29: {  	[spmem:s8] =	stream.linear.scatter [tilespmem:s14], [sflag:$0x3], $0x2000, $0x38;
	[tilespmem:$0x19E00] =	vst v63  }
0x2a: {  	_ =	swait.ge [sflag:s15], $0x2000  }
0x2b: {  	[sflag:s15] =	ssyncset.done $0x0  }
0x2c: {  	[sflag:s15] =	ssyncadd.s32 $0xFFFFE000  }
0x2d: {  	[spmem:s9] =	stream.linear.scatter [tilespmem:s14], [sflag:$0x3], $0x2000, $0x38;
	[tilespmem:$0x19E00] =	vst v63  }
0x2e: {  	_ =	swait.ge [sflag:s15], $0x2000  }
0x2f: {  	[sflag:s15] =	ssyncset.done $0x0  }
0x30: {  	[sflag:s15] =	ssyncadd.s32 $0xFFFFE000  }
0x31: {  	s26 =	simm.s32 $0x0;
	[bflag:$0x0] =	sbarrier.arrive $0xFFFF  }
0x32: {  	[tilespmem:s26], [sflag:$0x3] =	stream.linear.gather [hbm4b:s10+s26], $0x4F00, $0x38;
	[tilespmem:$0x19E00] =	vst v63  }
0x33: {  	_ =	swait.ge [sflag:s15], $0x4F00  }
0x34: {  	[sflag:s15] =	ssyncset.done $0x0  }
0x35: {  	[sflag:s15] =	ssyncadd.s32 $0xFFFFB100  }
0x36: {  	[tilespmem:s16], [sflag:$0x3] =	stream.linear.gather [hbm4b:s11+s26], $0x4F00, $0x38;
	[tilespmem:$0x19E00] =	vst v63  }
0x37: {  	_ =	swait.ge [sflag:s15], $0x4F00  }
0x38: {  	[sflag:s15] =	ssyncset.done $0x0  }
0x39: {  	[sflag:s15] =	ssyncadd.s32 $0xFFFFB100  }
0x3a: {  	[tilespmem:s18], [sflag:$0x1] =	stream.indirect.gather [hbm4b:s4+s17], $0x40, s26, s17, $0xb8;
	[tilespmem:$0x19E00] =	vst v63  }
0x3b: {  	s28 =	simm.s32 $0x80  }
0x3c: {  	[tilespmem:s19], [sflag:$0x2] =	stream.indirect.gather [hbm4b:s4+s17], $0x40, s28, s17, $0xb8;
	[tilespmem:$0x19E00] =	vst v63  }
0x3d: {  	_ =	swait.ge [sflag:s20], $0x2000  }
0x3e: {  	[sflag:s20] =	ssyncset.done $0x0  }
0x3f: {  	s29 =	simm.s32 $0x4F00;
	[sflag:s20] =	ssyncadd.s32 $0xFFFFE000  }
0x40: {  	[spmem:s2] =	stream.indirect.scatter.add.f32 [tilespmem:s18], [sflag:$0x3], $0x40, s29, s17, $0xb8;
	[tilespmem:$0x19E00] =	vst v63  }
0x41: {  	_ =	swait.ge [sflag:s15], $0x2000  }
0x42: {  	[sflag:s15] =	ssyncset.done $0x0  }
0x43: {  	s30 =	simm.s32 $0x100;
	[sflag:s15] =	ssyncadd.s32 $0xFFFFE000  }
0x44: {  	[tilespmem:s18], [sflag:$0x1] =	stream.indirect.gather [hbm4b:s4+s17], $0x40, s30, s17, $0xb8;
	[tilespmem:$0x19E00] =	vst v63  }
0x45: {  	_ =	swait.ge [sflag:s21], $0x2000  }
0x46: {  	[sflag:s21] =	ssyncset.done $0x0  }
0x47: {  	s31 =	simm.s32 $0x4F80;
	[sflag:s21] =	ssyncadd.s32 $0xFFFFE000  }
0x48: {  	[spmem:s2] =	stream.indirect.scatter.add.f32 [tilespmem:s19], [sflag:$0x3], $0x40, s31, s17, $0xb8;
	[tilespmem:$0x19E00] =	vst v63  }
0x49: {  	_ =	swait.ge [sflag:s15], $0x2000  }
0x4a: {  	s25 =	simm.s32 $0x100;
	s26 =	simm.s32 $0x800;
	[sflag:s15] =	ssyncset.done $0x0  }
.LBB2_4:
0x4b: {  	s28 =	sadd.s32 $0x80, s25  }
0x4c: {  	[sflag:s15] =	ssyncadd.s32 $0xFFFFE000;
	s29 =	smov.u32 s26;
	s30 =	sadd.s32 $0x400, s26  }
0x4d: {  	[tilespmem:s19], [sflag:$0x2] =	stream.indirect.gather [hbm4b:s4+s17], $0x40, s28, s17, $0xb8;
	[tilespmem:$0x19E00] =	vst v63  }
0x4e: {  	p0 =	sne.s32 s26, $0x13400;
	_ =	swait.ge [sflag:s20], $0x2000  }
0x4f: {  	[sflag:s20] =	ssyncset.done $0x0  }
0x50: {  	s26 =	sadd.s32 $0x4F00, s25;
	[sflag:s20] =	ssyncadd.s32 $0xFFFFE000  }
0x51: {  	[spmem:s2] =	stream.indirect.scatter.add.f32 [tilespmem:s18], [sflag:$0x3], $0x40, s26, s17, $0xb8;
	[tilespmem:$0x19E00] =	vst v63  }
0x52: {  	_ =	swait.ge [sflag:s15], $0x2000  }
0x53: {  	[sflag:s15] =	ssyncset.done $0x0  }
0x54: {  	s26 =	sadd.s32 $0x100, s25;
	[sflag:s15] =	ssyncadd.s32 $0xFFFFE000  }
0x55: {  	[tilespmem:s18], [sflag:$0x1] =	stream.indirect.gather [hbm4b:s4+s17], $0x40, s26, s17, $0xb8;
	[tilespmem:$0x19E00] =	vst v63  }
0x56: {  	_ =	swait.ge [sflag:s21], $0x2000  }
.Ltmp1:
0x57: {  	[sflag:s21] =	ssyncset.done $0x0;
	(pc) =	sbr.rel @p0 .LBB2_4-.Ltmp1, $4  }
0x58: {  	s25 =	sadd.s32 $0x4F80, s25;
	[sflag:s21] =	ssyncadd.s32 $0xFFFFE000  }
0x59: {  	[spmem:s2] =	stream.indirect.scatter.add.f32 [tilespmem:s19], [sflag:$0x3], $0x40, s25, s17, $0xb8;
	[tilespmem:$0x19E00] =	vst v63  }
0x5a: {  	_ =	swait.ge [sflag:s15], $0x2000  }
0x5b: {  	s26 =	smov.u32 s30;
	s25 =	sshra.s32 s29, $0x2;
	[sflag:s15] =	ssyncset.done $0x0  }
0x5c: {  	s26 =	sadd.s32 $0x80, s25;
	[sflag:s15] =	ssyncadd.s32 $0xFFFFE000  }
0x5d: {  	[tilespmem:s19], [sflag:$0x2] =	stream.indirect.gather [hbm4b:s4+s17], $0x40, s26, s17, $0xb8;
	[tilespmem:$0x19E00] =	vst v63  }
0x5e: {  	_ =	swait.ge [sflag:s20], $0x2000  }
0x5f: {  	[sflag:s20] =	ssyncset.done $0x0  }
0x60: {  	s31 =	sadd.s32 $0x4F00, s25;
	[sflag:s20] =	ssyncadd.s32 $0xFFFFE000  }
0x61: {  	[spmem:s2] =	stream.indirect.scatter.add.f32 [tilespmem:s18], [sflag:$0x3], $0x40, s31, s17, $0xb8;
	[tilespmem:$0x19E00] =	vst v63  }
0x62: {  	_ =	swait.ge [sflag:s15], $0x2000  }
0x63: {  	[sflag:s15] =	ssyncset.done $0x0  }
0x64: {  	s28 =	sadd.s32 $0x100, s25;
	[sflag:s15] =	ssyncadd.s32 $0xFFFFE000  }
0x65: {  	[tilespmem:s18], [sflag:$0x1] =	stream.indirect.gather [hbm4b:s4+s17], $0x40, s28, s17, $0xb8;
	[tilespmem:$0x19E00] =	vst v63  }
0x66: {  	_ =	swait.ge [sflag:s21], $0x2000  }
0x67: {  	[sflag:s21] =	ssyncset.done $0x0  }
0x68: {  	s29 =	sadd.s32 $0x4F80, s25;
	[sflag:s21] =	ssyncadd.s32 $0xFFFFE000  }
0x69: {  	[spmem:s2] =	stream.indirect.scatter.add.f32 [tilespmem:s19], [sflag:$0x3], $0x40, s29, s17, $0xb8;
	[tilespmem:$0x19E00] =	vst v63  }
0x6a: {  	_ =	swait.ge [sflag:s15], $0x2000  }
0x6b: {  	[sflag:s15] =	ssyncset.done $0x0  }
0x6c: {  	[sflag:s15] =	ssyncadd.s32 $0xFFFFE000  }
0x6d: {  	[tilespmem:s19], [sflag:$0x2] =	stream.indirect.gather [hbm4b:s4+s17], $0x40, s22, s17, $0xb8;
	[tilespmem:$0x19E00] =	vst v63  }
0x6e: {  	_ =	swait.ge [sflag:s20], $0x2000  }
0x6f: {  	[sflag:s20] =	ssyncset.done $0x0  }
0x70: {  	[sflag:s20] =	ssyncadd.s32 $0xFFFFE000  }
0x71: {  	[spmem:s2] =	stream.indirect.scatter.add.f32 [tilespmem:s18], [sflag:$0x3], $0x40, s23, s17, $0xb8;
	[tilespmem:$0x19E00] =	vst v63  }
0x72: {  	_ =	swait.ge [sflag:s15], $0x2000  }
0x73: {  	[sflag:s15] =	ssyncset.done $0x0  }
0x74: {  	[sflag:s15] =	ssyncadd.s32 $0xFFFFE000  }
0x75: {  	_ =	swait.ge [sflag:s21], $0x2000  }
0x76: {  	[sflag:s21] =	ssyncset.done $0x0  }
0x77: {  	[sflag:s21] =	ssyncadd.s32 $0xFFFFE000  }
0x78: {  	[spmem:s2] =	stream.indirect.scatter.add.f32 [tilespmem:s19], [sflag:$0x3], $0x40, s24, s17, $0xb8;
	[tilespmem:$0x19E00] =	vst v63  }
0x79: {  	_ =	swait.ge [sflag:s15], $0x2000  }
0x7a: {  	s30 =	sshll.u32 s1, $0x6;
	s3 =	sadd.s32 $0x1, s3;
	[sflag:s15] =	ssyncset.done $0x0  }
0x7b: {  	s25 =	sor.u32 $0x1C03, s30;
	p0 =	sne.s32 s3, s13;
	[sflag:s15] =	ssyncadd.s32 $0xFFFFE000  }
.Ltmp2:
0x7c: {  	s31 =	sshrl.u32 s5, $0x3;
	[bflag:$0x0] =	sbarrier.arrive $0xFFFF;
	(pc) =	sbr.rel @p0 .LBB2_1-.Ltmp2, $4  }
0x7d: {  	[hbm:s12], [sflag:s25] =	dma.local [spmem:s31], $0x1400  }
0x7e: {  	_ =	swait.ge [sflag:s15], $0x1400  }
0x7f: {  	[sflag:s15] =	ssyncset.done $0x0  }
0x80: {  	[sflag:s15] =	ssyncadd.s32 $0xFFFFEC00  }
0x81: {  	_ =	sfence.sel $0x180000  }
0x82: {  	[bflag:$0x0] =	sbarrier.arrive $0xFFFF  }
0x83: {  	p0 =	sne.s32 s1, $0x0;
	_ =	strace $0x9000004D  }
0x84: {  	s0 =	sadd.s32 @!p0 $0x100000, s0;
	[bflag:$0x2] =	sbarrier.arrive $0xFFFF  }
0x85: {  	[sflag:s0] =	ssyncadd.tile.s32 @!p0 $0x1;
	_ =	shalt  }
.Lfunc_end2:
_tile_overlayer_lowered:
.L_overlay_start_2:
0x86: {  	(tag) =	ssettag $0x2  }
0x87: {  	s0 =	rddreg [dreg:$0x0];
	s2 =	stileid.u32  }
0x88: {  	s1 =	rddreg [dreg:$0x1];
	p0 =	sne.s32 s2, $0x0  }
0x89: {  	s3 =	rddreg [dreg:$0x2];
	[bflag:$0x3] =	sbarrier.arrive $0xFFFF;
	s2 =	simm.s32 @!p0 $0x1C03  }
0x8a: {  	[timem:s3], [sflag:s2] =	dma.local @!p0 [hbm:s0], s1  }
0x8b: {  	s0 =	simm.s32 @!p0 $0x3  }
0x8c: {  	_ =	swait.ge @!p0 [sflag:s0], s1  }
0x8d: {  	s1 =	ssub.s32 @!p0 $0x0, s1;
	[sflag:s0] =	ssyncset.done @!p0 $0x0  }
0x8e: {  	[sflag:s0] =	ssyncadd.s32 @!p0 s1  }
0x8f: {  	[bflag:$0x3] =	sbarrier.arrive $0xFFFF  }
0x90: {  	_ =	shalt  }

</sc_bundles>
